<compile_context>
chip_gen: v7x
topology: tpu7x:2x2x1
jax: 0.10.2.dev20260603
libtpu: 0.0.44.dev20260713+nightly
codegen_flags: <defaults>
</compile_context>

<pallas_src>
import functools
import math

import jax
import jax.numpy as jnp
from jax import lax
from jax.experimental import pallas as pl
from jax.experimental.pallas import tpu as pltpu
from jax.experimental.pallas import tpu_sc as plsc

_D = 1024
_NG = 128
_CAP = 64
_SUB = 32
_SH = 7
_DP = 5
_NW = 32
_CHUNK = 64


def _gelu_exact(s):
    return 0.5 * s * (1.0 + jax.lax.erf(s * (1.0 / math.sqrt(2.0))))


def _dotT(lhs, rhs, prec=None):
    return jax.lax.dot_general(
        lhs, rhs, dimension_numbers=(((1,), (1,)), ((), ())),
        preferred_element_type=jnp.float32, precision=prec)


def _tc1_kernel(x_ref, w_sh_ref, m_ref, slot_ref, counts_ref):
    i = pl.program_id(0)

    @pl.when(i == 0)
    def _init():
        counts_ref[...] = jnp.zeros_like(counts_ref)

    bt = x_ref.shape[0]
    a = _dotT(x_ref[...], w_sh_ref[...],
              prec=jax.lax.Precision.HIGHEST)
    node = jnp.zeros((bt, 1), jnp.int32)
    m = jnp.zeros((bt, _NG), jnp.float32)
    lane = jax.lax.broadcasted_iota(jnp.int32, (bt, _NG), 1)
    for _ in range(_SH):
        mask = lane == node
        s = jnp.sum(jnp.where(mask, a, 0.0), axis=1, keepdims=True)
        m = m + jnp.where(mask, _gelu_exact(s), 0.0)
        node = node * 2 + 1 + (s >= 0.0).astype(jnp.int32)
    m_ref[...] = m

    gid = node - (_NG - 1)
    oh = (lane == gid).astype(jnp.float32)
    r_i = jax.lax.broadcasted_iota(jnp.int32, (bt, bt), 0)
    c_i = jax.lax.broadcasted_iota(jnp.int32, (bt, bt), 1)
    tri = (c_i < r_i).astype(jnp.float32)
    before = jax.lax.dot_general(
        tri, oh, (((1,), (0,)), ((), ())),
        preferred_element_type=jnp.float32)
    rank = jnp.sum((before + counts_ref[0:1, :]) * oh, axis=1, keepdims=True)
    counts_ref[0:1, :] += jnp.sum(oh, axis=0, keepdims=True)
    slot = gid * _CAP + jnp.minimum(rank.astype(jnp.int32), _CAP - 1)
    eye = (r_i == c_i).astype(jnp.int32)
    slot_t = jnp.sum(slot * eye, axis=0, keepdims=True)
    slot_ref[0] = slot_t


_GB = 8


def _tc2_kernel(xp_ref, wsub_ref, wout_ref, y_ref):
    lane = jax.lax.broadcasted_iota(jnp.int32, (_CAP, _SUB), 1)
    for g in range(_GB):
        xb = xp_ref[g * _CAP:(g + 1) * _CAP, :]
        a = _dotT(xb, wsub_ref[g],
                  prec=jax.lax.Precision.HIGHEST)
        j = jnp.zeros((_CAP, 1), jnp.int32)
        m = jnp.zeros((_CAP, _SUB), jnp.float32)
        for d in range(_DP):
            col = ((1 << d) - 1) + j
            mask = lane == col
            s = jnp.sum(jnp.where(mask, a, 0.0), axis=1, keepdims=True)
            m = m + jnp.where(mask, _gelu_exact(s), 0.0)
            j = j * 2 + (s >= 0.0).astype(jnp.int32)
        y_ref[g * _CAP:(g + 1) * _CAP, :] = jax.lax.dot_general(
            m, wout_ref[g], (((1,), (0,)), ((), ())),
            preferred_element_type=jnp.float32)


def _tc3_kernel(m_ref, w128_ref, y_ref, out_ref):
    out_ref[...] = _dotT(m_ref[...], w128_ref[...]) + y_ref[...]


@functools.lru_cache(maxsize=None)
def _sc_kernels():
    mesh = plsc.VectorSubcoreMesh(core_axis_name="c", subcore_axis_name="s")
    scratch = [
        pltpu.VMEM((_CHUNK,), jnp.int32),
        pltpu.VMEM((_CHUNK, _D), jnp.float32),
        pltpu.SemaphoreType.DMA,
    ]

    @functools.partial(
        pl.kernel, mesh=mesh,
        out_type=jax.ShapeDtypeStruct((_NG * _CAP, _D), jnp.float32),
        scratch_types=scratch,
    )
    def scatter_k(x_hbm, slot_hbm, xpad_hbm, idx_v, rows_v, sem):
        wid = lax.axis_index("s") * 2 + lax.axis_index("c")
        row = wid // 2
        coff = (wid % 2) * 128
        for jc in range(128 // _CHUNK):
            base = wid * 128 + jc * _CHUNK
            pltpu.sync_copy(
                slot_hbm.at[row, 0, pl.ds(coff + jc * _CHUNK, _CHUNK)], idx_v)
            pltpu.sync_copy(x_hbm.at[pl.ds(base, _CHUNK)], rows_v)
            pltpu.async_copy(rows_v, xpad_hbm.at[idx_v], sem).wait()

    @functools.partial(
        pl.kernel, mesh=mesh,
        out_type=jax.ShapeDtypeStruct((_NW * 128, _D), jnp.float32),
        scratch_types=scratch,
    )
    def gather_k(ypad_hbm, slot_hbm, y_hbm, idx_v, rows_v, sem):
        wid = lax.axis_index("s") * 2 + lax.axis_index("c")
        row = wid // 2
        coff = (wid % 2) * 128
        for jc in range(128 // _CHUNK):
            base = wid * 128 + jc * _CHUNK
            pltpu.sync_copy(
                slot_hbm.at[row, 0, pl.ds(coff + jc * _CHUNK, _CHUNK)], idx_v)
            pltpu.async_copy(ypad_hbm.at[idx_v], rows_v, sem).wait()
            pltpu.sync_copy(rows_v, y_hbm.at[pl.ds(base, _CHUNK)])

    return scatter_k, gather_k


def _sc_scatter(x_flat, slot3):
    return _sc_kernels()[0](x_flat, slot3)


def _sc_gather(ypad, slot3):
    return _sc_kernels()[1](ypad, slot3)


def kernel(x, W_in, W_out):
    _BISECT = 'B'
    b, s, d = x.shape
    n_tok = b * s
    bt = 256
    x_flat = x.reshape(n_tok, d)

    m_sh, slot3 = pl.pallas_call(
        _tc1_kernel,
        grid=(n_tok // bt,),
        in_specs=[
            pl.BlockSpec((bt, d), lambda i: (i, 0)),
            pl.BlockSpec((_NG, d), lambda i: (0, 0)),
        ],
        out_specs=[
            pl.BlockSpec((bt, _NG), lambda i: (i, 0)),
            pl.BlockSpec((1, 1, bt), lambda i: (i, 0, 0)),
        ],
        out_shape=[
            jax.ShapeDtypeStruct((n_tok, _NG), jnp.float32),
            jax.ShapeDtypeStruct((n_tok // bt, 1, bt), jnp.int32),
        ],
        scratch_shapes=[pltpu.VMEM((8, _NG), jnp.float32)],
    )(x_flat, W_in)

    def subtree(tab):
        parts = [tab[(1 << (7 + dd)) - 1:(1 << (8 + dd)) - 1]
                 .reshape(_NG, 1 << dd, d) for dd in range(_DP)]
        parts.append(jnp.zeros((_NG, 1, d), tab.dtype))
        return jnp.concatenate(parts, axis=1)

    w_sub = subtree(W_in)
    wout_sub = subtree(W_in) if _BISECT == 'B' else subtree(W_out.T)

    xpad = _sc_scatter(x_flat, slot3)

    ypad = pl.pallas_call(
        _tc2_kernel,
        grid=(_NG // _GB,),
        in_specs=[
            pl.BlockSpec((_GB * _CAP, d), lambda i: (i, 0)),
            pl.BlockSpec((_GB, _SUB, d), lambda i: (i, 0, 0)),
            pl.BlockSpec((_GB, _SUB, d), lambda i: (i, 0, 0)),
        ],
        out_specs=pl.BlockSpec((_GB * _CAP, d), lambda i: (i, 0)),
        out_shape=jax.ShapeDtypeStruct((_NG * _CAP, d), jnp.float32),
    )(xpad, w_sub, wout_sub)

    y = x_flat if _BISECT == 'A' else _sc_gather(ypad, slot3)

    out = pl.pallas_call(
        _tc3_kernel,
        grid=(n_tok // bt,),
        in_specs=[
            pl.BlockSpec((bt, _NG), lambda i: (i, 0)),
            pl.BlockSpec((d, _NG), lambda i: (0, 0)),
            pl.BlockSpec((bt, d), lambda i: (i, 0)),
        ],
        out_specs=pl.BlockSpec((bt, d), lambda i: (i, 0)),
        out_shape=jax.ShapeDtypeStruct((n_tok, d), jnp.float32),
    )(m_sh, W_out, y)
    return out.reshape(b, s, d)

# --- scband reference (transcript-rebuilt; emitter-appended) ---
"""Pipeline reference for scband-fff-46316927320395 (READ-ONLY COPY).

The authoritative reference and input builder live on the scoring server;
editing this copy changes nothing except your own understanding.
"""

import jax, jax.numpy as jnp
import numpy as np

DEPTH = 11
N_NODES = 2 ** (DEPTH + 1) - 1
IN_W = 1024
OUT_W = 1024
B, S = 2, 2048


def setup_inputs(seed: int = 0) -> dict:
    key = jax.random.key(seed)
    k1, k2, k3 = jax.random.split(key, 3)
    x = jax.random.normal(k1, (B, S, IN_W), dtype=jnp.float32)
    W_in = jax.random.normal(k2, (N_NODES, IN_W), dtype=jnp.float32) * (1.0 / np.sqrt(IN_W))
    W_out = jax.random.normal(k3, (OUT_W, N_NODES), dtype=jnp.float32) * (1.0 / np.sqrt(N_NODES))
    return {"x": x, "W_in": W_in, "W_out": W_out}


def reference(x, W_in, W_out):
    Bz, Sz, D = x.shape
    current = jnp.zeros((Bz, Sz), dtype=jnp.int32)
    nodes = []
    logits = []
    for i in range(DEPTH + 1):
        nodes.append(current)
        coeffs = jnp.take(W_in, current, axis=0)  # [B, S, IN_W] gather of plane coefficients
        score = jnp.sum(x * coeffs, axis=-1)      # bmm(x[...,1,D], coeffs[...,D,1]) -> [B, S]
        logits.append(score)
        current = current * 2 + (score >= 0).astype(jnp.int32) + 1
    all_nodes = jnp.stack(nodes, axis=-1)   # [B, S, DEPTH+1]
    all_logits = jnp.stack(logits, axis=-1) # [B, S, DEPTH+1]
    sel = jnp.take(W_out.T, all_nodes, axis=0)  # [B, S, DEPTH+1, OUT_W]
    mlp1 = jax.nn.gelu(all_logits, approximate=False)  # torch nn.GELU default = exact erf
    out = jnp.einsum('bsl,bslw->bsw', mlp1, sel)
    return out

if __name__ == "__main__":
    import jax
    _d = setup_inputs()
    print(jax.jit(kernel)(*tuple(_d.values())))

</pallas_src>

<mosaic_0001>
#map = affine_map<(d0, d1) -> (0, 0)>
#map1 = affine_map<(d0, d1) -> (0, 0, 0)>
module attributes {stable_mosaic.version = 14 : i64} {
  func.func @gather_k(%arg0: i32, %arg1: i32, %arg2: memref<8192x1024xf32, #tpu.memory_space<hbm>>, %arg3: memref<16x1x256xi32, #tpu.memory_space<hbm>>, %arg4: memref<4096x1024xf32, #tpu.memory_space<hbm>>, %arg5: memref<64xi32, #tpu.memory_space<vmem>>, %arg6: memref<64x1024xf32, #tpu.memory_space<vmem>>, %arg7: memref<!tpu.dma_semaphore, #tpu.memory_space<semaphore_mem>>) attributes {dimension_semantics = [#tpu.dimension_semantics<core_parallel>, #tpu.dimension_semantics<subcore_parallel>], iteration_bounds = array<i64: 2, 16>, scalar_prefetch = 0 : i64, scratch_operands = 3 : i64, tpu.core_type = #tpu.core_type<sc_vector_subcore>, window_params = [{transform_indices = #map}, {transform_indices = #map1}, {transform_indices = #map}]} {
    %mul3A = arith.constant 2 : i32
    %mul3A_0 = arith.muli %arg1, %mul3A : i32
    %add3A = arith.addi %mul3A_0, %arg0 : i32
    %jit3A = arith.constant 2 : i32
    %div3A = arith.divsi %add3A, %jit3A : i32
    %sign3A = arith.constant 0 : i32
    %sign3A_1 = arith.cmpi sgt, %add3A, %sign3A : i32
    %sign3A_2 = arith.extui %sign3A_1 : i1 to i32
    %sign3A_3 = arith.constant 0 : i32
    %sign3A_4 = arith.cmpi slt, %add3A, %sign3A_3 : i32
    %sign3A_5 = arith.extui %sign3A_4 : i1 to i32
    %sign3A_6 = arith.subi %sign3A_2, %sign3A_5 : i32
    %sign3A_7 = arith.constant 0 : i32
    %sign3A_8 = arith.cmpi sgt, %jit3A, %sign3A_7 : i32
    %sign3A_9 = arith.extui %sign3A_8 : i1 to i32
    %sign3A_10 = arith.constant 0 : i32
    %sign3A_11 = arith.cmpi slt, %jit3A, %sign3A_10 : i32
    %sign3A_12 = arith.extui %sign3A_11 : i1 to i32
    %sign3A_13 = arith.subi %sign3A_9, %sign3A_12 : i32
    %ne3A = arith.cmpi ne, %sign3A_6, %sign3A_13 : i32
    %rem3A = arith.remsi %add3A, %jit3A : i32
    %ne3A_14 = arith.constant 0 : i32
    %ne3A_15 = arith.cmpi ne, %rem3A, %ne3A_14 : i32
    %and3A = arith.andi %ne3A, %ne3A_15 : i1
    %sub3A = arith.constant 1 : i32
    %sub3A_16 = arith.subi %div3A, %sub3A : i32
    %select_n3A = arith.select %and3A, %sub3A_16, %div3A : i32
    %jit3A_17 = arith.constant 2 : i32
    %eq3A = arith.constant 0 : i32
    %eq3A_18 = arith.cmpi eq, %jit3A_17, %eq3A : i32
    %jit3A_19 = arith.constant 1 : i32
    %select_n3A_20 = arith.select %eq3A_18, %jit3A_19, %jit3A_17 : i32
    %rem3A_21 = arith.remsi %add3A, %select_n3A_20 : i32
    %ne3A_22 = arith.constant 0 : i32
    %ne3A_23 = arith.cmpi ne, %rem3A_21, %ne3A_22 : i32
    %lt3A = arith.constant 0 : i32
    %lt3A_24 = arith.cmpi slt, %rem3A_21, %lt3A : i32
    %lt3A_25 = arith.constant 0 : i32
    %lt3A_26 = arith.cmpi slt, %select_n3A_20, %lt3A_25 : i32
    %ne3A_27 = arith.xori %lt3A_24, %lt3A_26 : i1
    %and3A_28 = arith.andi %ne3A_27, %ne3A_23 : i1
    %add3A_29 = arith.addi %rem3A_21, %select_n3A_20 : i32
    %select_n3A_30 = arith.select %and3A_28, %add3A_29, %rem3A_21 : i32
    %mul3A_31 = arith.constant 128 : i32
    %mul3A_32 = arith.muli %select_n3A_30, %mul3A_31 : i32
    %mul3A_33 = arith.constant 128 : i32
    %mul3A_34 = arith.muli %add3A, %mul3A_33 : i32
    %add3A_35 = arith.constant 0 : i32
    %add3A_36 = arith.addi %mul3A_34, %add3A_35 : i32
    %add3A_37 = arith.constant 0 : i32
    %add3A_38 = arith.addi %mul3A_32, %add3A_37 : i32
    %run_scoped3A = arith.constant 0 : i32
    "tpu.region"() ({
      %run_scoped3A_56 = tpu.sem_alloc : memref<!tpu.dma_semaphore, #tpu.memory_space<semaphore_mem>>
      %dma_start3A_57 = tpu.memref_slice %arg3[%select_n3A, %run_scoped3A, %add3A_38] : memref<16x1x256xi32, #tpu.memory_space<hbm>> -> memref<1x1x64xi32, #tpu.memory_space<hbm>>
      %dma_start3A_58 = tpu.memref_squeeze %dma_start3A_57 : memref<1x1x64xi32, #tpu.memory_space<hbm>> -> memref<64xi32, #tpu.memory_space<hbm>>
      %dma_start3A_59 = tpu.memref_slice %arg3[%select_n3A, %run_scoped3A, %add3A_38] : memref<16x1x256xi32, #tpu.memory_space<hbm>> -> memref<1x1x64xi32, #tpu.memory_space<hbm>>
      %dma_start3A_60 = tpu.memref_squeeze %dma_start3A_59 : memref<1x1x64xi32, #tpu.memory_space<hbm>> -> memref<64xi32, #tpu.memory_space<hbm>>
      tpu.enqueue_dma source(%dma_start3A_60 : memref<64xi32, #tpu.memory_space<hbm>>) target(%arg5 : memref<64xi32, #tpu.memory_space<vmem>>) target_semaphore(%run_scoped3A_56 : memref<!tpu.dma_semaphore, #tpu.memory_space<semaphore_mem>>)
      %dma_wait3A_61 = tpu.memref_slice %arg3[%select_n3A, %run_scoped3A, %add3A_38] : memref<16x1x256xi32, #tpu.memory_space<hbm>> -> memref<1x1x64xi32, #tpu.memory_space<hbm>>
      %dma_wait3A_62 = tpu.memref_squeeze %dma_wait3A_61 : memref<1x1x64xi32, #tpu.memory_space<hbm>> -> memref<64xi32, #tpu.memory_space<hbm>>
      %dma_wait3A_63 = tpu.memref_slice %arg3[%select_n3A, %run_scoped3A, %add3A_38] : memref<16x1x256xi32, #tpu.memory_space<hbm>> -> memref<1x1x64xi32, #tpu.memory_space<hbm>>
      %dma_wait3A_64 = tpu.memref_squeeze %dma_wait3A_63 : memref<1x1x64xi32, #tpu.memory_space<hbm>> -> memref<64xi32, #tpu.memory_space<hbm>>
      tpu.wait_dma2 semaphore(%run_scoped3A_56 : memref<!tpu.dma_semaphore, #tpu.memory_space<semaphore_mem>>) src(%dma_wait3A_64 : memref<64xi32, #tpu.memory_space<hbm>>) dst(%arg5 : memref<64xi32, #tpu.memory_space<vmem>>)
      tpu.yield
    }) : () -> ()
    %dma_start3A = arith.constant 0 : i32
    %dma_start3A_39 = arith.constant 0 : i32
    %dma_start3A_40 = tpu.memref_slice %arg2[%dma_start3A, %dma_start3A_39] : memref<8192x1024xf32, #tpu.memory_space<hbm>> -> memref<8192x1024xf32, #tpu.memory_space<hbm>>
    tpu.enqueue_indirect_dma source(%dma_start3A_40 : memref<8192x1024xf32, #tpu.memory_space<hbm>>) target(%arg6 : memref<64x1024xf32, #tpu.memory_space<vmem>>) offsets(%arg5 : memref<64xi32, #tpu.memory_space<vmem>>) semaphore(%arg7 : memref<!tpu.dma_semaphore, #tpu.memory_space<semaphore_mem>>)
    %dma_wait3A = arith.constant 0 : i32
    %dma_wait3A_41 = arith.constant 0 : i32
    %dma_wait3A_42 = tpu.memref_slice %arg2[%dma_wait3A, %dma_wait3A_41] : memref<8192x1024xf32, #tpu.memory_space<hbm>> -> memref<8192x1024xf32, #tpu.memory_space<hbm>>
    tpu.wait_indirect_dma semaphore(%arg7 : memref<!tpu.dma_semaphore, #tpu.memory_space<semaphore_mem>>) src(%dma_wait3A_42 : memref<8192x1024xf32, #tpu.memory_space<hbm>>) dst(%arg6 : memref<64x1024xf32, #tpu.memory_space<vmem>>)
    "tpu.region"() ({
      %run_scoped3A_56 = tpu.sem_alloc : memref<!tpu.dma_semaphore, #tpu.memory_space<semaphore_mem>>
      %dma_start3A_57 = arith.constant 0 : i32
      %dma_start3A_58 = tpu.memref_slice %arg4[%add3A_36, %dma_start3A_57] : memref<4096x1024xf32, #tpu.memory_space<hbm>> -> memref<64x1024xf32, #tpu.memory_space<hbm>>
      %dma_start3A_59 = arith.constant 0 : i32
      %dma_start3A_60 = tpu.memref_slice %arg4[%add3A_36, %dma_start3A_59] : memref<4096x1024xf32, #tpu.memory_space<hbm>> -> memref<64x1024xf32, #tpu.memory_space<hbm>>
      tpu.enqueue_dma source(%arg6 : memref<64x1024xf32, #tpu.memory_space<vmem>>) target(%dma_start3A_60 : memref<64x1024xf32, #tpu.memory_space<hbm>>) target_semaphore(%run_scoped3A_56 : memref<!tpu.dma_semaphore, #tpu.memory_space<semaphore_mem>>)
      %dma_wait3A_61 = arith.constant 0 : i32
      %dma_wait3A_62 = tpu.memref_slice %arg4[%add3A_36, %dma_wait3A_61] : memref<4096x1024xf32, #tpu.memory_space<hbm>> -> memref<64x1024xf32, #tpu.memory_space<hbm>>
      %dma_wait3A_63 = arith.constant 0 : i32
      %dma_wait3A_64 = tpu.memref_slice %arg4[%add3A_36, %dma_wait3A_63] : memref<4096x1024xf32, #tpu.memory_space<hbm>> -> memref<64x1024xf32, #tpu.memory_space<hbm>>
      tpu.wait_dma2 semaphore(%run_scoped3A_56 : memref<!tpu.dma_semaphore, #tpu.memory_space<semaphore_mem>>) src(%arg6 : memref<64x1024xf32, #tpu.memory_space<vmem>>) dst(%dma_wait3A_64 : memref<64x1024xf32, #tpu.memory_space<hbm>>)
      tpu.yield
    }) : () -> ()
    %mul3A_43 = arith.constant 128 : i32
    %mul3A_44 = arith.muli %add3A, %mul3A_43 : i32
    %add3A_45 = arith.constant 64 : i32
    %add3A_46 = arith.addi %mul3A_44, %add3A_45 : i32
    %add3A_47 = arith.constant 64 : i32
    %add3A_48 = arith.addi %mul3A_32, %add3A_47 : i32
    %run_scoped3A_49 = arith.constant 0 : i32
    "tpu.region"() ({
      %run_scoped3A_56 = tpu.sem_alloc : memref<!tpu.dma_semaphore, #tpu.memory_space<semaphore_mem>>
      %dma_start3A_57 = tpu.memref_slice %arg3[%select_n3A, %run_scoped3A_49, %add3A_48] : memref<16x1x256xi32, #tpu.memory_space<hbm>> -> memref<1x1x64xi32, #tpu.memory_space<hbm>>
      %dma_start3A_58 = tpu.memref_squeeze %dma_start3A_57 : memref<1x1x64xi32, #tpu.memory_space<hbm>> -> memref<64xi32, #tpu.memory_space<hbm>>
      %dma_start3A_59 = tpu.memref_slice %arg3[%select_n3A, %run_scoped3A_49, %add3A_48] : memref<16x1x256xi32, #tpu.memory_space<hbm>> -> memref<1x1x64xi32, #tpu.memory_space<hbm>>
      %dma_start3A_60 = tpu.memref_squeeze %dma_start3A_59 : memref<1x1x64xi32, #tpu.memory_space<hbm>> -> memref<64xi32, #tpu.memory_space<hbm>>
      tpu.enqueue_dma source(%dma_start3A_60 : memref<64xi32, #tpu.memory_space<hbm>>) target(%arg5 : memref<64xi32, #tpu.memory_space<vmem>>) target_semaphore(%run_scoped3A_56 : memref<!tpu.dma_semaphore, #tpu.memory_space<semaphore_mem>>)
      %dma_wait3A_61 = tpu.memref_slice %arg3[%select_n3A, %run_scoped3A_49, %add3A_48] : memref<16x1x256xi32, #tpu.memory_space<hbm>> -> memref<1x1x64xi32, #tpu.memory_space<hbm>>
      %dma_wait3A_62 = tpu.memref_squeeze %dma_wait3A_61 : memref<1x1x64xi32, #tpu.memory_space<hbm>> -> memref<64xi32, #tpu.memory_space<hbm>>
      %dma_wait3A_63 = tpu.memref_slice %arg3[%select_n3A, %run_scoped3A_49, %add3A_48] : memref<16x1x256xi32, #tpu.memory_space<hbm>> -> memref<1x1x64xi32, #tpu.memory_space<hbm>>
      %dma_wait3A_64 = tpu.memref_squeeze %dma_wait3A_63 : memref<1x1x64xi32, #tpu.memory_space<hbm>> -> memref<64xi32, #tpu.memory_space<hbm>>
      tpu.wait_dma2 semaphore(%run_scoped3A_56 : memref<!tpu.dma_semaphore, #tpu.memory_space<semaphore_mem>>) src(%dma_wait3A_64 : memref<64xi32, #tpu.memory_space<hbm>>) dst(%arg5 : memref<64xi32, #tpu.memory_space<vmem>>)
      tpu.yield
    }) : () -> ()
    %dma_start3A_50 = arith.constant 0 : i32
    %dma_start3A_51 = arith.constant 0 : i32
    %dma_start3A_52 = tpu.memref_slice %arg2[%dma_start3A_50, %dma_start3A_51] : memref<8192x1024xf32, #tpu.memory_space<hbm>> -> memref<8192x1024xf32, #tpu.memory_space<hbm>>
    tpu.enqueue_indirect_dma source(%dma_start3A_52 : memref<8192x1024xf32, #tpu.memory_space<hbm>>) target(%arg6 : memref<64x1024xf32, #tpu.memory_space<vmem>>) offsets(%arg5 : memref<64xi32, #tpu.memory_space<vmem>>) semaphore(%arg7 : memref<!tpu.dma_semaphore, #tpu.memory_space<semaphore_mem>>)
    %dma_wait3A_53 = arith.constant 0 : i32
    %dma_wait3A_54 = arith.constant 0 : i32
    %dma_wait3A_55 = tpu.memref_slice %arg2[%dma_wait3A_53, %dma_wait3A_54] : memref<8192x1024xf32, #tpu.memory_space<hbm>> -> memref<8192x1024xf32, #tpu.memory_space<hbm>>
    tpu.wait_indirect_dma semaphore(%arg7 : memref<!tpu.dma_semaphore, #tpu.memory_space<semaphore_mem>>) src(%dma_wait3A_55 : memref<8192x1024xf32, #tpu.memory_space<hbm>>) dst(%arg6 : memref<64x1024xf32, #tpu.memory_space<vmem>>)
    "tpu.region"() ({
      %run_scoped3A_56 = tpu.sem_alloc : memref<!tpu.dma_semaphore, #tpu.memory_space<semaphore_mem>>
      %dma_start3A_57 = arith.constant 0 : i32
      %dma_start3A_58 = tpu.memref_slice %arg4[%add3A_46, %dma_start3A_57] : memref<4096x1024xf32, #tpu.memory_space<hbm>> -> memref<64x1024xf32, #tpu.memory_space<hbm>>
      %dma_start3A_59 = arith.constant 0 : i32
      %dma_start3A_60 = tpu.memref_slice %arg4[%add3A_46, %dma_start3A_59] : memref<4096x1024xf32, #tpu.memory_space<hbm>> -> memref<64x1024xf32, #tpu.memory_space<hbm>>
      tpu.enqueue_dma source(%arg6 : memref<64x1024xf32, #tpu.memory_space<vmem>>) target(%dma_start3A_60 : memref<64x1024xf32, #tpu.memory_space<hbm>>) target_semaphore(%run_scoped3A_56 : memref<!tpu.dma_semaphore, #tpu.memory_space<semaphore_mem>>)
      %dma_wait3A_61 = arith.constant 0 : i32
      %dma_wait3A_62 = tpu.memref_slice %arg4[%add3A_46, %dma_wait3A_61] : memref<4096x1024xf32, #tpu.memory_space<hbm>> -> memref<64x1024xf32, #tpu.memory_space<hbm>>
      %dma_wait3A_63 = arith.constant 0 : i32
      %dma_wait3A_64 = tpu.memref_slice %arg4[%add3A_46, %dma_wait3A_63] : memref<4096x1024xf32, #tpu.memory_space<hbm>> -> memref<64x1024xf32, #tpu.memory_space<hbm>>
      tpu.wait_dma2 semaphore(%run_scoped3A_56 : memref<!tpu.dma_semaphore, #tpu.memory_space<semaphore_mem>>) src(%arg6 : memref<64x1024xf32, #tpu.memory_space<vmem>>) dst(%dma_wait3A_64 : memref<64x1024xf32, #tpu.memory_space<hbm>>)
      tpu.yield
    }) : () -> ()
    return
  }
}

#map = affine_map<(d0, d1) -> (0, 0)>
#map1 = affine_map<(d0, d1) -> (0, 0, 0)>
module attributes {stable_mosaic.version = 14 : i64} {
  func.func @scatter_k(%arg0: i32, %arg1: i32, %arg2: memref<4096x1024xf32, #tpu.memory_space<hbm>>, %arg3: memref<16x1x256xi32, #tpu.memory_space<hbm>>, %arg4: memref<8192x1024xf32, #tpu.memory_space<hbm>>, %arg5: memref<64xi32, #tpu.memory_space<vmem>>, %arg6: memref<64x1024xf32, #tpu.memory_space<vmem>>, %arg7: memref<!tpu.dma_semaphore, #tpu.memory_space<semaphore_mem>>) attributes {dimension_semantics = [#tpu.dimension_semantics<core_parallel>, #tpu.dimension_semantics<subcore_parallel>], iteration_bounds = array<i64: 2, 16>, scalar_prefetch = 0 : i64, scratch_operands = 3 : i64, tpu.core_type = #tpu.core_type<sc_vector_subcore>, window_params = [{transform_indices = #map}, {transform_indices = #map1}, {transform_indices = #map}]} {
    %mul3A = arith.constant 2 : i32
    %mul3A_0 = arith.muli %arg1, %mul3A : i32
    %add3A = arith.addi %mul3A_0, %arg0 : i32
    %jit3A = arith.constant 2 : i32
    %div3A = arith.divsi %add3A, %jit3A : i32
    %sign3A = arith.constant 0 : i32
    %sign3A_1 = arith.cmpi sgt, %add3A, %sign3A : i32
    %sign3A_2 = arith.extui %sign3A_1 : i1 to i32
    %sign3A_3 = arith.constant 0 : i32
    %sign3A_4 = arith.cmpi slt, %add3A, %sign3A_3 : i32
    %sign3A_5 = arith.extui %sign3A_4 : i1 to i32
    %sign3A_6 = arith.subi %sign3A_2, %sign3A_5 : i32
    %sign3A_7 = arith.constant 0 : i32
    %sign3A_8 = arith.cmpi sgt, %jit3A, %sign3A_7 : i32
    %sign3A_9 = arith.extui %sign3A_8 : i1 to i32
    %sign3A_10 = arith.constant 0 : i32
    %sign3A_11 = arith.cmpi slt, %jit3A, %sign3A_10 : i32
    %sign3A_12 = arith.extui %sign3A_11 : i1 to i32
    %sign3A_13 = arith.subi %sign3A_9, %sign3A_12 : i32
    %ne3A = arith.cmpi ne, %sign3A_6, %sign3A_13 : i32
    %rem3A = arith.remsi %add3A, %jit3A : i32
    %ne3A_14 = arith.constant 0 : i32
    %ne3A_15 = arith.cmpi ne, %rem3A, %ne3A_14 : i32
    %and3A = arith.andi %ne3A, %ne3A_15 : i1
    %sub3A = arith.constant 1 : i32
    %sub3A_16 = arith.subi %div3A, %sub3A : i32
    %select_n3A = arith.select %and3A, %sub3A_16, %div3A : i32
    %jit3A_17 = arith.constant 2 : i32
    %eq3A = arith.constant 0 : i32
    %eq3A_18 = arith.cmpi eq, %jit3A_17, %eq3A : i32
    %jit3A_19 = arith.constant 1 : i32
    %select_n3A_20 = arith.select %eq3A_18, %jit3A_19, %jit3A_17 : i32
    %rem3A_21 = arith.remsi %add3A, %select_n3A_20 : i32
    %ne3A_22 = arith.constant 0 : i32
    %ne3A_23 = arith.cmpi ne, %rem3A_21, %ne3A_22 : i32
    %lt3A = arith.constant 0 : i32
    %lt3A_24 = arith.cmpi slt, %rem3A_21, %lt3A : i32
    %lt3A_25 = arith.constant 0 : i32
    %lt3A_26 = arith.cmpi slt, %select_n3A_20, %lt3A_25 : i32
    %ne3A_27 = arith.xori %lt3A_24, %lt3A_26 : i1
    %and3A_28 = arith.andi %ne3A_27, %ne3A_23 : i1
    %add3A_29 = arith.addi %rem3A_21, %select_n3A_20 : i32
    %select_n3A_30 = arith.select %and3A_28, %add3A_29, %rem3A_21 : i32
    %mul3A_31 = arith.constant 128 : i32
    %mul3A_32 = arith.muli %select_n3A_30, %mul3A_31 : i32
    %mul3A_33 = arith.constant 128 : i32
    %mul3A_34 = arith.muli %add3A, %mul3A_33 : i32
    %add3A_35 = arith.constant 0 : i32
    %add3A_36 = arith.addi %mul3A_34, %add3A_35 : i32
    %add3A_37 = arith.constant 0 : i32
    %add3A_38 = arith.addi %mul3A_32, %add3A_37 : i32
    %run_scoped3A = arith.constant 0 : i32
    "tpu.region"() ({
      %run_scoped3A_56 = tpu.sem_alloc : memref<!tpu.dma_semaphore, #tpu.memory_space<semaphore_mem>>
      %dma_start3A_57 = tpu.memref_slice %arg3[%select_n3A, %run_scoped3A, %add3A_38] : memref<16x1x256xi32, #tpu.memory_space<hbm>> -> memref<1x1x64xi32, #tpu.memory_space<hbm>>
      %dma_start3A_58 = tpu.memref_squeeze %dma_start3A_57 : memref<1x1x64xi32, #tpu.memory_space<hbm>> -> memref<64xi32, #tpu.memory_space<hbm>>
      %dma_start3A_59 = tpu.memref_slice %arg3[%select_n3A, %run_scoped3A, %add3A_38] : memref<16x1x256xi32, #tpu.memory_space<hbm>> -> memref<1x1x64xi32, #tpu.memory_space<hbm>>
      %dma_start3A_60 = tpu.memref_squeeze %dma_start3A_59 : memref<1x1x64xi32, #tpu.memory_space<hbm>> -> memref<64xi32, #tpu.memory_space<hbm>>
      tpu.enqueue_dma source(%dma_start3A_60 : memref<64xi32, #tpu.memory_space<hbm>>) target(%arg5 : memref<64xi32, #tpu.memory_space<vmem>>) target_semaphore(%run_scoped3A_56 : memref<!tpu.dma_semaphore, #tpu.memory_space<semaphore_mem>>)
      %dma_wait3A_61 = tpu.memref_slice %arg3[%select_n3A, %run_scoped3A, %add3A_38] : memref<16x1x256xi32, #tpu.memory_space<hbm>> -> memref<1x1x64xi32, #tpu.memory_space<hbm>>
      %dma_wait3A_62 = tpu.memref_squeeze %dma_wait3A_61 : memref<1x1x64xi32, #tpu.memory_space<hbm>> -> memref<64xi32, #tpu.memory_space<hbm>>
      %dma_wait3A_63 = tpu.memref_slice %arg3[%select_n3A, %run_scoped3A, %add3A_38] : memref<16x1x256xi32, #tpu.memory_space<hbm>> -> memref<1x1x64xi32, #tpu.memory_space<hbm>>
      %dma_wait3A_64 = tpu.memref_squeeze %dma_wait3A_63 : memref<1x1x64xi32, #tpu.memory_space<hbm>> -> memref<64xi32, #tpu.memory_space<hbm>>
      tpu.wait_dma2 semaphore(%run_scoped3A_56 : memref<!tpu.dma_semaphore, #tpu.memory_space<semaphore_mem>>) src(%dma_wait3A_64 : memref<64xi32, #tpu.memory_space<hbm>>) dst(%arg5 : memref<64xi32, #tpu.memory_space<vmem>>)
      tpu.yield
    }) : () -> ()
    "tpu.region"() ({
      %run_scoped3A_56 = tpu.sem_alloc : memref<!tpu.dma_semaphore, #tpu.memory_space<semaphore_mem>>
      %dma_start3A_57 = arith.constant 0 : i32
      %dma_start3A_58 = tpu.memref_slice %arg2[%add3A_36, %dma_start3A_57] : memref<4096x1024xf32, #tpu.memory_space<hbm>> -> memref<64x1024xf32, #tpu.memory_space<hbm>>
      %dma_start3A_59 = arith.constant 0 : i32
      %dma_start3A_60 = tpu.memref_slice %arg2[%add3A_36, %dma_start3A_59] : memref<4096x1024xf32, #tpu.memory_space<hbm>> -> memref<64x1024xf32, #tpu.memory_space<hbm>>
      tpu.enqueue_dma source(%dma_start3A_60 : memref<64x1024xf32, #tpu.memory_space<hbm>>) target(%arg6 : memref<64x1024xf32, #tpu.memory_space<vmem>>) target_semaphore(%run_scoped3A_56 : memref<!tpu.dma_semaphore, #tpu.memory_space<semaphore_mem>>)
      %dma_wait3A_61 = arith.constant 0 : i32
      %dma_wait3A_62 = tpu.memref_slice %arg2[%add3A_36, %dma_wait3A_61] : memref<4096x1024xf32, #tpu.memory_space<hbm>> -> memref<64x1024xf32, #tpu.memory_space<hbm>>
      %dma_wait3A_63 = arith.constant 0 : i32
      %dma_wait3A_64 = tpu.memref_slice %arg2[%add3A_36, %dma_wait3A_63] : memref<4096x1024xf32, #tpu.memory_space<hbm>> -> memref<64x1024xf32, #tpu.memory_space<hbm>>
      tpu.wait_dma2 semaphore(%run_scoped3A_56 : memref<!tpu.dma_semaphore, #tpu.memory_space<semaphore_mem>>) src(%dma_wait3A_64 : memref<64x1024xf32, #tpu.memory_space<hbm>>) dst(%arg6 : memref<64x1024xf32, #tpu.memory_space<vmem>>)
      tpu.yield
    }) : () -> ()
    %dma_start3A = arith.constant 0 : i32
    %dma_start3A_39 = arith.constant 0 : i32
    %dma_start3A_40 = tpu.memref_slice %arg4[%dma_start3A, %dma_start3A_39] : memref<8192x1024xf32, #tpu.memory_space<hbm>> -> memref<8192x1024xf32, #tpu.memory_space<hbm>>
    tpu.enqueue_indirect_dma source(%arg6 : memref<64x1024xf32, #tpu.memory_space<vmem>>) target(%dma_start3A_40 : memref<8192x1024xf32, #tpu.memory_space<hbm>>) offsets(%arg5 : memref<64xi32, #tpu.memory_space<vmem>>) semaphore(%arg7 : memref<!tpu.dma_semaphore, #tpu.memory_space<semaphore_mem>>)
    %dma_wait3A = arith.constant 0 : i32
    %dma_wait3A_41 = arith.constant 0 : i32
    %dma_wait3A_42 = tpu.memref_slice %arg4[%dma_wait3A, %dma_wait3A_41] : memref<8192x1024xf32, #tpu.memory_space<hbm>> -> memref<8192x1024xf32, #tpu.memory_space<hbm>>
    tpu.wait_indirect_dma semaphore(%arg7 : memref<!tpu.dma_semaphore, #tpu.memory_space<semaphore_mem>>) src(%arg6 : memref<64x1024xf32, #tpu.memory_space<vmem>>) dst(%dma_wait3A_42 : memref<8192x1024xf32, #tpu.memory_space<hbm>>)
    %mul3A_43 = arith.constant 128 : i32
    %mul3A_44 = arith.muli %add3A, %mul3A_43 : i32
    %add3A_45 = arith.constant 64 : i32
    %add3A_46 = arith.addi %mul3A_44, %add3A_45 : i32
    %add3A_47 = arith.constant 64 : i32
    %add3A_48 = arith.addi %mul3A_32, %add3A_47 : i32
    %run_scoped3A_49 = arith.constant 0 : i32
    "tpu.region"() ({
      %run_scoped3A_56 = tpu.sem_alloc : memref<!tpu.dma_semaphore, #tpu.memory_space<semaphore_mem>>
      %dma_start3A_57 = tpu.memref_slice %arg3[%select_n3A, %run_scoped3A_49, %add3A_48] : memref<16x1x256xi32, #tpu.memory_space<hbm>> -> memref<1x1x64xi32, #tpu.memory_space<hbm>>
      %dma_start3A_58 = tpu.memref_squeeze %dma_start3A_57 : memref<1x1x64xi32, #tpu.memory_space<hbm>> -> memref<64xi32, #tpu.memory_space<hbm>>
      %dma_start3A_59 = tpu.memref_slice %arg3[%select_n3A, %run_scoped3A_49, %add3A_48] : memref<16x1x256xi32, #tpu.memory_space<hbm>> -> memref<1x1x64xi32, #tpu.memory_space<hbm>>
      %dma_start3A_60 = tpu.memref_squeeze %dma_start3A_59 : memref<1x1x64xi32, #tpu.memory_space<hbm>> -> memref<64xi32, #tpu.memory_space<hbm>>
      tpu.enqueue_dma source(%dma_start3A_60 : memref<64xi32, #tpu.memory_space<hbm>>) target(%arg5 : memref<64xi32, #tpu.memory_space<vmem>>) target_semaphore(%run_scoped3A_56 : memref<!tpu.dma_semaphore, #tpu.memory_space<semaphore_mem>>)
      %dma_wait3A_61 = tpu.memref_slice %arg3[%select_n3A, %run_scoped3A_49, %add3A_48] : memref<16x1x256xi32, #tpu.memory_space<hbm>> -> memref<1x1x64xi32, #tpu.memory_space<hbm>>
      %dma_wait3A_62 = tpu.memref_squeeze %dma_wait3A_61 : memref<1x1x64xi32, #tpu.memory_space<hbm>> -> memref<64xi32, #tpu.memory_space<hbm>>
      %dma_wait3A_63 = tpu.memref_slice %arg3[%select_n3A, %run_scoped3A_49, %add3A_48] : memref<16x1x256xi32, #tpu.memory_space<hbm>> -> memref<1x1x64xi32, #tpu.memory_space<hbm>>
      %dma_wait3A_64 = tpu.memref_squeeze %dma_wait3A_63 : memref<1x1x64xi32, #tpu.memory_space<hbm>> -> memref<64xi32, #tpu.memory_space<hbm>>
      tpu.wait_dma2 semaphore(%run_scoped3A_56 : memref<!tpu.dma_semaphore, #tpu.memory_space<semaphore_mem>>) src(%dma_wait3A_64 : memref<64xi32, #tpu.memory_space<hbm>>) dst(%arg5 : memref<64xi32, #tpu.memory_space<vmem>>)
      tpu.yield
    }) : () -> ()
    "tpu.region"() ({
      %run_scoped3A_56 = tpu.sem_alloc : memref<!tpu.dma_semaphore, #tpu.memory_space<semaphore_mem>>
      %dma_start3A_57 = arith.constant 0 : i32
      %dma_start3A_58 = tpu.memref_slice %arg2[%add3A_46, %dma_start3A_57] : memref<4096x1024xf32, #tpu.memory_space<hbm>> -> memref<64x1024xf32, #tpu.memory_space<hbm>>
      %dma_start3A_59 = arith.constant 0 : i32
      %dma_start3A_60 = tpu.memref_slice %arg2[%add3A_46, %dma_start3A_59] : memref<4096x1024xf32, #tpu.memory_space<hbm>> -> memref<64x1024xf32, #tpu.memory_space<hbm>>
      tpu.enqueue_dma source(%dma_start3A_60 : memref<64x1024xf32, #tpu.memory_space<hbm>>) target(%arg6 : memref<64x1024xf32, #tpu.memory_space<vmem>>) target_semaphore(%run_scoped3A_56 : memref<!tpu.dma_semaphore, #tpu.memory_space<semaphore_mem>>)
      %dma_wait3A_61 = arith.constant 0 : i32
      %dma_wait3A_62 = tpu.memref_slice %arg2[%add3A_46, %dma_wait3A_61] : memref<4096x1024xf32, #tpu.memory_space<hbm>> -> memref<64x1024xf32, #tpu.memory_space<hbm>>
      %dma_wait3A_63 = arith.constant 0 : i32
      %dma_wait3A_64 = tpu.memref_slice %arg2[%add3A_46, %dma_wait3A_63] : memref<4096x1024xf32, #tpu.memory_space<hbm>> -> memref<64x1024xf32, #tpu.memory_space<hbm>>
      tpu.wait_dma2 semaphore(%run_scoped3A_56 : memref<!tpu.dma_semaphore, #tpu.memory_space<semaphore_mem>>) src(%dma_wait3A_64 : memref<64x1024xf32, #tpu.memory_space<hbm>>) dst(%arg6 : memref<64x1024xf32, #tpu.memory_space<vmem>>)
      tpu.yield
    }) : () -> ()
    %dma_start3A_50 = arith.constant 0 : i32
    %dma_start3A_51 = arith.constant 0 : i32
    %dma_start3A_52 = tpu.memref_slice %arg4[%dma_start3A_50, %dma_start3A_51] : memref<8192x1024xf32, #tpu.memory_space<hbm>> -> memref<8192x1024xf32, #tpu.memory_space<hbm>>
    tpu.enqueue_indirect_dma source(%arg6 : memref<64x1024xf32, #tpu.memory_space<vmem>>) target(%dma_start3A_52 : memref<8192x1024xf32, #tpu.memory_space<hbm>>) offsets(%arg5 : memref<64xi32, #tpu.memory_space<vmem>>) semaphore(%arg7 : memref<!tpu.dma_semaphore, #tpu.memory_space<semaphore_mem>>)
    %dma_wait3A_53 = arith.constant 0 : i32
    %dma_wait3A_54 = arith.constant 0 : i32
    %dma_wait3A_55 = tpu.memref_slice %arg4[%dma_wait3A_53, %dma_wait3A_54] : memref<8192x1024xf32, #tpu.memory_space<hbm>> -> memref<8192x1024xf32, #tpu.memory_space<hbm>>
    tpu.wait_indirect_dma semaphore(%arg7 : memref<!tpu.dma_semaphore, #tpu.memory_space<semaphore_mem>>) src(%arg6 : memref<64x1024xf32, #tpu.memory_space<vmem>>) dst(%dma_wait3A_55 : memref<8192x1024xf32, #tpu.memory_space<hbm>>)
    return
  }
}

module attributes {stable_mosaic.version = 14 : i64} {
  func.func @_tc1_kernel(%arg0: i32, %arg1: memref<256x1024xf32, #tpu.memory_space<vmem>>, %arg2: memref<128x1024xf32, #tpu.memory_space<vmem>>, %arg3: memref<256x128xf32, #tpu.memory_space<vmem>>, %arg4: memref<1x1x256xi32, #tpu.memory_space<vmem>>, %arg5: memref<8x128xf32, #tpu.memory_space<vmem>>) attributes {dimension_semantics = [#tpu.dimension_semantics<arbitrary>], iteration_bounds = array<i64: 16>, scalar_prefetch = 0 : i64, scratch_operands = 1 : i64, tpu.core_type = #tpu.core_type<tc>, window_params = [{transform_indices = @transform_0, window_bounds = array<i64: 256, 1024>}, {transform_indices = @transform_1, window_bounds = array<i64: 128, 1024>}, {transform_indices = @transform_2, window_bounds = array<i64: 256, 128>}, {transform_indices = @transform_3, window_bounds = array<i64: 1, 1, 256>}]} {
    %eq3A = arith.constant 0 : i32
    %eq3A_0 = arith.cmpi eq, %arg0, %eq3A : i32
    %convert_element_type3A = arith.extui %eq3A_0 : i1 to i32
    %cond3A = arith.constant 0 : i32
    %cond3A_1 = arith.cmpi ne, %convert_element_type3A, %cond3A : i32
    scf.if %cond3A_1 {
      %broadcast_in_dim3A_309 = arith.constant 0.000000e+00 : f32
      %broadcast_in_dim3A_310 = vector.broadcast %broadcast_in_dim3A_309 : f32 to vector<8x128xf32>
      %swap3A_311 = arith.constant 0 : index
      %swap3A_312 = arith.constant 0 : index
      %swap3A_313 = vector.load %arg5[%swap3A_311, %swap3A_312] : memref<8x128xf32, #tpu.memory_space<vmem>>, vector<8x128xf32>
      tpu.vector_store %arg5[%swap3A_311, %swap3A_312], %broadcast_in_dim3A_310 {strides = array<i32>} : memref<8x128xf32, #tpu.memory_space<vmem>>, vector<8x128xf32>,
    } else {
    }
    %get3A = arith.constant 0 : index
    %get3A_2 = arith.constant 0 : index
    %get3A_3 = vector.load %arg1[%get3A, %get3A_2] : memref<256x1024xf32, #tpu.memory_space<vmem>>, vector<256x1024xf32>
    %get3A_4 = arith.constant 0 : index
    %get3A_5 = arith.constant 0 : index
    %get3A_6 = vector.load %arg2[%get3A_4, %get3A_5] : memref<128x1024xf32, #tpu.memory_space<vmem>>, vector<128x1024xf32>
    %dot_general3A = arith.constant dense<0.000000e+00> : vector<256x128xf32>
    %dot_general3A_7 = tpu.matmul %get3A_3, %get3A_6, %dot_general3A {dimension_numbers = #tpu.dot_dimension_numbers<[1], [1], [0], [0], [0, 0, 1, 0], [], []>, precision = #tpu.contract_precision<fp32>, transpose_lhs_hint = false} : vector<256x1024xf32>, vector<128x1024xf32>, vector<256x128xf32> -> vector<256x128xf32>
    %broadcast_in_dim3A = arith.constant 0 : i32
    %broadcast_in_dim3A_8 = vector.broadcast %broadcast_in_dim3A : i32 to vector<256x1xi32>
    %broadcast_in_dim3A_9 = arith.constant 0.000000e+00 : f32
    %broadcast_in_dim3A_10 = vector.broadcast %broadcast_in_dim3A_9 : f32 to vector<256x128xf32>
    %iota3A = tpu.iota {dimensions = array<i32: 1>} : vector<256x128xi32>
    %eq3A_11 = vector.broadcast %broadcast_in_dim3A_8 : vector<256x1xi32> to vector<256x128xi32>
    %eq3A_12 = arith.cmpi eq, %iota3A, %eq3A_11 : vector<256x128xi32>
    %jit3A = arith.constant 0.000000e+00 : f32
    %broadcast_in_dim3A_13 = vector.broadcast %jit3A : f32 to vector<256x128xf32>
    %select_n3A = arith.select %eq3A_12, %dot_general3A_7, %broadcast_in_dim3A_13 : vector<256x128xi1>, vector<256x128xf32>
    %reduce_sum3A = arith.constant dense<0.000000e+00> : vector<256xf32>
    %reduce_sum3A_14 = vector.multi_reduction <add>, %select_n3A, %reduce_sum3A [1] : vector<256x128xf32> to vector<256xf32>
    %broadcast_in_dim3A_15 = vector.shape_cast %reduce_sum3A_14 : vector<256xf32> to vector<256x1xf32>
    %mul3A = arith.constant 5.000000e-01 : f32
    %mul3A_16 = vector.broadcast %mul3A : f32 to vector<256x1xf32>
    %mul3A_17 = arith.mulf %mul3A_16, %broadcast_in_dim3A_15 : vector<256x1xf32>
    %mul3A_18 = arith.constant 0.707106769 : f32
    %mul3A_19 = vector.broadcast %mul3A_18 : f32 to vector<256x1xf32>
    %mul3A_20 = arith.mulf %broadcast_in_dim3A_15, %mul3A_19 : vector<256x1xf32>
    %erf3A = math.erf %mul3A_20 : vector<256x1xf32>
    %add3A = arith.constant 1.000000e+00 : f32
    %add3A_21 = vector.broadcast %add3A : f32 to vector<256x1xf32>
    %add3A_22 = arith.addf %add3A_21, %erf3A : vector<256x1xf32>
    %mul3A_23 = arith.mulf %mul3A_17, %add3A_22 : vector<256x1xf32>
    %jit3A_24 = arith.constant 0.000000e+00 : f32
    %broadcast_in_dim3A_25 = vector.shape_cast %mul3A_23 : vector<256x1xf32> to vector<256x1xf32>
    %broadcast_in_dim3A_26 = vector.broadcast %broadcast_in_dim3A_25 : vector<256x1xf32> to vector<256x128xf32>
    %broadcast_in_dim3A_27 = vector.broadcast %jit3A_24 : f32 to vector<256x128xf32>
    %select_n3A_28 = arith.select %eq3A_12, %broadcast_in_dim3A_26, %broadcast_in_dim3A_27 : vector<256x128xi1>, vector<256x128xf32>
    %add3A_29 = arith.addf %broadcast_in_dim3A_10, %select_n3A_28 : vector<256x128xf32>
    %mul3A_30 = arith.constant 2 : i32
    %mul3A_31 = vector.broadcast %mul3A_30 : i32 to vector<256x1xi32>
    %mul3A_32 = arith.muli %broadcast_in_dim3A_8, %mul3A_31 : vector<256x1xi32>
    %add3A_33 = arith.constant 1 : i32
    %add3A_34 = vector.broadcast %add3A_33 : i32 to vector<256x1xi32>
    %add3A_35 = arith.addi %mul3A_32, %add3A_34 : vector<256x1xi32>
    %ge3A = arith.constant 0.000000e+00 : f32
    %ge3A_36 = vector.broadcast %ge3A : f32 to vector<256x1xf32>
    %ge3A_37 = arith.cmpf oge, %broadcast_in_dim3A_15, %ge3A_36 : vector<256x1xf32>
    %convert_element_type3A_38 = arith.extui %ge3A_37 : vector<256x1xi1> to vector<256x1xi32>
    %add3A_39 = arith.addi %add3A_35, %convert_element_type3A_38 : vector<256x1xi32>
    %eq3A_40 = vector.broadcast %add3A_39 : vector<256x1xi32> to vector<256x128xi32>
    %eq3A_41 = arith.cmpi eq, %iota3A, %eq3A_40 : vector<256x128xi32>
    %jit3A_42 = arith.constant 0.000000e+00 : f32
    %broadcast_in_dim3A_43 = vector.broadcast %jit3A_42 : f32 to vector<256x128xf32>
    %select_n3A_44 = arith.select %eq3A_41, %dot_general3A_7, %broadcast_in_dim3A_43 : vector<256x128xi1>, vector<256x128xf32>
    %reduce_sum3A_45 = arith.constant dense<0.000000e+00> : vector<256xf32>
    %reduce_sum3A_46 = vector.multi_reduction <add>, %select_n3A_44, %reduce_sum3A_45 [1] : vector<256x128xf32> to vector<256xf32>
    %broadcast_in_dim3A_47 = vector.shape_cast %reduce_sum3A_46 : vector<256xf32> to vector<256x1xf32>
    %mul3A_48 = arith.constant 5.000000e-01 : f32
    %mul3A_49 = vector.broadcast %mul3A_48 : f32 to vector<256x1xf32>
    %mul3A_50 = arith.mulf %mul3A_49, %broadcast_in_dim3A_47 : vector<256x1xf32>
    %mul3A_51 = arith.constant 0.707106769 : f32
    %mul3A_52 = vector.broadcast %mul3A_51 : f32 to vector<256x1xf32>
    %mul3A_53 = arith.mulf %broadcast_in_dim3A_47, %mul3A_52 : vector<256x1xf32>
    %erf3A_54 = math.erf %mul3A_53 : vector<256x1xf32>
    %add3A_55 = arith.constant 1.000000e+00 : f32
    %add3A_56 = vector.broadcast %add3A_55 : f32 to vector<256x1xf32>
    %add3A_57 = arith.addf %add3A_56, %erf3A_54 : vector<256x1xf32>
    %mul3A_58 = arith.mulf %mul3A_50, %add3A_57 : vector<256x1xf32>
    %jit3A_59 = arith.constant 0.000000e+00 : f32
    %broadcast_in_dim3A_60 = vector.shape_cast %mul3A_58 : vector<256x1xf32> to vector<256x1xf32>
    %broadcast_in_dim3A_61 = vector.broadcast %broadcast_in_dim3A_60 : vector<256x1xf32> to vector<256x128xf32>
    %broadcast_in_dim3A_62 = vector.broadcast %jit3A_59 : f32 to vector<256x128xf32>
    %select_n3A_63 = arith.select %eq3A_41, %broadcast_in_dim3A_61, %broadcast_in_dim3A_62 : vector<256x128xi1>, vector<256x128xf32>
    %add3A_64 = arith.addf %add3A_29, %select_n3A_63 : vector<256x128xf32>
    %mul3A_65 = arith.constant 2 : i32
    %mul3A_66 = vector.broadcast %mul3A_65 : i32 to vector<256x1xi32>
    %mul3A_67 = arith.muli %add3A_39, %mul3A_66 : vector<256x1xi32>
    %add3A_68 = arith.constant 1 : i32
    %add3A_69 = vector.broadcast %add3A_68 : i32 to vector<256x1xi32>
    %add3A_70 = arith.addi %mul3A_67, %add3A_69 : vector<256x1xi32>
    %ge3A_71 = arith.constant 0.000000e+00 : f32
    %ge3A_72 = vector.broadcast %ge3A_71 : f32 to vector<256x1xf32>
    %ge3A_73 = arith.cmpf oge, %broadcast_in_dim3A_47, %ge3A_72 : vector<256x1xf32>
    %convert_element_type3A_74 = arith.extui %ge3A_73 : vector<256x1xi1> to vector<256x1xi32>
    %add3A_75 = arith.addi %add3A_70, %convert_element_type3A_74 : vector<256x1xi32>
    %eq3A_76 = vector.broadcast %add3A_75 : vector<256x1xi32> to vector<256x128xi32>
    %eq3A_77 = arith.cmpi eq, %iota3A, %eq3A_76 : vector<256x128xi32>
    %jit3A_78 = arith.constant 0.000000e+00 : f32
    %broadcast_in_dim3A_79 = vector.broadcast %jit3A_78 : f32 to vector<256x128xf32>
    %select_n3A_80 = arith.select %eq3A_77, %dot_general3A_7, %broadcast_in_dim3A_79 : vector<256x128xi1>, vector<256x128xf32>
    %reduce_sum3A_81 = arith.constant dense<0.000000e+00> : vector<256xf32>
    %reduce_sum3A_82 = vector.multi_reduction <add>, %select_n3A_80, %reduce_sum3A_81 [1] : vector<256x128xf32> to vector<256xf32>
    %broadcast_in_dim3A_83 = vector.shape_cast %reduce_sum3A_82 : vector<256xf32> to vector<256x1xf32>
    %mul3A_84 = arith.constant 5.000000e-01 : f32
    %mul3A_85 = vector.broadcast %mul3A_84 : f32 to vector<256x1xf32>
    %mul3A_86 = arith.mulf %mul3A_85, %broadcast_in_dim3A_83 : vector<256x1xf32>
    %mul3A_87 = arith.constant 0.707106769 : f32
    %mul3A_88 = vector.broadcast %mul3A_87 : f32 to vector<256x1xf32>
    %mul3A_89 = arith.mulf %broadcast_in_dim3A_83, %mul3A_88 : vector<256x1xf32>
    %erf3A_90 = math.erf %mul3A_89 : vector<256x1xf32>
    %add3A_91 = arith.constant 1.000000e+00 : f32
    %add3A_92 = vector.broadcast %add3A_91 : f32 to vector<256x1xf32>
    %add3A_93 = arith.addf %add3A_92, %erf3A_90 : vector<256x1xf32>
    %mul3A_94 = arith.mulf %mul3A_86, %add3A_93 : vector<256x1xf32>
    %jit3A_95 = arith.constant 0.000000e+00 : f32
    %broadcast_in_dim3A_96 = vector.shape_cast %mul3A_94 : vector<256x1xf32> to vector<256x1xf32>
    %broadcast_in_dim3A_97 = vector.broadcast %broadcast_in_dim3A_96 : vector<256x1xf32> to vector<256x128xf32>
    %broadcast_in_dim3A_98 = vector.broadcast %jit3A_95 : f32 to vector<256x128xf32>
    %select_n3A_99 = arith.select %eq3A_77, %broadcast_in_dim3A_97, %broadcast_in_dim3A_98 : vector<256x128xi1>, vector<256x128xf32>
    %add3A_100 = arith.addf %add3A_64, %select_n3A_99 : vector<256x128xf32>
    %mul3A_101 = arith.constant 2 : i32
    %mul3A_102 = vector.broadcast %mul3A_101 : i32 to vector<256x1xi32>
    %mul3A_103 = arith.muli %add3A_75, %mul3A_102 : vector<256x1xi32>
    %add3A_104 = arith.constant 1 : i32
    %add3A_105 = vector.broadcast %add3A_104 : i32 to vector<256x1xi32>
    %add3A_106 = arith.addi %mul3A_103, %add3A_105 : vector<256x1xi32>
    %ge3A_107 = arith.constant 0.000000e+00 : f32
    %ge3A_108 = vector.broadcast %ge3A_107 : f32 to vector<256x1xf32>
    %ge3A_109 = arith.cmpf oge, %broadcast_in_dim3A_83, %ge3A_108 : vector<256x1xf32>
    %convert_element_type3A_110 = arith.extui %ge3A_109 : vector<256x1xi1> to vector<256x1xi32>
    %add3A_111 = arith.addi %add3A_106, %convert_element_type3A_110 : vector<256x1xi32>
    %eq3A_112 = vector.broadcast %add3A_111 : vector<256x1xi32> to vector<256x128xi32>
    %eq3A_113 = arith.cmpi eq, %iota3A, %eq3A_112 : vector<256x128xi32>
    %jit3A_114 = arith.constant 0.000000e+00 : f32
    %broadcast_in_dim3A_115 = vector.broadcast %jit3A_114 : f32 to vector<256x128xf32>
    %select_n3A_116 = arith.select %eq3A_113, %dot_general3A_7, %broadcast_in_dim3A_115 : vector<256x128xi1>, vector<256x128xf32>
    %reduce_sum3A_117 = arith.constant dense<0.000000e+00> : vector<256xf32>
    %reduce_sum3A_118 = vector.multi_reduction <add>, %select_n3A_116, %reduce_sum3A_117 [1] : vector<256x128xf32> to vector<256xf32>
    %broadcast_in_dim3A_119 = vector.shape_cast %reduce_sum3A_118 : vector<256xf32> to vector<256x1xf32>
    %mul3A_120 = arith.constant 5.000000e-01 : f32
    %mul3A_121 = vector.broadcast %mul3A_120 : f32 to vector<256x1xf32>
    %mul3A_122 = arith.mulf %mul3A_121, %broadcast_in_dim3A_119 : vector<256x1xf32>
    %mul3A_123 = arith.constant 0.707106769 : f32
    %mul3A_124 = vector.broadcast %mul3A_123 : f32 to vector<256x1xf32>
    %mul3A_125 = arith.mulf %broadcast_in_dim3A_119, %mul3A_124 : vector<256x1xf32>
    %erf3A_126 = math.erf %mul3A_125 : vector<256x1xf32>
    %add3A_127 = arith.constant 1.000000e+00 : f32
    %add3A_128 = vector.broadcast %add3A_127 : f32 to vector<256x1xf32>
    %add3A_129 = arith.addf %add3A_128, %erf3A_126 : vector<256x1xf32>
    %mul3A_130 = arith.mulf %mul3A_122, %add3A_129 : vector<256x1xf32>
    %jit3A_131 = arith.constant 0.000000e+00 : f32
    %broadcast_in_dim3A_132 = vector.shape_cast %mul3A_130 : vector<256x1xf32> to vector<256x1xf32>
    %broadcast_in_dim3A_133 = vector.broadcast %broadcast_in_dim3A_132 : vector<256x1xf32> to vector<256x128xf32>
    %broadcast_in_dim3A_134 = vector.broadcast %jit3A_131 : f32 to vector<256x128xf32>
    %select_n3A_135 = arith.select %eq3A_113, %broadcast_in_dim3A_133, %broadcast_in_dim3A_134 : vector<256x128xi1>, vector<256x128xf32>
    %add3A_136 = arith.addf %add3A_100, %select_n3A_135 : vector<256x128xf32>
    %mul3A_137 = arith.constant 2 : i32
    %mul3A_138 = vector.broadcast %mul3A_137 : i32 to vector<256x1xi32>
    %mul3A_139 = arith.muli %add3A_111, %mul3A_138 : vector<256x1xi32>
    %add3A_140 = arith.constant 1 : i32
    %add3A_141 = vector.broadcast %add3A_140 : i32 to vector<256x1xi32>
    %add3A_142 = arith.addi %mul3A_139, %add3A_141 : vector<256x1xi32>
    %ge3A_143 = arith.constant 0.000000e+00 : f32
    %ge3A_144 = vector.broadcast %ge3A_143 : f32 to vector<256x1xf32>
    %ge3A_145 = arith.cmpf oge, %broadcast_in_dim3A_119, %ge3A_144 : vector<256x1xf32>
    %convert_element_type3A_146 = arith.extui %ge3A_145 : vector<256x1xi1> to vector<256x1xi32>
    %add3A_147 = arith.addi %add3A_142, %convert_element_type3A_146 : vector<256x1xi32>
    %eq3A_148 = vector.broadcast %add3A_147 : vector<256x1xi32> to vector<256x128xi32>
    %eq3A_149 = arith.cmpi eq, %iota3A, %eq3A_148 : vector<256x128xi32>
    %jit3A_150 = arith.constant 0.000000e+00 : f32
    %broadcast_in_dim3A_151 = vector.broadcast %jit3A_150 : f32 to vector<256x128xf32>
    %select_n3A_152 = arith.select %eq3A_149, %dot_general3A_7, %broadcast_in_dim3A_151 : vector<256x128xi1>, vector<256x128xf32>
    %reduce_sum3A_153 = arith.constant dense<0.000000e+00> : vector<256xf32>
    %reduce_sum3A_154 = vector.multi_reduction <add>, %select_n3A_152, %reduce_sum3A_153 [1] : vector<256x128xf32> to vector<256xf32>
    %broadcast_in_dim3A_155 = vector.shape_cast %reduce_sum3A_154 : vector<256xf32> to vector<256x1xf32>
    %mul3A_156 = arith.constant 5.000000e-01 : f32
    %mul3A_157 = vector.broadcast %mul3A_156 : f32 to vector<256x1xf32>
    %mul3A_158 = arith.mulf %mul3A_157, %broadcast_in_dim3A_155 : vector<256x1xf32>
    %mul3A_159 = arith.constant 0.707106769 : f32
    %mul3A_160 = vector.broadcast %mul3A_159 : f32 to vector<256x1xf32>
    %mul3A_161 = arith.mulf %broadcast_in_dim3A_155, %mul3A_160 : vector<256x1xf32>
    %erf3A_162 = math.erf %mul3A_161 : vector<256x1xf32>
    %add3A_163 = arith.constant 1.000000e+00 : f32
    %add3A_164 = vector.broadcast %add3A_163 : f32 to vector<256x1xf32>
    %add3A_165 = arith.addf %add3A_164, %erf3A_162 : vector<256x1xf32>
    %mul3A_166 = arith.mulf %mul3A_158, %add3A_165 : vector<256x1xf32>
    %jit3A_167 = arith.constant 0.000000e+00 : f32
    %broadcast_in_dim3A_168 = vector.shape_cast %mul3A_166 : vector<256x1xf32> to vector<256x1xf32>
    %broadcast_in_dim3A_169 = vector.broadcast %broadcast_in_dim3A_168 : vector<256x1xf32> to vector<256x128xf32>
    %broadcast_in_dim3A_170 = vector.broadcast %jit3A_167 : f32 to vector<256x128xf32>
    %select_n3A_171 = arith.select %eq3A_149, %broadcast_in_dim3A_169, %broadcast_in_dim3A_170 : vector<256x128xi1>, vector<256x128xf32>
    %add3A_172 = arith.addf %add3A_136, %select_n3A_171 : vector<256x128xf32>
    %mul3A_173 = arith.constant 2 : i32
    %mul3A_174 = vector.broadcast %mul3A_173 : i32 to vector<256x1xi32>
    %mul3A_175 = arith.muli %add3A_147, %mul3A_174 : vector<256x1xi32>
    %add3A_176 = arith.constant 1 : i32
    %add3A_177 = vector.broadcast %add3A_176 : i32 to vector<256x1xi32>
    %add3A_178 = arith.addi %mul3A_175, %add3A_177 : vector<256x1xi32>
    %ge3A_179 = arith.constant 0.000000e+00 : f32
    %ge3A_180 = vector.broadcast %ge3A_179 : f32 to vector<256x1xf32>
    %ge3A_181 = arith.cmpf oge, %broadcast_in_dim3A_155, %ge3A_180 : vector<256x1xf32>
    %convert_element_type3A_182 = arith.extui %ge3A_181 : vector<256x1xi1> to vector<256x1xi32>
    %add3A_183 = arith.addi %add3A_178, %convert_element_type3A_182 : vector<256x1xi32>
    %eq3A_184 = vector.broadcast %add3A_183 : vector<256x1xi32> to vector<256x128xi32>
    %eq3A_185 = arith.cmpi eq, %iota3A, %eq3A_184 : vector<256x128xi32>
    %jit3A_186 = arith.constant 0.000000e+00 : f32
    %broadcast_in_dim3A_187 = vector.broadcast %jit3A_186 : f32 to vector<256x128xf32>
    %select_n3A_188 = arith.select %eq3A_185, %dot_general3A_7, %broadcast_in_dim3A_187 : vector<256x128xi1>, vector<256x128xf32>
    %reduce_sum3A_189 = arith.constant dense<0.000000e+00> : vector<256xf32>
    %reduce_sum3A_190 = vector.multi_reduction <add>, %select_n3A_188, %reduce_sum3A_189 [1] : vector<256x128xf32> to vector<256xf32>
    %broadcast_in_dim3A_191 = vector.shape_cast %reduce_sum3A_190 : vector<256xf32> to vector<256x1xf32>
    %mul3A_192 = arith.constant 5.000000e-01 : f32
    %mul3A_193 = vector.broadcast %mul3A_192 : f32 to vector<256x1xf32>
    %mul3A_194 = arith.mulf %mul3A_193, %broadcast_in_dim3A_191 : vector<256x1xf32>
    %mul3A_195 = arith.constant 0.707106769 : f32
    %mul3A_196 = vector.broadcast %mul3A_195 : f32 to vector<256x1xf32>
    %mul3A_197 = arith.mulf %broadcast_in_dim3A_191, %mul3A_196 : vector<256x1xf32>
    %erf3A_198 = math.erf %mul3A_197 : vector<256x1xf32>
    %add3A_199 = arith.constant 1.000000e+00 : f32
    %add3A_200 = vector.broadcast %add3A_199 : f32 to vector<256x1xf32>
    %add3A_201 = arith.addf %add3A_200, %erf3A_198 : vector<256x1xf32>
    %mul3A_202 = arith.mulf %mul3A_194, %add3A_201 : vector<256x1xf32>
    %jit3A_203 = arith.constant 0.000000e+00 : f32
    %broadcast_in_dim3A_204 = vector.shape_cast %mul3A_202 : vector<256x1xf32> to vector<256x1xf32>
    %broadcast_in_dim3A_205 = vector.broadcast %broadcast_in_dim3A_204 : vector<256x1xf32> to vector<256x128xf32>
    %broadcast_in_dim3A_206 = vector.broadcast %jit3A_203 : f32 to vector<256x128xf32>
    %select_n3A_207 = arith.select %eq3A_185, %broadcast_in_dim3A_205, %broadcast_in_dim3A_206 : vector<256x128xi1>, vector<256x128xf32>
    %add3A_208 = arith.addf %add3A_172, %select_n3A_207 : vector<256x128xf32>
    %mul3A_209 = arith.constant 2 : i32
    %mul3A_210 = vector.broadcast %mul3A_209 : i32 to vector<256x1xi32>
    %mul3A_211 = arith.muli %add3A_183, %mul3A_210 : vector<256x1xi32>
    %add3A_212 = arith.constant 1 : i32
    %add3A_213 = vector.broadcast %add3A_212 : i32 to vector<256x1xi32>
    %add3A_214 = arith.addi %mul3A_211, %add3A_213 : vector<256x1xi32>
    %ge3A_215 = arith.constant 0.000000e+00 : f32
    %ge3A_216 = vector.broadcast %ge3A_215 : f32 to vector<256x1xf32>
    %ge3A_217 = arith.cmpf oge, %broadcast_in_dim3A_191, %ge3A_216 : vector<256x1xf32>
    %convert_element_type3A_218 = arith.extui %ge3A_217 : vector<256x1xi1> to vector<256x1xi32>
    %add3A_219 = arith.addi %add3A_214, %convert_element_type3A_218 : vector<256x1xi32>
    %eq3A_220 = vector.broadcast %add3A_219 : vector<256x1xi32> to vector<256x128xi32>
    %eq3A_221 = arith.cmpi eq, %iota3A, %eq3A_220 : vector<256x128xi32>
    %jit3A_222 = arith.constant 0.000000e+00 : f32
    %broadcast_in_dim3A_223 = vector.broadcast %jit3A_222 : f32 to vector<256x128xf32>
    %select_n3A_224 = arith.select %eq3A_221, %dot_general3A_7, %broadcast_in_dim3A_223 : vector<256x128xi1>, vector<256x128xf32>
    %reduce_sum3A_225 = arith.constant dense<0.000000e+00> : vector<256xf32>
    %reduce_sum3A_226 = vector.multi_reduction <add>, %select_n3A_224, %reduce_sum3A_225 [1] : vector<256x128xf32> to vector<256xf32>
    %broadcast_in_dim3A_227 = vector.shape_cast %reduce_sum3A_226 : vector<256xf32> to vector<256x1xf32>
    %mul3A_228 = arith.constant 5.000000e-01 : f32
    %mul3A_229 = vector.broadcast %mul3A_228 : f32 to vector<256x1xf32>
    %mul3A_230 = arith.mulf %mul3A_229, %broadcast_in_dim3A_227 : vector<256x1xf32>
    %mul3A_231 = arith.constant 0.707106769 : f32
    %mul3A_232 = vector.broadcast %mul3A_231 : f32 to vector<256x1xf32>
    %mul3A_233 = arith.mulf %broadcast_in_dim3A_227, %mul3A_232 : vector<256x1xf32>
    %erf3A_234 = math.erf %mul3A_233 : vector<256x1xf32>
    %add3A_235 = arith.constant 1.000000e+00 : f32
    %add3A_236 = vector.broadcast %add3A_235 : f32 to vector<256x1xf32>
    %add3A_237 = arith.addf %add3A_236, %erf3A_234 : vector<256x1xf32>
    %mul3A_238 = arith.mulf %mul3A_230, %add3A_237 : vector<256x1xf32>
    %jit3A_239 = arith.constant 0.000000e+00 : f32
    %broadcast_in_dim3A_240 = vector.shape_cast %mul3A_238 : vector<256x1xf32> to vector<256x1xf32>
    %broadcast_in_dim3A_241 = vector.broadcast %broadcast_in_dim3A_240 : vector<256x1xf32> to vector<256x128xf32>
    %broadcast_in_dim3A_242 = vector.broadcast %jit3A_239 : f32 to vector<256x128xf32>
    %select_n3A_243 = arith.select %eq3A_221, %broadcast_in_dim3A_241, %broadcast_in_dim3A_242 : vector<256x128xi1>, vector<256x128xf32>
    %add3A_244 = arith.addf %add3A_208, %select_n3A_243 : vector<256x128xf32>
    %mul3A_245 = arith.constant 2 : i32
    %mul3A_246 = vector.broadcast %mul3A_245 : i32 to vector<256x1xi32>
    %mul3A_247 = arith.muli %add3A_219, %mul3A_246 : vector<256x1xi32>
    %add3A_248 = arith.constant 1 : i32
    %add3A_249 = vector.broadcast %add3A_248 : i32 to vector<256x1xi32>
    %add3A_250 = arith.addi %mul3A_247, %add3A_249 : vector<256x1xi32>
    %ge3A_251 = arith.constant 0.000000e+00 : f32
    %ge3A_252 = vector.broadcast %ge3A_251 : f32 to vector<256x1xf32>
    %ge3A_253 = arith.cmpf oge, %broadcast_in_dim3A_227, %ge3A_252 : vector<256x1xf32>
    %convert_element_type3A_254 = arith.extui %ge3A_253 : vector<256x1xi1> to vector<256x1xi32>
    %add3A_255 = arith.addi %add3A_250, %convert_element_type3A_254 : vector<256x1xi32>
    %swap3A = arith.constant 0 : index
    %swap3A_256 = arith.constant 0 : index
    %swap3A_257 = vector.load %arg3[%swap3A, %swap3A_256] : memref<256x128xf32, #tpu.memory_space<vmem>>, vector<256x128xf32>
    tpu.vector_store %arg3[%swap3A, %swap3A_256], %add3A_244 {strides = array<i32>} : memref<256x128xf32, #tpu.memory_space<vmem>>, vector<256x128xf32>,
    %sub3A = arith.constant 127 : i32
    %sub3A_258 = vector.broadcast %sub3A : i32 to vector<256x1xi32>
    %sub3A_259 = arith.subi %add3A_255, %sub3A_258 : vector<256x1xi32>
    %eq3A_260 = vector.broadcast %sub3A_259 : vector<256x1xi32> to vector<256x128xi32>
    %eq3A_261 = arith.cmpi eq, %iota3A, %eq3A_260 : vector<256x128xi32>
    %convert_element_type3A_262 = arith.extui %eq3A_261 : vector<256x128xi1> to vector<256x128xi32>
    %convert_element_type3A_263 = arith.sitofp %convert_element_type3A_262 : vector<256x128xi32> to vector<256x128xf32>
    %iota3A_264 = tpu.iota {dimensions = array<i32: 0>} : vector<256x256xi32>
    %iota3A_265 = tpu.iota {dimensions = array<i32: 1>} : vector<256x256xi32>
    %lt3A = arith.cmpi slt, %iota3A_265, %iota3A_264 : vector<256x256xi32>
    %convert_element_type3A_266 = arith.extui %lt3A : vector<256x256xi1> to vector<256x256xi32>
    %convert_element_type3A_267 = arith.sitofp %convert_element_type3A_266 : vector<256x256xi32> to vector<256x256xf32>
    %dot_general3A_268 = arith.constant dense<0.000000e+00> : vector<256x128xf32>
    %dot_general3A_269 = tpu.matmul %convert_element_type3A_267, %convert_element_type3A_263, %dot_general3A_268 {dimension_numbers = #tpu.dot_dimension_numbers<[1], [0], [0], [1], [0, 0, 1, 1], [], []>, transpose_lhs_hint = false} : vector<256x256xf32>, vector<256x128xf32>, vector<256x128xf32> -> vector<256x128xf32>
    %get3A_270 = arith.constant 0 : index
    %get3A_271 = arith.constant 0 : index
    %get3A_272 = vector.load %arg5[%get3A_270, %get3A_271] : memref<8x128xf32, #tpu.memory_space<vmem>>, vector<1x128xf32>
    %add3A_273 = vector.broadcast %get3A_272 : vector<1x128xf32> to vector<256x128xf32>
    %add3A_274 = arith.addf %dot_general3A_269, %add3A_273 : vector<256x128xf32>
    %mul3A_275 = arith.mulf %add3A_274, %convert_element_type3A_263 : vector<256x128xf32>
    %reduce_sum3A_276 = arith.constant dense<0.000000e+00> : vector<256xf32>
    %reduce_sum3A_277 = vector.multi_reduction <add>, %mul3A_275, %reduce_sum3A_276 [1] : vector<256x128xf32> to vector<256xf32>
    %broadcast_in_dim3A_278 = vector.shape_cast %reduce_sum3A_277 : vector<256xf32> to vector<256x1xf32>
    %get3A_279 = arith.constant 0 : index
    %get3A_280 = arith.constant 0 : index
    %get3A_281 = vector.load %arg5[%get3A_279, %get3A_280] : memref<8x128xf32, #tpu.memory_space<vmem>>, vector<1x128xf32>
    %reduce_sum3A_282 = arith.constant dense<0.000000e+00> : vector<128xf32>
    %reduce_sum3A_283 = vector.multi_reduction <add>, %convert_element_type3A_263, %reduce_sum3A_282 [0] : vector<256x128xf32> to vector<128xf32>
    %broadcast_in_dim3A_284 = vector.shape_cast %reduce_sum3A_283 : vector<128xf32> to vector<1x128xf32>
    %add3A_285 = arith.addf %get3A_281, %broadcast_in_dim3A_284 : vector<1x128xf32>
    %swap3A_286 = arith.constant 0 : index
    %swap3A_287 = arith.constant 0 : index
    %swap3A_288 = vector.load %arg5[%swap3A_286, %swap3A_287] : memref<8x128xf32, #tpu.memory_space<vmem>>, vector<1x128xf32>
    tpu.vector_store %arg5[%swap3A_286, %swap3A_287], %add3A_285 {strides = array<i32>} : memref<8x128xf32, #tpu.memory_space<vmem>>, vector<1x128xf32>,
    %mul3A_289 = arith.constant 64 : i32
    %mul3A_290 = vector.broadcast %mul3A_289 : i32 to vector<256x1xi32>
    %mul3A_291 = arith.muli %sub3A_259, %mul3A_290 : vector<256x1xi32>
    %convert_element_type3A_292 = arith.fptosi %broadcast_in_dim3A_278 : vector<256x1xf32> to vector<256x1xi32>
    %min3A = arith.constant 63 : i32
    %min3A_293 = vector.broadcast %min3A : i32 to vector<256x1xi32>
    %min3A_294 = arith.minsi %convert_element_type3A_292, %min3A_293 : vector<256x1xi32>
    %add3A_295 = arith.addi %mul3A_291, %min3A_294 : vector<256x1xi32>
    %eq3A_296 = arith.cmpi eq, %iota3A_264, %iota3A_265 : vector<256x256xi32>
    %convert_element_type3A_297 = arith.extui %eq3A_296 : vector<256x256xi1> to vector<256x256xi32>
    %mul3A_298 = vector.broadcast %add3A_295 : vector<256x1xi32> to vector<256x256xi32>
    %mul3A_299 = arith.muli %mul3A_298, %convert_element_type3A_297 : vector<256x256xi32>
    %reduce_sum3A_300 = arith.constant dense<0> : vector<256xi32>
    %reduce_sum3A_301 = vector.multi_reduction <add>, %mul3A_299, %reduce_sum3A_300 [0] : vector<256x256xi32> to vector<256xi32>
    %broadcast_in_dim3A_302 = vector.shape_cast %reduce_sum3A_301 : vector<256xi32> to vector<1x256xi32>
    %swap3A_303 = arith.constant 0 : index
    %swap3A_304 = arith.constant 0 : index
    %swap3A_305 = arith.constant 0 : index
    %swap3A_306 = vector.load %arg4[%swap3A_303, %swap3A_304, %swap3A_305] : memref<1x1x256xi32, #tpu.memory_space<vmem>>, vector<1x1x256xi32>
    %swap3A_307 = vector.shape_cast %swap3A_306 : vector<1x1x256xi32> to vector<1x256xi32>
    %swap3A_308 = vector.shape_cast %broadcast_in_dim3A_302 : vector<1x256xi32> to vector<1x1x256xi32>
    tpu.vector_store %arg4[%swap3A_303, %swap3A_304, %swap3A_305], %swap3A_308 {strides = array<i32>} : memref<1x1x256xi32, #tpu.memory_space<vmem>>, vector<1x1x256xi32>,
    return
  }
  func.func @transform_0(%arg0: i32) -> (i32, i32) {
    %c0_i32 = arith.constant 0 : i32
    %c0_i32_0 = arith.constant 0 : i32
    return %arg0, %c0_i32 : i32, i32
  }
  func.func @transform_1(%arg0: i32) -> (i32, i32) {
    %c0_i32 = arith.constant 0 : i32
    %c0_i32_0 = arith.constant 0 : i32
    %c0_i32_1 = arith.constant 0 : i32
    return %c0_i32, %c0_i32_0 : i32, i32
  }
  func.func @transform_2(%arg0: i32) -> (i32, i32) {
    %c0_i32 = arith.constant 0 : i32
    %c0_i32_0 = arith.constant 0 : i32
    return %arg0, %c0_i32 : i32, i32
  }
  func.func @transform_3(%arg0: i32) -> (i32, i32, i32) {
    %c0_i32 = arith.constant 0 : i32
    %c0_i32_0 = arith.constant 0 : i32
    %c0_i32_1 = arith.constant 0 : i32
    return %arg0, %c0_i32, %c0_i32_0 : i32, i32, i32
  }
}

module attributes {stable_mosaic.version = 14 : i64} {
  func.func @_tc2_kernel(%arg0: i32, %arg1: memref<512x1024xf32, #tpu.memory_space<vmem>>, %arg2: memref<8x32x1024xf32, #tpu.memory_space<vmem>>, %arg3: memref<8x32x1024xf32, #tpu.memory_space<vmem>>, %arg4: memref<512x1024xf32, #tpu.memory_space<vmem>>) attributes {dimension_semantics = [#tpu.dimension_semantics<arbitrary>], iteration_bounds = array<i64: 16>, scalar_prefetch = 0 : i64, scratch_operands = 0 : i64, tpu.core_type = #tpu.core_type<tc>, window_params = [{transform_indices = @transform_0, window_bounds = array<i64: 512, 1024>}, {transform_indices = @transform_1, window_bounds = array<i64: 8, 32, 1024>}, {transform_indices = @transform_2, window_bounds = array<i64: 8, 32, 1024>}, {transform_indices = @transform_3, window_bounds = array<i64: 512, 1024>}]} {
    %iota3A = tpu.iota {dimensions = array<i32: 1>} : vector<64x32xi32>
    %get3A = arith.constant 0 : index
    %get3A_0 = arith.constant 0 : index
    %get3A_1 = vector.load %arg1[%get3A, %get3A_0] : memref<512x1024xf32, #tpu.memory_space<vmem>>, vector<64x1024xf32>
    %get3A_2 = arith.constant 0 : index
    %get3A_3 = arith.constant 0 : index
    %get3A_4 = arith.constant 0 : index
    %get3A_5 = vector.load %arg2[%get3A_2, %get3A_3, %get3A_4] : memref<8x32x1024xf32, #tpu.memory_space<vmem>>, vector<1x32x1024xf32>
    %get3A_6 = vector.shape_cast %get3A_5 : vector<1x32x1024xf32> to vector<32x1024xf32>
    %dot_general3A = arith.constant dense<0.000000e+00> : vector<64x32xf32>
    %dot_general3A_7 = tpu.matmul %get3A_1, %get3A_6, %dot_general3A {dimension_numbers = #tpu.dot_dimension_numbers<[1], [1], [0], [0], [0, 0, 1, 0], [], []>, precision = #tpu.contract_precision<fp32>, transpose_lhs_hint = false} : vector<64x1024xf32>, vector<32x1024xf32>, vector<64x32xf32> -> vector<64x32xf32>
    %broadcast_in_dim3A = arith.constant 0 : i32
    %broadcast_in_dim3A_8 = vector.broadcast %broadcast_in_dim3A : i32 to vector<64x1xi32>
    %broadcast_in_dim3A_9 = arith.constant 0.000000e+00 : f32
    %broadcast_in_dim3A_10 = vector.broadcast %broadcast_in_dim3A_9 : f32 to vector<64x32xf32>
    %add3A = arith.constant 0 : i32
    %add3A_11 = vector.broadcast %add3A : i32 to vector<64x1xi32>
    %add3A_12 = arith.addi %add3A_11, %broadcast_in_dim3A_8 : vector<64x1xi32>
    %eq3A = vector.broadcast %add3A_12 : vector<64x1xi32> to vector<64x32xi32>
    %eq3A_13 = arith.cmpi eq, %iota3A, %eq3A : vector<64x32xi32>
    %jit3A = arith.constant 0.000000e+00 : f32
    %broadcast_in_dim3A_14 = vector.broadcast %jit3A : f32 to vector<64x32xf32>
    %select_n3A = arith.select %eq3A_13, %dot_general3A_7, %broadcast_in_dim3A_14 : vector<64x32xi1>, vector<64x32xf32>
    %reduce_sum3A = arith.constant dense<0.000000e+00> : vector<64xf32>
    %reduce_sum3A_15 = vector.multi_reduction <add>, %select_n3A, %reduce_sum3A [1] : vector<64x32xf32> to vector<64xf32>
    %broadcast_in_dim3A_16 = vector.shape_cast %reduce_sum3A_15 : vector<64xf32> to vector<64x1xf32>
    %mul3A = arith.constant 5.000000e-01 : f32
    %mul3A_17 = vector.broadcast %mul3A : f32 to vector<64x1xf32>
    %mul3A_18 = arith.mulf %mul3A_17, %broadcast_in_dim3A_16 : vector<64x1xf32>
    %mul3A_19 = arith.constant 0.707106769 : f32
    %mul3A_20 = vector.broadcast %mul3A_19 : f32 to vector<64x1xf32>
    %mul3A_21 = arith.mulf %broadcast_in_dim3A_16, %mul3A_20 : vector<64x1xf32>
    %erf3A = math.erf %mul3A_21 : vector<64x1xf32>
    %add3A_22 = arith.constant 1.000000e+00 : f32
    %add3A_23 = vector.broadcast %add3A_22 : f32 to vector<64x1xf32>
    %add3A_24 = arith.addf %add3A_23, %erf3A : vector<64x1xf32>
    %mul3A_25 = arith.mulf %mul3A_18, %add3A_24 : vector<64x1xf32>
    %jit3A_26 = arith.constant 0.000000e+00 : f32
    %broadcast_in_dim3A_27 = vector.shape_cast %mul3A_25 : vector<64x1xf32> to vector<64x1xf32>
    %broadcast_in_dim3A_28 = vector.broadcast %broadcast_in_dim3A_27 : vector<64x1xf32> to vector<64x32xf32>
    %broadcast_in_dim3A_29 = vector.broadcast %jit3A_26 : f32 to vector<64x32xf32>
    %select_n3A_30 = arith.select %eq3A_13, %broadcast_in_dim3A_28, %broadcast_in_dim3A_29 : vector<64x32xi1>, vector<64x32xf32>
    %add3A_31 = arith.addf %broadcast_in_dim3A_10, %select_n3A_30 : vector<64x32xf32>
    %mul3A_32 = arith.constant 2 : i32
    %mul3A_33 = vector.broadcast %mul3A_32 : i32 to vector<64x1xi32>
    %mul3A_34 = arith.muli %broadcast_in_dim3A_8, %mul3A_33 : vector<64x1xi32>
    %ge3A = arith.constant 0.000000e+00 : f32
    %ge3A_35 = vector.broadcast %ge3A : f32 to vector<64x1xf32>
    %ge3A_36 = arith.cmpf oge, %broadcast_in_dim3A_16, %ge3A_35 : vector<64x1xf32>
    %convert_element_type3A = arith.extui %ge3A_36 : vector<64x1xi1> to vector<64x1xi32>
    %add3A_37 = arith.addi %mul3A_34, %convert_element_type3A : vector<64x1xi32>
    %add3A_38 = arith.constant 1 : i32
    %add3A_39 = vector.broadcast %add3A_38 : i32 to vector<64x1xi32>
    %add3A_40 = arith.addi %add3A_39, %add3A_37 : vector<64x1xi32>
    %eq3A_41 = vector.broadcast %add3A_40 : vector<64x1xi32> to vector<64x32xi32>
    %eq3A_42 = arith.cmpi eq, %iota3A, %eq3A_41 : vector<64x32xi32>
    %jit3A_43 = arith.constant 0.000000e+00 : f32
    %broadcast_in_dim3A_44 = vector.broadcast %jit3A_43 : f32 to vector<64x32xf32>
    %select_n3A_45 = arith.select %eq3A_42, %dot_general3A_7, %broadcast_in_dim3A_44 : vector<64x32xi1>, vector<64x32xf32>
    %reduce_sum3A_46 = arith.constant dense<0.000000e+00> : vector<64xf32>
    %reduce_sum3A_47 = vector.multi_reduction <add>, %select_n3A_45, %reduce_sum3A_46 [1] : vector<64x32xf32> to vector<64xf32>
    %broadcast_in_dim3A_48 = vector.shape_cast %reduce_sum3A_47 : vector<64xf32> to vector<64x1xf32>
    %mul3A_49 = arith.constant 5.000000e-01 : f32
    %mul3A_50 = vector.broadcast %mul3A_49 : f32 to vector<64x1xf32>
    %mul3A_51 = arith.mulf %mul3A_50, %broadcast_in_dim3A_48 : vector<64x1xf32>
    %mul3A_52 = arith.constant 0.707106769 : f32
    %mul3A_53 = vector.broadcast %mul3A_52 : f32 to vector<64x1xf32>
    %mul3A_54 = arith.mulf %broadcast_in_dim3A_48, %mul3A_53 : vector<64x1xf32>
    %erf3A_55 = math.erf %mul3A_54 : vector<64x1xf32>
    %add3A_56 = arith.constant 1.000000e+00 : f32
    %add3A_57 = vector.broadcast %add3A_56 : f32 to vector<64x1xf32>
    %add3A_58 = arith.addf %add3A_57, %erf3A_55 : vector<64x1xf32>
    %mul3A_59 = arith.mulf %mul3A_51, %add3A_58 : vector<64x1xf32>
    %jit3A_60 = arith.constant 0.000000e+00 : f32
    %broadcast_in_dim3A_61 = vector.shape_cast %mul3A_59 : vector<64x1xf32> to vector<64x1xf32>
    %broadcast_in_dim3A_62 = vector.broadcast %broadcast_in_dim3A_61 : vector<64x1xf32> to vector<64x32xf32>
    %broadcast_in_dim3A_63 = vector.broadcast %jit3A_60 : f32 to vector<64x32xf32>
    %select_n3A_64 = arith.select %eq3A_42, %broadcast_in_dim3A_62, %broadcast_in_dim3A_63 : vector<64x32xi1>, vector<64x32xf32>
    %add3A_65 = arith.addf %add3A_31, %select_n3A_64 : vector<64x32xf32>
    %mul3A_66 = arith.constant 2 : i32
    %mul3A_67 = vector.broadcast %mul3A_66 : i32 to vector<64x1xi32>
    %mul3A_68 = arith.muli %add3A_37, %mul3A_67 : vector<64x1xi32>
    %ge3A_69 = arith.constant 0.000000e+00 : f32
    %ge3A_70 = vector.broadcast %ge3A_69 : f32 to vector<64x1xf32>
    %ge3A_71 = arith.cmpf oge, %broadcast_in_dim3A_48, %ge3A_70 : vector<64x1xf32>
    %convert_element_type3A_72 = arith.extui %ge3A_71 : vector<64x1xi1> to vector<64x1xi32>
    %add3A_73 = arith.addi %mul3A_68, %convert_element_type3A_72 : vector<64x1xi32>
    %add3A_74 = arith.constant 3 : i32
    %add3A_75 = vector.broadcast %add3A_74 : i32 to vector<64x1xi32>
    %add3A_76 = arith.addi %add3A_75, %add3A_73 : vector<64x1xi32>
    %eq3A_77 = vector.broadcast %add3A_76 : vector<64x1xi32> to vector<64x32xi32>
    %eq3A_78 = arith.cmpi eq, %iota3A, %eq3A_77 : vector<64x32xi32>
    %jit3A_79 = arith.constant 0.000000e+00 : f32
    %broadcast_in_dim3A_80 = vector.broadcast %jit3A_79 : f32 to vector<64x32xf32>
    %select_n3A_81 = arith.select %eq3A_78, %dot_general3A_7, %broadcast_in_dim3A_80 : vector<64x32xi1>, vector<64x32xf32>
    %reduce_sum3A_82 = arith.constant dense<0.000000e+00> : vector<64xf32>
    %reduce_sum3A_83 = vector.multi_reduction <add>, %select_n3A_81, %reduce_sum3A_82 [1] : vector<64x32xf32> to vector<64xf32>
    %broadcast_in_dim3A_84 = vector.shape_cast %reduce_sum3A_83 : vector<64xf32> to vector<64x1xf32>
    %mul3A_85 = arith.constant 5.000000e-01 : f32
    %mul3A_86 = vector.broadcast %mul3A_85 : f32 to vector<64x1xf32>
    %mul3A_87 = arith.mulf %mul3A_86, %broadcast_in_dim3A_84 : vector<64x1xf32>
    %mul3A_88 = arith.constant 0.707106769 : f32
    %mul3A_89 = vector.broadcast %mul3A_88 : f32 to vector<64x1xf32>
    %mul3A_90 = arith.mulf %broadcast_in_dim3A_84, %mul3A_89 : vector<64x1xf32>
    %erf3A_91 = math.erf %mul3A_90 : vector<64x1xf32>
    %add3A_92 = arith.constant 1.000000e+00 : f32
    %add3A_93 = vector.broadcast %add3A_92 : f32 to vector<64x1xf32>
    %add3A_94 = arith.addf %add3A_93, %erf3A_91 : vector<64x1xf32>
    %mul3A_95 = arith.mulf %mul3A_87, %add3A_94 : vector<64x1xf32>
    %jit3A_96 = arith.constant 0.000000e+00 : f32
    %broadcast_in_dim3A_97 = vector.shape_cast %mul3A_95 : vector<64x1xf32> to vector<64x1xf32>
    %broadcast_in_dim3A_98 = vector.broadcast %broadcast_in_dim3A_97 : vector<64x1xf32> to vector<64x32xf32>
    %broadcast_in_dim3A_99 = vector.broadcast %jit3A_96 : f32 to vector<64x32xf32>
    %select_n3A_100 = arith.select %eq3A_78, %broadcast_in_dim3A_98, %broadcast_in_dim3A_99 : vector<64x32xi1>, vector<64x32xf32>
    %add3A_101 = arith.addf %add3A_65, %select_n3A_100 : vector<64x32xf32>
    %mul3A_102 = arith.constant 2 : i32
    %mul3A_103 = vector.broadcast %mul3A_102 : i32 to vector<64x1xi32>
    %mul3A_104 = arith.muli %add3A_73, %mul3A_103 : vector<64x1xi32>
    %ge3A_105 = arith.constant 0.000000e+00 : f32
    %ge3A_106 = vector.broadcast %ge3A_105 : f32 to vector<64x1xf32>
    %ge3A_107 = arith.cmpf oge, %broadcast_in_dim3A_84, %ge3A_106 : vector<64x1xf32>
    %convert_element_type3A_108 = arith.extui %ge3A_107 : vector<64x1xi1> to vector<64x1xi32>
    %add3A_109 = arith.addi %mul3A_104, %convert_element_type3A_108 : vector<64x1xi32>
    %add3A_110 = arith.constant 7 : i32
    %add3A_111 = vector.broadcast %add3A_110 : i32 to vector<64x1xi32>
    %add3A_112 = arith.addi %add3A_111, %add3A_109 : vector<64x1xi32>
    %eq3A_113 = vector.broadcast %add3A_112 : vector<64x1xi32> to vector<64x32xi32>
    %eq3A_114 = arith.cmpi eq, %iota3A, %eq3A_113 : vector<64x32xi32>
    %jit3A_115 = arith.constant 0.000000e+00 : f32
    %broadcast_in_dim3A_116 = vector.broadcast %jit3A_115 : f32 to vector<64x32xf32>
    %select_n3A_117 = arith.select %eq3A_114, %dot_general3A_7, %broadcast_in_dim3A_116 : vector<64x32xi1>, vector<64x32xf32>
    %reduce_sum3A_118 = arith.constant dense<0.000000e+00> : vector<64xf32>
    %reduce_sum3A_119 = vector.multi_reduction <add>, %select_n3A_117, %reduce_sum3A_118 [1] : vector<64x32xf32> to vector<64xf32>
    %broadcast_in_dim3A_120 = vector.shape_cast %reduce_sum3A_119 : vector<64xf32> to vector<64x1xf32>
    %mul3A_121 = arith.constant 5.000000e-01 : f32
    %mul3A_122 = vector.broadcast %mul3A_121 : f32 to vector<64x1xf32>
    %mul3A_123 = arith.mulf %mul3A_122, %broadcast_in_dim3A_120 : vector<64x1xf32>
    %mul3A_124 = arith.constant 0.707106769 : f32
    %mul3A_125 = vector.broadcast %mul3A_124 : f32 to vector<64x1xf32>
    %mul3A_126 = arith.mulf %broadcast_in_dim3A_120, %mul3A_125 : vector<64x1xf32>
    %erf3A_127 = math.erf %mul3A_126 : vector<64x1xf32>
    %add3A_128 = arith.constant 1.000000e+00 : f32
    %add3A_129 = vector.broadcast %add3A_128 : f32 to vector<64x1xf32>
    %add3A_130 = arith.addf %add3A_129, %erf3A_127 : vector<64x1xf32>
    %mul3A_131 = arith.mulf %mul3A_123, %add3A_130 : vector<64x1xf32>
    %jit3A_132 = arith.constant 0.000000e+00 : f32
    %broadcast_in_dim3A_133 = vector.shape_cast %mul3A_131 : vector<64x1xf32> to vector<64x1xf32>
    %broadcast_in_dim3A_134 = vector.broadcast %broadcast_in_dim3A_133 : vector<64x1xf32> to vector<64x32xf32>
    %broadcast_in_dim3A_135 = vector.broadcast %jit3A_132 : f32 to vector<64x32xf32>
    %select_n3A_136 = arith.select %eq3A_114, %broadcast_in_dim3A_134, %broadcast_in_dim3A_135 : vector<64x32xi1>, vector<64x32xf32>
    %add3A_137 = arith.addf %add3A_101, %select_n3A_136 : vector<64x32xf32>
    %mul3A_138 = arith.constant 2 : i32
    %mul3A_139 = vector.broadcast %mul3A_138 : i32 to vector<64x1xi32>
    %mul3A_140 = arith.muli %add3A_109, %mul3A_139 : vector<64x1xi32>
    %ge3A_141 = arith.constant 0.000000e+00 : f32
    %ge3A_142 = vector.broadcast %ge3A_141 : f32 to vector<64x1xf32>
    %ge3A_143 = arith.cmpf oge, %broadcast_in_dim3A_120, %ge3A_142 : vector<64x1xf32>
    %convert_element_type3A_144 = arith.extui %ge3A_143 : vector<64x1xi1> to vector<64x1xi32>
    %add3A_145 = arith.addi %mul3A_140, %convert_element_type3A_144 : vector<64x1xi32>
    %add3A_146 = arith.constant 15 : i32
    %add3A_147 = vector.broadcast %add3A_146 : i32 to vector<64x1xi32>
    %add3A_148 = arith.addi %add3A_147, %add3A_145 : vector<64x1xi32>
    %eq3A_149 = vector.broadcast %add3A_148 : vector<64x1xi32> to vector<64x32xi32>
    %eq3A_150 = arith.cmpi eq, %iota3A, %eq3A_149 : vector<64x32xi32>
    %jit3A_151 = arith.constant 0.000000e+00 : f32
    %broadcast_in_dim3A_152 = vector.broadcast %jit3A_151 : f32 to vector<64x32xf32>
    %select_n3A_153 = arith.select %eq3A_150, %dot_general3A_7, %broadcast_in_dim3A_152 : vector<64x32xi1>, vector<64x32xf32>
    %reduce_sum3A_154 = arith.constant dense<0.000000e+00> : vector<64xf32>
    %reduce_sum3A_155 = vector.multi_reduction <add>, %select_n3A_153, %reduce_sum3A_154 [1] : vector<64x32xf32> to vector<64xf32>
    %broadcast_in_dim3A_156 = vector.shape_cast %reduce_sum3A_155 : vector<64xf32> to vector<64x1xf32>
    %mul3A_157 = arith.constant 5.000000e-01 : f32
    %mul3A_158 = vector.broadcast %mul3A_157 : f32 to vector<64x1xf32>
    %mul3A_159 = arith.mulf %mul3A_158, %broadcast_in_dim3A_156 : vector<64x1xf32>
    %mul3A_160 = arith.constant 0.707106769 : f32
    %mul3A_161 = vector.broadcast %mul3A_160 : f32 to vector<64x1xf32>
    %mul3A_162 = arith.mulf %broadcast_in_dim3A_156, %mul3A_161 : vector<64x1xf32>
    %erf3A_163 = math.erf %mul3A_162 : vector<64x1xf32>
    %add3A_164 = arith.constant 1.000000e+00 : f32
    %add3A_165 = vector.broadcast %add3A_164 : f32 to vector<64x1xf32>
    %add3A_166 = arith.addf %add3A_165, %erf3A_163 : vector<64x1xf32>
    %mul3A_167 = arith.mulf %mul3A_159, %add3A_166 : vector<64x1xf32>
    %jit3A_168 = arith.constant 0.000000e+00 : f32
    %broadcast_in_dim3A_169 = vector.shape_cast %mul3A_167 : vector<64x1xf32> to vector<64x1xf32>
    %broadcast_in_dim3A_170 = vector.broadcast %broadcast_in_dim3A_169 : vector<64x1xf32> to vector<64x32xf32>
    %broadcast_in_dim3A_171 = vector.broadcast %jit3A_168 : f32 to vector<64x32xf32>
    %select_n3A_172 = arith.select %eq3A_150, %broadcast_in_dim3A_170, %broadcast_in_dim3A_171 : vector<64x32xi1>, vector<64x32xf32>
    %add3A_173 = arith.addf %add3A_137, %select_n3A_172 : vector<64x32xf32>
    %get3A_174 = arith.constant 0 : index
    %get3A_175 = arith.constant 0 : index
    %get3A_176 = arith.constant 0 : index
    %get3A_177 = vector.load %arg3[%get3A_174, %get3A_175, %get3A_176] : memref<8x32x1024xf32, #tpu.memory_space<vmem>>, vector<1x32x1024xf32>
    %get3A_178 = vector.shape_cast %get3A_177 : vector<1x32x1024xf32> to vector<32x1024xf32>
    %dot_general3A_179 = arith.constant dense<0.000000e+00> : vector<64x1024xf32>
    %dot_general3A_180 = tpu.matmul %add3A_173, %get3A_178, %dot_general3A_179 {dimension_numbers = #tpu.dot_dimension_numbers<[1], [0], [0], [1], [0, 0, 1, 1], [], []>, transpose_lhs_hint = false} : vector<64x32xf32>, vector<32x1024xf32>, vector<64x1024xf32> -> vector<64x1024xf32>
    %swap3A = arith.constant 0 : index
    %swap3A_181 = arith.constant 0 : index
    %swap3A_182 = vector.load %arg4[%swap3A, %swap3A_181] : memref<512x1024xf32, #tpu.memory_space<vmem>>, vector<64x1024xf32>
    tpu.vector_store %arg4[%swap3A, %swap3A_181], %dot_general3A_180 {strides = array<i32>} : memref<512x1024xf32, #tpu.memory_space<vmem>>, vector<64x1024xf32>,
    %get3A_183 = arith.constant 64 : index
    %get3A_184 = arith.constant 0 : index
    %get3A_185 = vector.load %arg1[%get3A_183, %get3A_184] : memref<512x1024xf32, #tpu.memory_space<vmem>>, vector<64x1024xf32>
    %get3A_186 = arith.constant 1 : index
    %get3A_187 = arith.constant 0 : index
    %get3A_188 = arith.constant 0 : index
    %get3A_189 = vector.load %arg2[%get3A_186, %get3A_187, %get3A_188] : memref<8x32x1024xf32, #tpu.memory_space<vmem>>, vector<1x32x1024xf32>
    %get3A_190 = vector.shape_cast %get3A_189 : vector<1x32x1024xf32> to vector<32x1024xf32>
    %dot_general3A_191 = arith.constant dense<0.000000e+00> : vector<64x32xf32>
    %dot_general3A_192 = tpu.matmul %get3A_185, %get3A_190, %dot_general3A_191 {dimension_numbers = #tpu.dot_dimension_numbers<[1], [1], [0], [0], [0, 0, 1, 0], [], []>, precision = #tpu.contract_precision<fp32>, transpose_lhs_hint = false} : vector<64x1024xf32>, vector<32x1024xf32>, vector<64x32xf32> -> vector<64x32xf32>
    %broadcast_in_dim3A_193 = arith.constant 0 : i32
    %broadcast_in_dim3A_194 = vector.broadcast %broadcast_in_dim3A_193 : i32 to vector<64x1xi32>
    %broadcast_in_dim3A_195 = arith.constant 0.000000e+00 : f32
    %broadcast_in_dim3A_196 = vector.broadcast %broadcast_in_dim3A_195 : f32 to vector<64x32xf32>
    %add3A_197 = arith.constant 0 : i32
    %add3A_198 = vector.broadcast %add3A_197 : i32 to vector<64x1xi32>
    %add3A_199 = arith.addi %add3A_198, %broadcast_in_dim3A_194 : vector<64x1xi32>
    %eq3A_200 = vector.broadcast %add3A_199 : vector<64x1xi32> to vector<64x32xi32>
    %eq3A_201 = arith.cmpi eq, %iota3A, %eq3A_200 : vector<64x32xi32>
    %jit3A_202 = arith.constant 0.000000e+00 : f32
    %broadcast_in_dim3A_203 = vector.broadcast %jit3A_202 : f32 to vector<64x32xf32>
    %select_n3A_204 = arith.select %eq3A_201, %dot_general3A_192, %broadcast_in_dim3A_203 : vector<64x32xi1>, vector<64x32xf32>
    %reduce_sum3A_205 = arith.constant dense<0.000000e+00> : vector<64xf32>
    %reduce_sum3A_206 = vector.multi_reduction <add>, %select_n3A_204, %reduce_sum3A_205 [1] : vector<64x32xf32> to vector<64xf32>
    %broadcast_in_dim3A_207 = vector.shape_cast %reduce_sum3A_206 : vector<64xf32> to vector<64x1xf32>
    %mul3A_208 = arith.constant 5.000000e-01 : f32
    %mul3A_209 = vector.broadcast %mul3A_208 : f32 to vector<64x1xf32>
    %mul3A_210 = arith.mulf %mul3A_209, %broadcast_in_dim3A_207 : vector<64x1xf32>
    %mul3A_211 = arith.constant 0.707106769 : f32
    %mul3A_212 = vector.broadcast %mul3A_211 : f32 to vector<64x1xf32>
    %mul3A_213 = arith.mulf %broadcast_in_dim3A_207, %mul3A_212 : vector<64x1xf32>
    %erf3A_214 = math.erf %mul3A_213 : vector<64x1xf32>
    %add3A_215 = arith.constant 1.000000e+00 : f32
    %add3A_216 = vector.broadcast %add3A_215 : f32 to vector<64x1xf32>
    %add3A_217 = arith.addf %add3A_216, %erf3A_214 : vector<64x1xf32>
    %mul3A_218 = arith.mulf %mul3A_210, %add3A_217 : vector<64x1xf32>
    %jit3A_219 = arith.constant 0.000000e+00 : f32
    %broadcast_in_dim3A_220 = vector.shape_cast %mul3A_218 : vector<64x1xf32> to vector<64x1xf32>
    %broadcast_in_dim3A_221 = vector.broadcast %broadcast_in_dim3A_220 : vector<64x1xf32> to vector<64x32xf32>
    %broadcast_in_dim3A_222 = vector.broadcast %jit3A_219 : f32 to vector<64x32xf32>
    %select_n3A_223 = arith.select %eq3A_201, %broadcast_in_dim3A_221, %broadcast_in_dim3A_222 : vector<64x32xi1>, vector<64x32xf32>
    %add3A_224 = arith.addf %broadcast_in_dim3A_196, %select_n3A_223 : vector<64x32xf32>
    %mul3A_225 = arith.constant 2 : i32
    %mul3A_226 = vector.broadcast %mul3A_225 : i32 to vector<64x1xi32>
    %mul3A_227 = arith.muli %broadcast_in_dim3A_194, %mul3A_226 : vector<64x1xi32>
    %ge3A_228 = arith.constant 0.000000e+00 : f32
    %ge3A_229 = vector.broadcast %ge3A_228 : f32 to vector<64x1xf32>
    %ge3A_230 = arith.cmpf oge, %broadcast_in_dim3A_207, %ge3A_229 : vector<64x1xf32>
    %convert_element_type3A_231 = arith.extui %ge3A_230 : vector<64x1xi1> to vector<64x1xi32>
    %add3A_232 = arith.addi %mul3A_227, %convert_element_type3A_231 : vector<64x1xi32>
    %add3A_233 = arith.constant 1 : i32
    %add3A_234 = vector.broadcast %add3A_233 : i32 to vector<64x1xi32>
    %add3A_235 = arith.addi %add3A_234, %add3A_232 : vector<64x1xi32>
    %eq3A_236 = vector.broadcast %add3A_235 : vector<64x1xi32> to vector<64x32xi32>
    %eq3A_237 = arith.cmpi eq, %iota3A, %eq3A_236 : vector<64x32xi32>
    %jit3A_238 = arith.constant 0.000000e+00 : f32
    %broadcast_in_dim3A_239 = vector.broadcast %jit3A_238 : f32 to vector<64x32xf32>
    %select_n3A_240 = arith.select %eq3A_237, %dot_general3A_192, %broadcast_in_dim3A_239 : vector<64x32xi1>, vector<64x32xf32>
    %reduce_sum3A_241 = arith.constant dense<0.000000e+00> : vector<64xf32>
    %reduce_sum3A_242 = vector.multi_reduction <add>, %select_n3A_240, %reduce_sum3A_241 [1] : vector<64x32xf32> to vector<64xf32>
    %broadcast_in_dim3A_243 = vector.shape_cast %reduce_sum3A_242 : vector<64xf32> to vector<64x1xf32>
    %mul3A_244 = arith.constant 5.000000e-01 : f32
    %mul3A_245 = vector.broadcast %mul3A_244 : f32 to vector<64x1xf32>
    %mul3A_246 = arith.mulf %mul3A_245, %broadcast_in_dim3A_243 : vector<64x1xf32>
    %mul3A_247 = arith.constant 0.707106769 : f32
    %mul3A_248 = vector.broadcast %mul3A_247 : f32 to vector<64x1xf32>
    %mul3A_249 = arith.mulf %broadcast_in_dim3A_243, %mul3A_248 : vector<64x1xf32>
    %erf3A_250 = math.erf %mul3A_249 : vector<64x1xf32>
    %add3A_251 = arith.constant 1.000000e+00 : f32
    %add3A_252 = vector.broadcast %add3A_251 : f32 to vector<64x1xf32>
    %add3A_253 = arith.addf %add3A_252, %erf3A_250 : vector<64x1xf32>
    %mul3A_254 = arith.mulf %mul3A_246, %add3A_253 : vector<64x1xf32>
    %jit3A_255 = arith.constant 0.000000e+00 : f32
    %broadcast_in_dim3A_256 = vector.shape_cast %mul3A_254 : vector<64x1xf32> to vector<64x1xf32>
    %broadcast_in_dim3A_257 = vector.broadcast %broadcast_in_dim3A_256 : vector<64x1xf32> to vector<64x32xf32>
    %broadcast_in_dim3A_258 = vector.broadcast %jit3A_255 : f32 to vector<64x32xf32>
    %select_n3A_259 = arith.select %eq3A_237, %broadcast_in_dim3A_257, %broadcast_in_dim3A_258 : vector<64x32xi1>, vector<64x32xf32>
    %add3A_260 = arith.addf %add3A_224, %select_n3A_259 : vector<64x32xf32>
    %mul3A_261 = arith.constant 2 : i32
    %mul3A_262 = vector.broadcast %mul3A_261 : i32 to vector<64x1xi32>
    %mul3A_263 = arith.muli %add3A_232, %mul3A_262 : vector<64x1xi32>
    %ge3A_264 = arith.constant 0.000000e+00 : f32
    %ge3A_265 = vector.broadcast %ge3A_264 : f32 to vector<64x1xf32>
    %ge3A_266 = arith.cmpf oge, %broadcast_in_dim3A_243, %ge3A_265 : vector<64x1xf32>
    %convert_element_type3A_267 = arith.extui %ge3A_266 : vector<64x1xi1> to vector<64x1xi32>
    %add3A_268 = arith.addi %mul3A_263, %convert_element_type3A_267 : vector<64x1xi32>
    %add3A_269 = arith.constant 3 : i32
    %add3A_270 = vector.broadcast %add3A_269 : i32 to vector<64x1xi32>
    %add3A_271 = arith.addi %add3A_270, %add3A_268 : vector<64x1xi32>
    %eq3A_272 = vector.broadcast %add3A_271 : vector<64x1xi32> to vector<64x32xi32>
    %eq3A_273 = arith.cmpi eq, %iota3A, %eq3A_272 : vector<64x32xi32>
    %jit3A_274 = arith.constant 0.000000e+00 : f32
    %broadcast_in_dim3A_275 = vector.broadcast %jit3A_274 : f32 to vector<64x32xf32>
    %select_n3A_276 = arith.select %eq3A_273, %dot_general3A_192, %broadcast_in_dim3A_275 : vector<64x32xi1>, vector<64x32xf32>
    %reduce_sum3A_277 = arith.constant dense<0.000000e+00> : vector<64xf32>
    %reduce_sum3A_278 = vector.multi_reduction <add>, %select_n3A_276, %reduce_sum3A_277 [1] : vector<64x32xf32> to vector<64xf32>
    %broadcast_in_dim3A_279 = vector.shape_cast %reduce_sum3A_278 : vector<64xf32> to vector<64x1xf32>
    %mul3A_280 = arith.constant 5.000000e-01 : f32
    %mul3A_281 = vector.broadcast %mul3A_280 : f32 to vector<64x1xf32>
    %mul3A_282 = arith.mulf %mul3A_281, %broadcast_in_dim3A_279 : vector<64x1xf32>
    %mul3A_283 = arith.constant 0.707106769 : f32
    %mul3A_284 = vector.broadcast %mul3A_283 : f32 to vector<64x1xf32>
    %mul3A_285 = arith.mulf %broadcast_in_dim3A_279, %mul3A_284 : vector<64x1xf32>
    %erf3A_286 = math.erf %mul3A_285 : vector<64x1xf32>
    %add3A_287 = arith.constant 1.000000e+00 : f32
    %add3A_288 = vector.broadcast %add3A_287 : f32 to vector<64x1xf32>
    %add3A_289 = arith.addf %add3A_288, %erf3A_286 : vector<64x1xf32>
    %mul3A_290 = arith.mulf %mul3A_282, %add3A_289 : vector<64x1xf32>
    %jit3A_291 = arith.constant 0.000000e+00 : f32
    %broadcast_in_dim3A_292 = vector.shape_cast %mul3A_290 : vector<64x1xf32> to vector<64x1xf32>
    %broadcast_in_dim3A_293 = vector.broadcast %broadcast_in_dim3A_292 : vector<64x1xf32> to vector<64x32xf32>
    %broadcast_in_dim3A_294 = vector.broadcast %jit3A_291 : f32 to vector<64x32xf32>
    %select_n3A_295 = arith.select %eq3A_273, %broadcast_in_dim3A_293, %broadcast_in_dim3A_294 : vector<64x32xi1>, vector<64x32xf32>
    %add3A_296 = arith.addf %add3A_260, %select_n3A_295 : vector<64x32xf32>
    %mul3A_297 = arith.constant 2 : i32
    %mul3A_298 = vector.broadcast %mul3A_297 : i32 to vector<64x1xi32>
    %mul3A_299 = arith.muli %add3A_268, %mul3A_298 : vector<64x1xi32>
    %ge3A_300 = arith.constant 0.000000e+00 : f32
    %ge3A_301 = vector.broadcast %ge3A_300 : f32 to vector<64x1xf32>
    %ge3A_302 = arith.cmpf oge, %broadcast_in_dim3A_279, %ge3A_301 : vector<64x1xf32>
    %convert_element_type3A_303 = arith.extui %ge3A_302 : vector<64x1xi1> to vector<64x1xi32>
    %add3A_304 = arith.addi %mul3A_299, %convert_element_type3A_303 : vector<64x1xi32>
    %add3A_305 = arith.constant 7 : i32
    %add3A_306 = vector.broadcast %add3A_305 : i32 to vector<64x1xi32>
    %add3A_307 = arith.addi %add3A_306, %add3A_304 : vector<64x1xi32>
    %eq3A_308 = vector.broadcast %add3A_307 : vector<64x1xi32> to vector<64x32xi32>
    %eq3A_309 = arith.cmpi eq, %iota3A, %eq3A_308 : vector<64x32xi32>
    %jit3A_310 = arith.constant 0.000000e+00 : f32
    %broadcast_in_dim3A_311 = vector.broadcast %jit3A_310 : f32 to vector<64x32xf32>
    %select_n3A_312 = arith.select %eq3A_309, %dot_general3A_192, %broadcast_in_dim3A_311 : vector<64x32xi1>, vector<64x32xf32>
    %reduce_sum3A_313 = arith.constant dense<0.000000e+00> : vector<64xf32>
    %reduce_sum3A_314 = vector.multi_reduction <add>, %select_n3A_312, %reduce_sum3A_313 [1] : vector<64x32xf32> to vector<64xf32>
    %broadcast_in_dim3A_315 = vector.shape_cast %reduce_sum3A_314 : vector<64xf32> to vector<64x1xf32>
    %mul3A_316 = arith.constant 5.000000e-01 : f32
    %mul3A_317 = vector.broadcast %mul3A_316 : f32 to vector<64x1xf32>
    %mul3A_318 = arith.mulf %mul3A_317, %broadcast_in_dim3A_315 : vector<64x1xf32>
    %mul3A_319 = arith.constant 0.707106769 : f32
    %mul3A_320 = vector.broadcast %mul3A_319 : f32 to vector<64x1xf32>
    %mul3A_321 = arith.mulf %broadcast_in_dim3A_315, %mul3A_320 : vector<64x1xf32>
    %erf3A_322 = math.erf %mul3A_321 : vector<64x1xf32>
    %add3A_323 = arith.constant 1.000000e+00 : f32
    %add3A_324 = vector.broadcast %add3A_323 : f32 to vector<64x1xf32>
    %add3A_325 = arith.addf %add3A_324, %erf3A_322 : vector<64x1xf32>
    %mul3A_326 = arith.mulf %mul3A_318, %add3A_325 : vector<64x1xf32>
    %jit3A_327 = arith.constant 0.000000e+00 : f32
    %broadcast_in_dim3A_328 = vector.shape_cast %mul3A_326 : vector<64x1xf32> to vector<64x1xf32>
    %broadcast_in_dim3A_329 = vector.broadcast %broadcast_in_dim3A_328 : vector<64x1xf32> to vector<64x32xf32>
    %broadcast_in_dim3A_330 = vector.broadcast %jit3A_327 : f32 to vector<64x32xf32>
    %select_n3A_331 = arith.select %eq3A_309, %broadcast_in_dim3A_329, %broadcast_in_dim3A_330 : vector<64x32xi1>, vector<64x32xf32>
    %add3A_332 = arith.addf %add3A_296, %select_n3A_331 : vector<64x32xf32>
    %mul3A_333 = arith.constant 2 : i32
    %mul3A_334 = vector.broadcast %mul3A_333 : i32 to vector<64x1xi32>
    %mul3A_335 = arith.muli %add3A_304, %mul3A_334 : vector<64x1xi32>
    %ge3A_336 = arith.constant 0.000000e+00 : f32
    %ge3A_337 = vector.broadcast %ge3A_336 : f32 to vector<64x1xf32>
    %ge3A_338 = arith.cmpf oge, %broadcast_in_dim3A_315, %ge3A_337 : vector<64x1xf32>
    %convert_element_type3A_339 = arith.extui %ge3A_338 : vector<64x1xi1> to vector<64x1xi32>
    %add3A_340 = arith.addi %mul3A_335, %convert_element_type3A_339 : vector<64x1xi32>
    %add3A_341 = arith.constant 15 : i32
    %add3A_342 = vector.broadcast %add3A_341 : i32 to vector<64x1xi32>
    %add3A_343 = arith.addi %add3A_342, %add3A_340 : vector<64x1xi32>
    %eq3A_344 = vector.broadcast %add3A_343 : vector<64x1xi32> to vector<64x32xi32>
    %eq3A_345 = arith.cmpi eq, %iota3A, %eq3A_344 : vector<64x32xi32>
    %jit3A_346 = arith.constant 0.000000e+00 : f32
    %broadcast_in_dim3A_347 = vector.broadcast %jit3A_346 : f32 to vector<64x32xf32>
    %select_n3A_348 = arith.select %eq3A_345, %dot_general3A_192, %broadcast_in_dim3A_347 : vector<64x32xi1>, vector<64x32xf32>
    %reduce_sum3A_349 = arith.constant dense<0.000000e+00> : vector<64xf32>
    %reduce_sum3A_350 = vector.multi_reduction <add>, %select_n3A_348, %reduce_sum3A_349 [1] : vector<64x32xf32> to vector<64xf32>
    %broadcast_in_dim3A_351 = vector.shape_cast %reduce_sum3A_350 : vector<64xf32> to vector<64x1xf32>
    %mul3A_352 = arith.constant 5.000000e-01 : f32
    %mul3A_353 = vector.broadcast %mul3A_352 : f32 to vector<64x1xf32>
    %mul3A_354 = arith.mulf %mul3A_353, %broadcast_in_dim3A_351 : vector<64x1xf32>
    %mul3A_355 = arith.constant 0.707106769 : f32
    %mul3A_356 = vector.broadcast %mul3A_355 : f32 to vector<64x1xf32>
    %mul3A_357 = arith.mulf %broadcast_in_dim3A_351, %mul3A_356 : vector<64x1xf32>
    %erf3A_358 = math.erf %mul3A_357 : vector<64x1xf32>
    %add3A_359 = arith.constant 1.000000e+00 : f32
    %add3A_360 = vector.broadcast %add3A_359 : f32 to vector<64x1xf32>
    %add3A_361 = arith.addf %add3A_360, %erf3A_358 : vector<64x1xf32>
    %mul3A_362 = arith.mulf %mul3A_354, %add3A_361 : vector<64x1xf32>
    %jit3A_363 = arith.constant 0.000000e+00 : f32
    %broadcast_in_dim3A_364 = vector.shape_cast %mul3A_362 : vector<64x1xf32> to vector<64x1xf32>
    %broadcast_in_dim3A_365 = vector.broadcast %broadcast_in_dim3A_364 : vector<64x1xf32> to vector<64x32xf32>
    %broadcast_in_dim3A_366 = vector.broadcast %jit3A_363 : f32 to vector<64x32xf32>
    %select_n3A_367 = arith.select %eq3A_345, %broadcast_in_dim3A_365, %broadcast_in_dim3A_366 : vector<64x32xi1>, vector<64x32xf32>
    %add3A_368 = arith.addf %add3A_332, %select_n3A_367 : vector<64x32xf32>
    %get3A_369 = arith.constant 1 : index
    %get3A_370 = arith.constant 0 : index
    %get3A_371 = arith.constant 0 : index
    %get3A_372 = vector.load %arg3[%get3A_369, %get3A_370, %get3A_371] : memref<8x32x1024xf32, #tpu.memory_space<vmem>>, vector<1x32x1024xf32>
    %get3A_373 = vector.shape_cast %get3A_372 : vector<1x32x1024xf32> to vector<32x1024xf32>
    %dot_general3A_374 = arith.constant dense<0.000000e+00> : vector<64x1024xf32>
    %dot_general3A_375 = tpu.matmul %add3A_368, %get3A_373, %dot_general3A_374 {dimension_numbers = #tpu.dot_dimension_numbers<[1], [0], [0], [1], [0, 0, 1, 1], [], []>, transpose_lhs_hint = false} : vector<64x32xf32>, vector<32x1024xf32>, vector<64x1024xf32> -> vector<64x1024xf32>
    %swap3A_376 = arith.constant 64 : index
    %swap3A_377 = arith.constant 0 : index
    %swap3A_378 = vector.load %arg4[%swap3A_376, %swap3A_377] : memref<512x1024xf32, #tpu.memory_space<vmem>>, vector<64x1024xf32>
    tpu.vector_store %arg4[%swap3A_376, %swap3A_377], %dot_general3A_375 {strides = array<i32>} : memref<512x1024xf32, #tpu.memory_space<vmem>>, vector<64x1024xf32>,
    %get3A_379 = arith.constant 128 : index
    %get3A_380 = arith.constant 0 : index
    %get3A_381 = vector.load %arg1[%get3A_379, %get3A_380] : memref<512x1024xf32, #tpu.memory_space<vmem>>, vector<64x1024xf32>
    %get3A_382 = arith.constant 2 : index
    %get3A_383 = arith.constant 0 : index
    %get3A_384 = arith.constant 0 : index
    %get3A_385 = vector.load %arg2[%get3A_382, %get3A_383, %get3A_384] : memref<8x32x1024xf32, #tpu.memory_space<vmem>>, vector<1x32x1024xf32>
    %get3A_386 = vector.shape_cast %get3A_385 : vector<1x32x1024xf32> to vector<32x1024xf32>
    %dot_general3A_387 = arith.constant dense<0.000000e+00> : vector<64x32xf32>
    %dot_general3A_388 = tpu.matmul %get3A_381, %get3A_386, %dot_general3A_387 {dimension_numbers = #tpu.dot_dimension_numbers<[1], [1], [0], [0], [0, 0, 1, 0], [], []>, precision = #tpu.contract_precision<fp32>, transpose_lhs_hint = false} : vector<64x1024xf32>, vector<32x1024xf32>, vector<64x32xf32> -> vector<64x32xf32>
    %broadcast_in_dim3A_389 = arith.constant 0 : i32
    %broadcast_in_dim3A_390 = vector.broadcast %broadcast_in_dim3A_389 : i32 to vector<64x1xi32>
    %broadcast_in_dim3A_391 = arith.constant 0.000000e+00 : f32
    %broadcast_in_dim3A_392 = vector.broadcast %broadcast_in_dim3A_391 : f32 to vector<64x32xf32>
    %add3A_393 = arith.constant 0 : i32
    %add3A_394 = vector.broadcast %add3A_393 : i32 to vector<64x1xi32>
    %add3A_395 = arith.addi %add3A_394, %broadcast_in_dim3A_390 : vector<64x1xi32>
    %eq3A_396 = vector.broadcast %add3A_395 : vector<64x1xi32> to vector<64x32xi32>
    %eq3A_397 = arith.cmpi eq, %iota3A, %eq3A_396 : vector<64x32xi32>
    %jit3A_398 = arith.constant 0.000000e+00 : f32
    %broadcast_in_dim3A_399 = vector.broadcast %jit3A_398 : f32 to vector<64x32xf32>
    %select_n3A_400 = arith.select %eq3A_397, %dot_general3A_388, %broadcast_in_dim3A_399 : vector<64x32xi1>, vector<64x32xf32>
    %reduce_sum3A_401 = arith.constant dense<0.000000e+00> : vector<64xf32>
    %reduce_sum3A_402 = vector.multi_reduction <add>, %select_n3A_400, %reduce_sum3A_401 [1] : vector<64x32xf32> to vector<64xf32>
    %broadcast_in_dim3A_403 = vector.shape_cast %reduce_sum3A_402 : vector<64xf32> to vector<64x1xf32>
    %mul3A_404 = arith.constant 5.000000e-01 : f32
    %mul3A_405 = vector.broadcast %mul3A_404 : f32 to vector<64x1xf32>
    %mul3A_406 = arith.mulf %mul3A_405, %broadcast_in_dim3A_403 : vector<64x1xf32>
    %mul3A_407 = arith.constant 0.707106769 : f32
    %mul3A_408 = vector.broadcast %mul3A_407 : f32 to vector<64x1xf32>
    %mul3A_409 = arith.mulf %broadcast_in_dim3A_403, %mul3A_408 : vector<64x1xf32>
    %erf3A_410 = math.erf %mul3A_409 : vector<64x1xf32>
    %add3A_411 = arith.constant 1.000000e+00 : f32
    %add3A_412 = vector.broadcast %add3A_411 : f32 to vector<64x1xf32>
    %add3A_413 = arith.addf %add3A_412, %erf3A_410 : vector<64x1xf32>
    %mul3A_414 = arith.mulf %mul3A_406, %add3A_413 : vector<64x1xf32>
    %jit3A_415 = arith.constant 0.000000e+00 : f32
    %broadcast_in_dim3A_416 = vector.shape_cast %mul3A_414 : vector<64x1xf32> to vector<64x1xf32>
    %broadcast_in_dim3A_417 = vector.broadcast %broadcast_in_dim3A_416 : vector<64x1xf32> to vector<64x32xf32>
    %broadcast_in_dim3A_418 = vector.broadcast %jit3A_415 : f32 to vector<64x32xf32>
    %select_n3A_419 = arith.select %eq3A_397, %broadcast_in_dim3A_417, %broadcast_in_dim3A_418 : vector<64x32xi1>, vector<64x32xf32>
    %add3A_420 = arith.addf %broadcast_in_dim3A_392, %select_n3A_419 : vector<64x32xf32>
    %mul3A_421 = arith.constant 2 : i32
    %mul3A_422 = vector.broadcast %mul3A_421 : i32 to vector<64x1xi32>
    %mul3A_423 = arith.muli %broadcast_in_dim3A_390, %mul3A_422 : vector<64x1xi32>
    %ge3A_424 = arith.constant 0.000000e+00 : f32
    %ge3A_425 = vector.broadcast %ge3A_424 : f32 to vector<64x1xf32>
    %ge3A_426 = arith.cmpf oge, %broadcast_in_dim3A_403, %ge3A_425 : vector<64x1xf32>
    %convert_element_type3A_427 = arith.extui %ge3A_426 : vector<64x1xi1> to vector<64x1xi32>
    %add3A_428 = arith.addi %mul3A_423, %convert_element_type3A_427 : vector<64x1xi32>
    %add3A_429 = arith.constant 1 : i32
    %add3A_430 = vector.broadcast %add3A_429 : i32 to vector<64x1xi32>
    %add3A_431 = arith.addi %add3A_430, %add3A_428 : vector<64x1xi32>
    %eq3A_432 = vector.broadcast %add3A_431 : vector<64x1xi32> to vector<64x32xi32>
    %eq3A_433 = arith.cmpi eq, %iota3A, %eq3A_432 : vector<64x32xi32>
    %jit3A_434 = arith.constant 0.000000e+00 : f32
    %broadcast_in_dim3A_435 = vector.broadcast %jit3A_434 : f32 to vector<64x32xf32>
    %select_n3A_436 = arith.select %eq3A_433, %dot_general3A_388, %broadcast_in_dim3A_435 : vector<64x32xi1>, vector<64x32xf32>
    %reduce_sum3A_437 = arith.constant dense<0.000000e+00> : vector<64xf32>
    %reduce_sum3A_438 = vector.multi_reduction <add>, %select_n3A_436, %reduce_sum3A_437 [1] : vector<64x32xf32> to vector<64xf32>
    %broadcast_in_dim3A_439 = vector.shape_cast %reduce_sum3A_438 : vector<64xf32> to vector<64x1xf32>
    %mul3A_440 = arith.constant 5.000000e-01 : f32
    %mul3A_441 = vector.broadcast %mul3A_440 : f32 to vector<64x1xf32>
    %mul3A_442 = arith.mulf %mul3A_441, %broadcast_in_dim3A_439 : vector<64x1xf32>
    %mul3A_443 = arith.constant 0.707106769 : f32
    %mul3A_444 = vector.broadcast %mul3A_443 : f32 to vector<64x1xf32>
    %mul3A_445 = arith.mulf %broadcast_in_dim3A_439, %mul3A_444 : vector<64x1xf32>
    %erf3A_446 = math.erf %mul3A_445 : vector<64x1xf32>
    %add3A_447 = arith.constant 1.000000e+00 : f32
    %add3A_448 = vector.broadcast %add3A_447 : f32 to vector<64x1xf32>
    %add3A_449 = arith.addf %add3A_448, %erf3A_446 : vector<64x1xf32>
    %mul3A_450 = arith.mulf %mul3A_442, %add3A_449 : vector<64x1xf32>
    %jit3A_451 = arith.constant 0.000000e+00 : f32
    %broadcast_in_dim3A_452 = vector.shape_cast %mul3A_450 : vector<64x1xf32> to vector<64x1xf32>
    %broadcast_in_dim3A_453 = vector.broadcast %broadcast_in_dim3A_452 : vector<64x1xf32> to vector<64x32xf32>
    %broadcast_in_dim3A_454 = vector.broadcast %jit3A_451 : f32 to vector<64x32xf32>
    %select_n3A_455 = arith.select %eq3A_433, %broadcast_in_dim3A_453, %broadcast_in_dim3A_454 : vector<64x32xi1>, vector<64x32xf32>
    %add3A_456 = arith.addf %add3A_420, %select_n3A_455 : vector<64x32xf32>
    %mul3A_457 = arith.constant 2 : i32
    %mul3A_458 = vector.broadcast %mul3A_457 : i32 to vector<64x1xi32>
    %mul3A_459 = arith.muli %add3A_428, %mul3A_458 : vector<64x1xi32>
    %ge3A_460 = arith.constant 0.000000e+00 : f32
    %ge3A_461 = vector.broadcast %ge3A_460 : f32 to vector<64x1xf32>
    %ge3A_462 = arith.cmpf oge, %broadcast_in_dim3A_439, %ge3A_461 : vector<64x1xf32>
    %convert_element_type3A_463 = arith.extui %ge3A_462 : vector<64x1xi1> to vector<64x1xi32>
    %add3A_464 = arith.addi %mul3A_459, %convert_element_type3A_463 : vector<64x1xi32>
    %add3A_465 = arith.constant 3 : i32
    %add3A_466 = vector.broadcast %add3A_465 : i32 to vector<64x1xi32>
    %add3A_467 = arith.addi %add3A_466, %add3A_464 : vector<64x1xi32>
    %eq3A_468 = vector.broadcast %add3A_467 : vector<64x1xi32> to vector<64x32xi32>
    %eq3A_469 = arith.cmpi eq, %iota3A, %eq3A_468 : vector<64x32xi32>
    %jit3A_470 = arith.constant 0.000000e+00 : f32
    %broadcast_in_dim3A_471 = vector.broadcast %jit3A_470 : f32 to vector<64x32xf32>
    %select_n3A_472 = arith.select %eq3A_469, %dot_general3A_388, %broadcast_in_dim3A_471 : vector<64x32xi1>, vector<64x32xf32>
    %reduce_sum3A_473 = arith.constant dense<0.000000e+00> : vector<64xf32>
    %reduce_sum3A_474 = vector.multi_reduction <add>, %select_n3A_472, %reduce_sum3A_473 [1] : vector<64x32xf32> to vector<64xf32>
    %broadcast_in_dim3A_475 = vector.shape_cast %reduce_sum3A_474 : vector<64xf32> to vector<64x1xf32>
    %mul3A_476 = arith.constant 5.000000e-01 : f32
    %mul3A_477 = vector.broadcast %mul3A_476 : f32 to vector<64x1xf32>
    %mul3A_478 = arith.mulf %mul3A_477, %broadcast_in_dim3A_475 : vector<64x1xf32>
    %mul3A_479 = arith.constant 0.707106769 : f32
    %mul3A_480 = vector.broadcast %mul3A_479 : f32 to vector<64x1xf32>
    %mul3A_481 = arith.mulf %broadcast_in_dim3A_475, %mul3A_480 : vector<64x1xf32>
    %erf3A_482 = math.erf %mul3A_481 : vector<64x1xf32>
    %add3A_483 = arith.constant 1.000000e+00 : f32
    %add3A_484 = vector.broadcast %add3A_483 : f32 to vector<64x1xf32>
    %add3A_485 = arith.addf %add3A_484, %erf3A_482 : vector<64x1xf32>
    %mul3A_486 = arith.mulf %mul3A_478, %add3A_485 : vector<64x1xf32>
    %jit3A_487 = arith.constant 0.000000e+00 : f32
    %broadcast_in_dim3A_488 = vector.shape_cast %mul3A_486 : vector<64x1xf32> to vector<64x1xf32>
    %broadcast_in_dim3A_489 = vector.broadcast %broadcast_in_dim3A_488 : vector<64x1xf32> to vector<64x32xf32>
    %broadcast_in_dim3A_490 = vector.broadcast %jit3A_487 : f32 to vector<64x32xf32>
    %select_n3A_491 = arith.select %eq3A_469, %broadcast_in_dim3A_489, %broadcast_in_dim3A_490 : vector<64x32xi1>, vector<64x32xf32>
    %add3A_492 = arith.addf %add3A_456, %select_n3A_491 : vector<64x32xf32>
    %mul3A_493 = arith.constant 2 : i32
    %mul3A_494 = vector.broadcast %mul3A_493 : i32 to vector<64x1xi32>
    %mul3A_495 = arith.muli %add3A_464, %mul3A_494 : vector<64x1xi32>
    %ge3A_496 = arith.constant 0.000000e+00 : f32
    %ge3A_497 = vector.broadcast %ge3A_496 : f32 to vector<64x1xf32>
    %ge3A_498 = arith.cmpf oge, %broadcast_in_dim3A_475, %ge3A_497 : vector<64x1xf32>
    %convert_element_type3A_499 = arith.extui %ge3A_498 : vector<64x1xi1> to vector<64x1xi32>
    %add3A_500 = arith.addi %mul3A_495, %convert_element_type3A_499 : vector<64x1xi32>
    %add3A_501 = arith.constant 7 : i32
    %add3A_502 = vector.broadcast %add3A_501 : i32 to vector<64x1xi32>
    %add3A_503 = arith.addi %add3A_502, %add3A_500 : vector<64x1xi32>
    %eq3A_504 = vector.broadcast %add3A_503 : vector<64x1xi32> to vector<64x32xi32>
    %eq3A_505 = arith.cmpi eq, %iota3A, %eq3A_504 : vector<64x32xi32>
    %jit3A_506 = arith.constant 0.000000e+00 : f32
    %broadcast_in_dim3A_507 = vector.broadcast %jit3A_506 : f32 to vector<64x32xf32>
    %select_n3A_508 = arith.select %eq3A_505, %dot_general3A_388, %broadcast_in_dim3A_507 : vector<64x32xi1>, vector<64x32xf32>
    %reduce_sum3A_509 = arith.constant dense<0.000000e+00> : vector<64xf32>
    %reduce_sum3A_510 = vector.multi_reduction <add>, %select_n3A_508, %reduce_sum3A_509 [1] : vector<64x32xf32> to vector<64xf32>
    %broadcast_in_dim3A_511 = vector.shape_cast %reduce_sum3A_510 : vector<64xf32> to vector<64x1xf32>
    %mul3A_512 = arith.constant 5.000000e-01 : f32
    %mul3A_513 = vector.broadcast %mul3A_512 : f32 to vector<64x1xf32>
    %mul3A_514 = arith.mulf %mul3A_513, %broadcast_in_dim3A_511 : vector<64x1xf32>
    %mul3A_515 = arith.constant 0.707106769 : f32
    %mul3A_516 = vector.broadcast %mul3A_515 : f32 to vector<64x1xf32>
    %mul3A_517 = arith.mulf %broadcast_in_dim3A_511, %mul3A_516 : vector<64x1xf32>
    %erf3A_518 = math.erf %mul3A_517 : vector<64x1xf32>
    %add3A_519 = arith.constant 1.000000e+00 : f32
    %add3A_520 = vector.broadcast %add3A_519 : f32 to vector<64x1xf32>
    %add3A_521 = arith.addf %add3A_520, %erf3A_518 : vector<64x1xf32>
    %mul3A_522 = arith.mulf %mul3A_514, %add3A_521 : vector<64x1xf32>
    %jit3A_523 = arith.constant 0.000000e+00 : f32
    %broadcast_in_dim3A_524 = vector.shape_cast %mul3A_522 : vector<64x1xf32> to vector<64x1xf32>
    %broadcast_in_dim3A_525 = vector.broadcast %broadcast_in_dim3A_524 : vector<64x1xf32> to vector<64x32xf32>
    %broadcast_in_dim3A_526 = vector.broadcast %jit3A_523 : f32 to vector<64x32xf32>
    %select_n3A_527 = arith.select %eq3A_505, %broadcast_in_dim3A_525, %broadcast_in_dim3A_526 : vector<64x32xi1>, vector<64x32xf32>
    %add3A_528 = arith.addf %add3A_492, %select_n3A_527 : vector<64x32xf32>
    %mul3A_529 = arith.constant 2 : i32
    %mul3A_530 = vector.broadcast %mul3A_529 : i32 to vector<64x1xi32>
    %mul3A_531 = arith.muli %add3A_500, %mul3A_530 : vector<64x1xi32>
    %ge3A_532 = arith.constant 0.000000e+00 : f32
    %ge3A_533 = vector.broadcast %ge3A_532 : f32 to vector<64x1xf32>
    %ge3A_534 = arith.cmpf oge, %broadcast_in_dim3A_511, %ge3A_533 : vector<64x1xf32>
    %convert_element_type3A_535 = arith.extui %ge3A_534 : vector<64x1xi1> to vector<64x1xi32>
    %add3A_536 = arith.addi %mul3A_531, %convert_element_type3A_535 : vector<64x1xi32>
    %add3A_537 = arith.constant 15 : i32
    %add3A_538 = vector.broadcast %add3A_537 : i32 to vector<64x1xi32>
    %add3A_539 = arith.addi %add3A_538, %add3A_536 : vector<64x1xi32>
    %eq3A_540 = vector.broadcast %add3A_539 : vector<64x1xi32> to vector<64x32xi32>
    %eq3A_541 = arith.cmpi eq, %iota3A, %eq3A_540 : vector<64x32xi32>
    %jit3A_542 = arith.constant 0.000000e+00 : f32
    %broadcast_in_dim3A_543 = vector.broadcast %jit3A_542 : f32 to vector<64x32xf32>
    %select_n3A_544 = arith.select %eq3A_541, %dot_general3A_388, %broadcast_in_dim3A_543 : vector<64x32xi1>, vector<64x32xf32>
    %reduce_sum3A_545 = arith.constant dense<0.000000e+00> : vector<64xf32>
    %reduce_sum3A_546 = vector.multi_reduction <add>, %select_n3A_544, %reduce_sum3A_545 [1] : vector<64x32xf32> to vector<64xf32>
    %broadcast_in_dim3A_547 = vector.shape_cast %reduce_sum3A_546 : vector<64xf32> to vector<64x1xf32>
    %mul3A_548 = arith.constant 5.000000e-01 : f32
    %mul3A_549 = vector.broadcast %mul3A_548 : f32 to vector<64x1xf32>
    %mul3A_550 = arith.mulf %mul3A_549, %broadcast_in_dim3A_547 : vector<64x1xf32>
    %mul3A_551 = arith.constant 0.707106769 : f32
    %mul3A_552 = vector.broadcast %mul3A_551 : f32 to vector<64x1xf32>
    %mul3A_553 = arith.mulf %broadcast_in_dim3A_547, %mul3A_552 : vector<64x1xf32>
    %erf3A_554 = math.erf %mul3A_553 : vector<64x1xf32>
    %add3A_555 = arith.constant 1.000000e+00 : f32
    %add3A_556 = vector.broadcast %add3A_555 : f32 to vector<64x1xf32>
    %add3A_557 = arith.addf %add3A_556, %erf3A_554 : vector<64x1xf32>
    %mul3A_558 = arith.mulf %mul3A_550, %add3A_557 : vector<64x1xf32>
    %jit3A_559 = arith.constant 0.000000e+00 : f32
    %broadcast_in_dim3A_560 = vector.shape_cast %mul3A_558 : vector<64x1xf32> to vector<64x1xf32>
    %broadcast_in_dim3A_561 = vector.broadcast %broadcast_in_dim3A_560 : vector<64x1xf32> to vector<64x32xf32>
    %broadcast_in_dim3A_562 = vector.broadcast %jit3A_559 : f32 to vector<64x32xf32>
    %select_n3A_563 = arith.select %eq3A_541, %broadcast_in_dim3A_561, %broadcast_in_dim3A_562 : vector<64x32xi1>, vector<64x32xf32>
    %add3A_564 = arith.addf %add3A_528, %select_n3A_563 : vector<64x32xf32>
    %get3A_565 = arith.constant 2 : index
    %get3A_566 = arith.constant 0 : index
    %get3A_567 = arith.constant 0 : index
    %get3A_568 = vector.load %arg3[%get3A_565, %get3A_566, %get3A_567] : memref<8x32x1024xf32, #tpu.memory_space<vmem>>, vector<1x32x1024xf32>
    %get3A_569 = vector.shape_cast %get3A_568 : vector<1x32x1024xf32> to vector<32x1024xf32>
    %dot_general3A_570 = arith.constant dense<0.000000e+00> : vector<64x1024xf32>
    %dot_general3A_571 = tpu.matmul %add3A_564, %get3A_569, %dot_general3A_570 {dimension_numbers = #tpu.dot_dimension_numbers<[1], [0], [0], [1], [0, 0, 1, 1], [], []>, transpose_lhs_hint = false} : vector<64x32xf32>, vector<32x1024xf32>, vector<64x1024xf32> -> vector<64x1024xf32>
    %swap3A_572 = arith.constant 128 : index
    %swap3A_573 = arith.constant 0 : index
    %swap3A_574 = vector.load %arg4[%swap3A_572, %swap3A_573] : memref<512x1024xf32, #tpu.memory_space<vmem>>, vector<64x1024xf32>
    tpu.vector_store %arg4[%swap3A_572, %swap3A_573], %dot_general3A_571 {strides = array<i32>} : memref<512x1024xf32, #tpu.memory_space<vmem>>, vector<64x1024xf32>,
    %get3A_575 = arith.constant 192 : index
    %get3A_576 = arith.constant 0 : index
    %get3A_577 = vector.load %arg1[%get3A_575, %get3A_576] : memref<512x1024xf32, #tpu.memory_space<vmem>>, vector<64x1024xf32>
    %get3A_578 = arith.constant 3 : index
    %get3A_579 = arith.constant 0 : index
    %get3A_580 = arith.constant 0 : index
    %get3A_581 = vector.load %arg2[%get3A_578, %get3A_579, %get3A_580] : memref<8x32x1024xf32, #tpu.memory_space<vmem>>, vector<1x32x1024xf32>
    %get3A_582 = vector.shape_cast %get3A_581 : vector<1x32x1024xf32> to vector<32x1024xf32>
    %dot_general3A_583 = arith.constant dense<0.000000e+00> : vector<64x32xf32>
    %dot_general3A_584 = tpu.matmul %get3A_577, %get3A_582, %dot_general3A_583 {dimension_numbers = #tpu.dot_dimension_numbers<[1], [1], [0], [0], [0, 0, 1, 0], [], []>, precision = #tpu.contract_precision<fp32>, transpose_lhs_hint = false} : vector<64x1024xf32>, vector<32x1024xf32>, vector<64x32xf32> -> vector<64x32xf32>
    %broadcast_in_dim3A_585 = arith.constant 0 : i32
    %broadcast_in_dim3A_586 = vector.broadcast %broadcast_in_dim3A_585 : i32 to vector<64x1xi32>
    %broadcast_in_dim3A_587 = arith.constant 0.000000e+00 : f32
    %broadcast_in_dim3A_588 = vector.broadcast %broadcast_in_dim3A_587 : f32 to vector<64x32xf32>
    %add3A_589 = arith.constant 0 : i32
    %add3A_590 = vector.broadcast %add3A_589 : i32 to vector<64x1xi32>
    %add3A_591 = arith.addi %add3A_590, %broadcast_in_dim3A_586 : vector<64x1xi32>
    %eq3A_592 = vector.broadcast %add3A_591 : vector<64x1xi32> to vector<64x32xi32>
    %eq3A_593 = arith.cmpi eq, %iota3A, %eq3A_592 : vector<64x32xi32>
    %jit3A_594 = arith.constant 0.000000e+00 : f32
    %broadcast_in_dim3A_595 = vector.broadcast %jit3A_594 : f32 to vector<64x32xf32>
    %select_n3A_596 = arith.select %eq3A_593, %dot_general3A_584, %broadcast_in_dim3A_595 : vector<64x32xi1>, vector<64x32xf32>
    %reduce_sum3A_597 = arith.constant dense<0.000000e+00> : vector<64xf32>
    %reduce_sum3A_598 = vector.multi_reduction <add>, %select_n3A_596, %reduce_sum3A_597 [1] : vector<64x32xf32> to vector<64xf32>
    %broadcast_in_dim3A_599 = vector.shape_cast %reduce_sum3A_598 : vector<64xf32> to vector<64x1xf32>
    %mul3A_600 = arith.constant 5.000000e-01 : f32
    %mul3A_601 = vector.broadcast %mul3A_600 : f32 to vector<64x1xf32>
    %mul3A_602 = arith.mulf %mul3A_601, %broadcast_in_dim3A_599 : vector<64x1xf32>
    %mul3A_603 = arith.constant 0.707106769 : f32
    %mul3A_604 = vector.broadcast %mul3A_603 : f32 to vector<64x1xf32>
    %mul3A_605 = arith.mulf %broadcast_in_dim3A_599, %mul3A_604 : vector<64x1xf32>
    %erf3A_606 = math.erf %mul3A_605 : vector<64x1xf32>
    %add3A_607 = arith.constant 1.000000e+00 : f32
    %add3A_608 = vector.broadcast %add3A_607 : f32 to vector<64x1xf32>
    %add3A_609 = arith.addf %add3A_608, %erf3A_606 : vector<64x1xf32>
    %mul3A_610 = arith.mulf %mul3A_602, %add3A_609 : vector<64x1xf32>
    %jit3A_611 = arith.constant 0.000000e+00 : f32
    %broadcast_in_dim3A_612 = vector.shape_cast %mul3A_610 : vector<64x1xf32> to vector<64x1xf32>
    %broadcast_in_dim3A_613 = vector.broadcast %broadcast_in_dim3A_612 : vector<64x1xf32> to vector<64x32xf32>
    %broadcast_in_dim3A_614 = vector.broadcast %jit3A_611 : f32 to vector<64x32xf32>
    %select_n3A_615 = arith.select %eq3A_593, %broadcast_in_dim3A_613, %broadcast_in_dim3A_614 : vector<64x32xi1>, vector<64x32xf32>
    %add3A_616 = arith.addf %broadcast_in_dim3A_588, %select_n3A_615 : vector<64x32xf32>
    %mul3A_617 = arith.constant 2 : i32
    %mul3A_618 = vector.broadcast %mul3A_617 : i32 to vector<64x1xi32>
    %mul3A_619 = arith.muli %broadcast_in_dim3A_586, %mul3A_618 : vector<64x1xi32>
    %ge3A_620 = arith.constant 0.000000e+00 : f32
    %ge3A_621 = vector.broadcast %ge3A_620 : f32 to vector<64x1xf32>
    %ge3A_622 = arith.cmpf oge, %broadcast_in_dim3A_599, %ge3A_621 : vector<64x1xf32>
    %convert_element_type3A_623 = arith.extui %ge3A_622 : vector<64x1xi1> to vector<64x1xi32>
    %add3A_624 = arith.addi %mul3A_619, %convert_element_type3A_623 : vector<64x1xi32>
    %add3A_625 = arith.constant 1 : i32
    %add3A_626 = vector.broadcast %add3A_625 : i32 to vector<64x1xi32>
    %add3A_627 = arith.addi %add3A_626, %add3A_624 : vector<64x1xi32>
    %eq3A_628 = vector.broadcast %add3A_627 : vector<64x1xi32> to vector<64x32xi32>
    %eq3A_629 = arith.cmpi eq, %iota3A, %eq3A_628 : vector<64x32xi32>
    %jit3A_630 = arith.constant 0.000000e+00 : f32
    %broadcast_in_dim3A_631 = vector.broadcast %jit3A_630 : f32 to vector<64x32xf32>
    %select_n3A_632 = arith.select %eq3A_629, %dot_general3A_584, %broadcast_in_dim3A_631 : vector<64x32xi1>, vector<64x32xf32>
    %reduce_sum3A_633 = arith.constant dense<0.000000e+00> : vector<64xf32>
    %reduce_sum3A_634 = vector.multi_reduction <add>, %select_n3A_632, %reduce_sum3A_633 [1] : vector<64x32xf32> to vector<64xf32>
    %broadcast_in_dim3A_635 = vector.shape_cast %reduce_sum3A_634 : vector<64xf32> to vector<64x1xf32>
    %mul3A_636 = arith.constant 5.000000e-01 : f32
    %mul3A_637 = vector.broadcast %mul3A_636 : f32 to vector<64x1xf32>
    %mul3A_638 = arith.mulf %mul3A_637, %broadcast_in_dim3A_635 : vector<64x1xf32>
    %mul3A_639 = arith.constant 0.707106769 : f32
    %mul3A_640 = vector.broadcast %mul3A_639 : f32 to vector<64x1xf32>
    %mul3A_641 = arith.mulf %broadcast_in_dim3A_635, %mul3A_640 : vector<64x1xf32>
    %erf3A_642 = math.erf %mul3A_641 : vector<64x1xf32>
    %add3A_643 = arith.constant 1.000000e+00 : f32
    %add3A_644 = vector.broadcast %add3A_643 : f32 to vector<64x1xf32>
    %add3A_645 = arith.addf %add3A_644, %erf3A_642 : vector<64x1xf32>
    %mul3A_646 = arith.mulf %mul3A_638, %add3A_645 : vector<64x1xf32>
    %jit3A_647 = arith.constant 0.000000e+00 : f32
    %broadcast_in_dim3A_648 = vector.shape_cast %mul3A_646 : vector<64x1xf32> to vector<64x1xf32>
    %broadcast_in_dim3A_649 = vector.broadcast %broadcast_in_dim3A_648 : vector<64x1xf32> to vector<64x32xf32>
    %broadcast_in_dim3A_650 = vector.broadcast %jit3A_647 : f32 to vector<64x32xf32>
    %select_n3A_651 = arith.select %eq3A_629, %broadcast_in_dim3A_649, %broadcast_in_dim3A_650 : vector<64x32xi1>, vector<64x32xf32>
    %add3A_652 = arith.addf %add3A_616, %select_n3A_651 : vector<64x32xf32>
    %mul3A_653 = arith.constant 2 : i32
    %mul3A_654 = vector.broadcast %mul3A_653 : i32 to vector<64x1xi32>
    %mul3A_655 = arith.muli %add3A_624, %mul3A_654 : vector<64x1xi32>
    %ge3A_656 = arith.constant 0.000000e+00 : f32
    %ge3A_657 = vector.broadcast %ge3A_656 : f32 to vector<64x1xf32>
    %ge3A_658 = arith.cmpf oge, %broadcast_in_dim3A_635, %ge3A_657 : vector<64x1xf32>
    %convert_element_type3A_659 = arith.extui %ge3A_658 : vector<64x1xi1> to vector<64x1xi32>
    %add3A_660 = arith.addi %mul3A_655, %convert_element_type3A_659 : vector<64x1xi32>
    %add3A_661 = arith.constant 3 : i32
    %add3A_662 = vector.broadcast %add3A_661 : i32 to vector<64x1xi32>
    %add3A_663 = arith.addi %add3A_662, %add3A_660 : vector<64x1xi32>
    %eq3A_664 = vector.broadcast %add3A_663 : vector<64x1xi32> to vector<64x32xi32>
    %eq3A_665 = arith.cmpi eq, %iota3A, %eq3A_664 : vector<64x32xi32>
    %jit3A_666 = arith.constant 0.000000e+00 : f32
    %broadcast_in_dim3A_667 = vector.broadcast %jit3A_666 : f32 to vector<64x32xf32>
    %select_n3A_668 = arith.select %eq3A_665, %dot_general3A_584, %broadcast_in_dim3A_667 : vector<64x32xi1>, vector<64x32xf32>
    %reduce_sum3A_669 = arith.constant dense<0.000000e+00> : vector<64xf32>
    %reduce_sum3A_670 = vector.multi_reduction <add>, %select_n3A_668, %reduce_sum3A_669 [1] : vector<64x32xf32> to vector<64xf32>
    %broadcast_in_dim3A_671 = vector.shape_cast %reduce_sum3A_670 : vector<64xf32> to vector<64x1xf32>
    %mul3A_672 = arith.constant 5.000000e-01 : f32
    %mul3A_673 = vector.broadcast %mul3A_672 : f32 to vector<64x1xf32>
    %mul3A_674 = arith.mulf %mul3A_673, %broadcast_in_dim3A_671 : vector<64x1xf32>
    %mul3A_675 = arith.constant 0.707106769 : f32
    %mul3A_676 = vector.broadcast %mul3A_675 : f32 to vector<64x1xf32>
    %mul3A_677 = arith.mulf %broadcast_in_dim3A_671, %mul3A_676 : vector<64x1xf32>
    %erf3A_678 = math.erf %mul3A_677 : vector<64x1xf32>
    %add3A_679 = arith.constant 1.000000e+00 : f32
    %add3A_680 = vector.broadcast %add3A_679 : f32 to vector<64x1xf32>
    %add3A_681 = arith.addf %add3A_680, %erf3A_678 : vector<64x1xf32>
    %mul3A_682 = arith.mulf %mul3A_674, %add3A_681 : vector<64x1xf32>
    %jit3A_683 = arith.constant 0.000000e+00 : f32
    %broadcast_in_dim3A_684 = vector.shape_cast %mul3A_682 : vector<64x1xf32> to vector<64x1xf32>
    %broadcast_in_dim3A_685 = vector.broadcast %broadcast_in_dim3A_684 : vector<64x1xf32> to vector<64x32xf32>
    %broadcast_in_dim3A_686 = vector.broadcast %jit3A_683 : f32 to vector<64x32xf32>
    %select_n3A_687 = arith.select %eq3A_665, %broadcast_in_dim3A_685, %broadcast_in_dim3A_686 : vector<64x32xi1>, vector<64x32xf32>
    %add3A_688 = arith.addf %add3A_652, %select_n3A_687 : vector<64x32xf32>
    %mul3A_689 = arith.constant 2 : i32
    %mul3A_690 = vector.broadcast %mul3A_689 : i32 to vector<64x1xi32>
    %mul3A_691 = arith.muli %add3A_660, %mul3A_690 : vector<64x1xi32>
    %ge3A_692 = arith.constant 0.000000e+00 : f32
    %ge3A_693 = vector.broadcast %ge3A_692 : f32 to vector<64x1xf32>
    %ge3A_694 = arith.cmpf oge, %broadcast_in_dim3A_671, %ge3A_693 : vector<64x1xf32>
    %convert_element_type3A_695 = arith.extui %ge3A_694 : vector<64x1xi1> to vector<64x1xi32>
    %add3A_696 = arith.addi %mul3A_691, %convert_element_type3A_695 : vector<64x1xi32>
    %add3A_697 = arith.constant 7 : i32
    %add3A_698 = vector.broadcast %add3A_697 : i32 to vector<64x1xi32>
    %add3A_699 = arith.addi %add3A_698, %add3A_696 : vector<64x1xi32>
    %eq3A_700 = vector.broadcast %add3A_699 : vector<64x1xi32> to vector<64x32xi32>
    %eq3A_701 = arith.cmpi eq, %iota3A, %eq3A_700 : vector<64x32xi32>
    %jit3A_702 = arith.constant 0.000000e+00 : f32
    %broadcast_in_dim3A_703 = vector.broadcast %jit3A_702 : f32 to vector<64x32xf32>
    %select_n3A_704 = arith.select %eq3A_701, %dot_general3A_584, %broadcast_in_dim3A_703 : vector<64x32xi1>, vector<64x32xf32>
    %reduce_sum3A_705 = arith.constant dense<0.000000e+00> : vector<64xf32>
    %reduce_sum3A_706 = vector.multi_reduction <add>, %select_n3A_704, %reduce_sum3A_705 [1] : vector<64x32xf32> to vector<64xf32>
    %broadcast_in_dim3A_707 = vector.shape_cast %reduce_sum3A_706 : vector<64xf32> to vector<64x1xf32>
    %mul3A_708 = arith.constant 5.000000e-01 : f32
    %mul3A_709 = vector.broadcast %mul3A_708 : f32 to vector<64x1xf32>
    %mul3A_710 = arith.mulf %mul3A_709, %broadcast_in_dim3A_707 : vector<64x1xf32>
    %mul3A_711 = arith.constant 0.707106769 : f32
    %mul3A_712 = vector.broadcast %mul3A_711 : f32 to vector<64x1xf32>
    %mul3A_713 = arith.mulf %broadcast_in_dim3A_707, %mul3A_712 : vector<64x1xf32>
    %erf3A_714 = math.erf %mul3A_713 : vector<64x1xf32>
    %add3A_715 = arith.constant 1.000000e+00 : f32
    %add3A_716 = vector.broadcast %add3A_715 : f32 to vector<64x1xf32>
    %add3A_717 = arith.addf %add3A_716, %erf3A_714 : vector<64x1xf32>
    %mul3A_718 = arith.mulf %mul3A_710, %add3A_717 : vector<64x1xf32>
    %jit3A_719 = arith.constant 0.000000e+00 : f32
    %broadcast_in_dim3A_720 = vector.shape_cast %mul3A_718 : vector<64x1xf32> to vector<64x1xf32>
    %broadcast_in_dim3A_721 = vector.broadcast %broadcast_in_dim3A_720 : vector<64x1xf32> to vector<64x32xf32>
    %broadcast_in_dim3A_722 = vector.broadcast %jit3A_719 : f32 to vector<64x32xf32>
    %select_n3A_723 = arith.select %eq3A_701, %broadcast_in_dim3A_721, %broadcast_in_dim3A_722 : vector<64x32xi1>, vector<64x32xf32>
    %add3A_724 = arith.addf %add3A_688, %select_n3A_723 : vector<64x32xf32>
    %mul3A_725 = arith.constant 2 : i32
    %mul3A_726 = vector.broadcast %mul3A_725 : i32 to vector<64x1xi32>
    %mul3A_727 = arith.muli %add3A_696, %mul3A_726 : vector<64x1xi32>
    %ge3A_728 = arith.constant 0.000000e+00 : f32
    %ge3A_729 = vector.broadcast %ge3A_728 : f32 to vector<64x1xf32>
    %ge3A_730 = arith.cmpf oge, %broadcast_in_dim3A_707, %ge3A_729 : vector<64x1xf32>
    %convert_element_type3A_731 = arith.extui %ge3A_730 : vector<64x1xi1> to vector<64x1xi32>
    %add3A_732 = arith.addi %mul3A_727, %convert_element_type3A_731 : vector<64x1xi32>
    %add3A_733 = arith.constant 15 : i32
    %add3A_734 = vector.broadcast %add3A_733 : i32 to vector<64x1xi32>
    %add3A_735 = arith.addi %add3A_734, %add3A_732 : vector<64x1xi32>
    %eq3A_736 = vector.broadcast %add3A_735 : vector<64x1xi32> to vector<64x32xi32>
    %eq3A_737 = arith.cmpi eq, %iota3A, %eq3A_736 : vector<64x32xi32>
    %jit3A_738 = arith.constant 0.000000e+00 : f32
    %broadcast_in_dim3A_739 = vector.broadcast %jit3A_738 : f32 to vector<64x32xf32>
    %select_n3A_740 = arith.select %eq3A_737, %dot_general3A_584, %broadcast_in_dim3A_739 : vector<64x32xi1>, vector<64x32xf32>
    %reduce_sum3A_741 = arith.constant dense<0.000000e+00> : vector<64xf32>
    %reduce_sum3A_742 = vector.multi_reduction <add>, %select_n3A_740, %reduce_sum3A_741 [1] : vector<64x32xf32> to vector<64xf32>
    %broadcast_in_dim3A_743 = vector.shape_cast %reduce_sum3A_742 : vector<64xf32> to vector<64x1xf32>
    %mul3A_744 = arith.constant 5.000000e-01 : f32
    %mul3A_745 = vector.broadcast %mul3A_744 : f32 to vector<64x1xf32>
    %mul3A_746 = arith.mulf %mul3A_745, %broadcast_in_dim3A_743 : vector<64x1xf32>
    %mul3A_747 = arith.constant 0.707106769 : f32
    %mul3A_748 = vector.broadcast %mul3A_747 : f32 to vector<64x1xf32>
    %mul3A_749 = arith.mulf %broadcast_in_dim3A_743, %mul3A_748 : vector<64x1xf32>
    %erf3A_750 = math.erf %mul3A_749 : vector<64x1xf32>
    %add3A_751 = arith.constant 1.000000e+00 : f32
    %add3A_752 = vector.broadcast %add3A_751 : f32 to vector<64x1xf32>
    %add3A_753 = arith.addf %add3A_752, %erf3A_750 : vector<64x1xf32>
    %mul3A_754 = arith.mulf %mul3A_746, %add3A_753 : vector<64x1xf32>
    %jit3A_755 = arith.constant 0.000000e+00 : f32
    %broadcast_in_dim3A_756 = vector.shape_cast %mul3A_754 : vector<64x1xf32> to vector<64x1xf32>
    %broadcast_in_dim3A_757 = vector.broadcast %broadcast_in_dim3A_756 : vector<64x1xf32> to vector<64x32xf32>
    %broadcast_in_dim3A_758 = vector.broadcast %jit3A_755 : f32 to vector<64x32xf32>
    %select_n3A_759 = arith.select %eq3A_737, %broadcast_in_dim3A_757, %broadcast_in_dim3A_758 : vector<64x32xi1>, vector<64x32xf32>
    %add3A_760 = arith.addf %add3A_724, %select_n3A_759 : vector<64x32xf32>
    %get3A_761 = arith.constant 3 : index
    %get3A_762 = arith.constant 0 : index
    %get3A_763 = arith.constant 0 : index
    %get3A_764 = vector.load %arg3[%get3A_761, %get3A_762, %get3A_763] : memref<8x32x1024xf32, #tpu.memory_space<vmem>>, vector<1x32x1024xf32>
    %get3A_765 = vector.shape_cast %get3A_764 : vector<1x32x1024xf32> to vector<32x1024xf32>
    %dot_general3A_766 = arith.constant dense<0.000000e+00> : vector<64x1024xf32>
    %dot_general3A_767 = tpu.matmul %add3A_760, %get3A_765, %dot_general3A_766 {dimension_numbers = #tpu.dot_dimension_numbers<[1], [0], [0], [1], [0, 0, 1, 1], [], []>, transpose_lhs_hint = false} : vector<64x32xf32>, vector<32x1024xf32>, vector<64x1024xf32> -> vector<64x1024xf32>
    %swap3A_768 = arith.constant 192 : index
    %swap3A_769 = arith.constant 0 : index
    %swap3A_770 = vector.load %arg4[%swap3A_768, %swap3A_769] : memref<512x1024xf32, #tpu.memory_space<vmem>>, vector<64x1024xf32>
    tpu.vector_store %arg4[%swap3A_768, %swap3A_769], %dot_general3A_767 {strides = array<i32>} : memref<512x1024xf32, #tpu.memory_space<vmem>>, vector<64x1024xf32>,
    %get3A_771 = arith.constant 256 : index
    %get3A_772 = arith.constant 0 : index
    %get3A_773 = vector.load %arg1[%get3A_771, %get3A_772] : memref<512x1024xf32, #tpu.memory_space<vmem>>, vector<64x1024xf32>
    %get3A_774 = arith.constant 4 : index
    %get3A_775 = arith.constant 0 : index
    %get3A_776 = arith.constant 0 : index
    %get3A_777 = vector.load %arg2[%get3A_774, %get3A_775, %get3A_776] : memref<8x32x1024xf32, #tpu.memory_space<vmem>>, vector<1x32x1024xf32>
    %get3A_778 = vector.shape_cast %get3A_777 : vector<1x32x1024xf32> to vector<32x1024xf32>
    %dot_general3A_779 = arith.constant dense<0.000000e+00> : vector<64x32xf32>
    %dot_general3A_780 = tpu.matmul %get3A_773, %get3A_778, %dot_general3A_779 {dimension_numbers = #tpu.dot_dimension_numbers<[1], [1], [0], [0], [0, 0, 1, 0], [], []>, precision = #tpu.contract_precision<fp32>, transpose_lhs_hint = false} : vector<64x1024xf32>, vector<32x1024xf32>, vector<64x32xf32> -> vector<64x32xf32>
    %broadcast_in_dim3A_781 = arith.constant 0 : i32
    %broadcast_in_dim3A_782 = vector.broadcast %broadcast_in_dim3A_781 : i32 to vector<64x1xi32>
    %broadcast_in_dim3A_783 = arith.constant 0.000000e+00 : f32
    %broadcast_in_dim3A_784 = vector.broadcast %broadcast_in_dim3A_783 : f32 to vector<64x32xf32>
    %add3A_785 = arith.constant 0 : i32
    %add3A_786 = vector.broadcast %add3A_785 : i32 to vector<64x1xi32>
    %add3A_787 = arith.addi %add3A_786, %broadcast_in_dim3A_782 : vector<64x1xi32>
    %eq3A_788 = vector.broadcast %add3A_787 : vector<64x1xi32> to vector<64x32xi32>
    %eq3A_789 = arith.cmpi eq, %iota3A, %eq3A_788 : vector<64x32xi32>
    %jit3A_790 = arith.constant 0.000000e+00 : f32
    %broadcast_in_dim3A_791 = vector.broadcast %jit3A_790 : f32 to vector<64x32xf32>
    %select_n3A_792 = arith.select %eq3A_789, %dot_general3A_780, %broadcast_in_dim3A_791 : vector<64x32xi1>, vector<64x32xf32>
    %reduce_sum3A_793 = arith.constant dense<0.000000e+00> : vector<64xf32>
    %reduce_sum3A_794 = vector.multi_reduction <add>, %select_n3A_792, %reduce_sum3A_793 [1] : vector<64x32xf32> to vector<64xf32>
    %broadcast_in_dim3A_795 = vector.shape_cast %reduce_sum3A_794 : vector<64xf32> to vector<64x1xf32>
    %mul3A_796 = arith.constant 5.000000e-01 : f32
    %mul3A_797 = vector.broadcast %mul3A_796 : f32 to vector<64x1xf32>
    %mul3A_798 = arith.mulf %mul3A_797, %broadcast_in_dim3A_795 : vector<64x1xf32>
    %mul3A_799 = arith.constant 0.707106769 : f32
    %mul3A_800 = vector.broadcast %mul3A_799 : f32 to vector<64x1xf32>
    %mul3A_801 = arith.mulf %broadcast_in_dim3A_795, %mul3A_800 : vector<64x1xf32>
    %erf3A_802 = math.erf %mul3A_801 : vector<64x1xf32>
    %add3A_803 = arith.constant 1.000000e+00 : f32
    %add3A_804 = vector.broadcast %add3A_803 : f32 to vector<64x1xf32>
    %add3A_805 = arith.addf %add3A_804, %erf3A_802 : vector<64x1xf32>
    %mul3A_806 = arith.mulf %mul3A_798, %add3A_805 : vector<64x1xf32>
    %jit3A_807 = arith.constant 0.000000e+00 : f32
    %broadcast_in_dim3A_808 = vector.shape_cast %mul3A_806 : vector<64x1xf32> to vector<64x1xf32>
    %broadcast_in_dim3A_809 = vector.broadcast %broadcast_in_dim3A_808 : vector<64x1xf32> to vector<64x32xf32>
    %broadcast_in_dim3A_810 = vector.broadcast %jit3A_807 : f32 to vector<64x32xf32>
    %select_n3A_811 = arith.select %eq3A_789, %broadcast_in_dim3A_809, %broadcast_in_dim3A_810 : vector<64x32xi1>, vector<64x32xf32>
    %add3A_812 = arith.addf %broadcast_in_dim3A_784, %select_n3A_811 : vector<64x32xf32>
    %mul3A_813 = arith.constant 2 : i32
    %mul3A_814 = vector.broadcast %mul3A_813 : i32 to vector<64x1xi32>
    %mul3A_815 = arith.muli %broadcast_in_dim3A_782, %mul3A_814 : vector<64x1xi32>
    %ge3A_816 = arith.constant 0.000000e+00 : f32
    %ge3A_817 = vector.broadcast %ge3A_816 : f32 to vector<64x1xf32>
    %ge3A_818 = arith.cmpf oge, %broadcast_in_dim3A_795, %ge3A_817 : vector<64x1xf32>
    %convert_element_type3A_819 = arith.extui %ge3A_818 : vector<64x1xi1> to vector<64x1xi32>
    %add3A_820 = arith.addi %mul3A_815, %convert_element_type3A_819 : vector<64x1xi32>
    %add3A_821 = arith.constant 1 : i32
    %add3A_822 = vector.broadcast %add3A_821 : i32 to vector<64x1xi32>
    %add3A_823 = arith.addi %add3A_822, %add3A_820 : vector<64x1xi32>
    %eq3A_824 = vector.broadcast %add3A_823 : vector<64x1xi32> to vector<64x32xi32>
    %eq3A_825 = arith.cmpi eq, %iota3A, %eq3A_824 : vector<64x32xi32>
    %jit3A_826 = arith.constant 0.000000e+00 : f32
    %broadcast_in_dim3A_827 = vector.broadcast %jit3A_826 : f32 to vector<64x32xf32>
    %select_n3A_828 = arith.select %eq3A_825, %dot_general3A_780, %broadcast_in_dim3A_827 : vector<64x32xi1>, vector<64x32xf32>
    %reduce_sum3A_829 = arith.constant dense<0.000000e+00> : vector<64xf32>
    %reduce_sum3A_830 = vector.multi_reduction <add>, %select_n3A_828, %reduce_sum3A_829 [1] : vector<64x32xf32> to vector<64xf32>
    %broadcast_in_dim3A_831 = vector.shape_cast %reduce_sum3A_830 : vector<64xf32> to vector<64x1xf32>
    %mul3A_832 = arith.constant 5.000000e-01 : f32
    %mul3A_833 = vector.broadcast %mul3A_832 : f32 to vector<64x1xf32>
    %mul3A_834 = arith.mulf %mul3A_833, %broadcast_in_dim3A_831 : vector<64x1xf32>
    %mul3A_835 = arith.constant 0.707106769 : f32
    %mul3A_836 = vector.broadcast %mul3A_835 : f32 to vector<64x1xf32>
    %mul3A_837 = arith.mulf %broadcast_in_dim3A_831, %mul3A_836 : vector<64x1xf32>
    %erf3A_838 = math.erf %mul3A_837 : vector<64x1xf32>
    %add3A_839 = arith.constant 1.000000e+00 : f32
    %add3A_840 = vector.broadcast %add3A_839 : f32 to vector<64x1xf32>
    %add3A_841 = arith.addf %add3A_840, %erf3A_838 : vector<64x1xf32>
    %mul3A_842 = arith.mulf %mul3A_834, %add3A_841 : vector<64x1xf32>
    %jit3A_843 = arith.constant 0.000000e+00 : f32
    %broadcast_in_dim3A_844 = vector.shape_cast %mul3A_842 : vector<64x1xf32> to vector<64x1xf32>
    %broadcast_in_dim3A_845 = vector.broadcast %broadcast_in_dim3A_844 : vector<64x1xf32> to vector<64x32xf32>
    %broadcast_in_dim3A_846 = vector.broadcast %jit3A_843 : f32 to vector<64x32xf32>
    %select_n3A_847 = arith.select %eq3A_825, %broadcast_in_dim3A_845, %broadcast_in_dim3A_846 : vector<64x32xi1>, vector<64x32xf32>
    %add3A_848 = arith.addf %add3A_812, %select_n3A_847 : vector<64x32xf32>
    %mul3A_849 = arith.constant 2 : i32
    %mul3A_850 = vector.broadcast %mul3A_849 : i32 to vector<64x1xi32>
    %mul3A_851 = arith.muli %add3A_820, %mul3A_850 : vector<64x1xi32>
    %ge3A_852 = arith.constant 0.000000e+00 : f32
    %ge3A_853 = vector.broadcast %ge3A_852 : f32 to vector<64x1xf32>
    %ge3A_854 = arith.cmpf oge, %broadcast_in_dim3A_831, %ge3A_853 : vector<64x1xf32>
    %convert_element_type3A_855 = arith.extui %ge3A_854 : vector<64x1xi1> to vector<64x1xi32>
    %add3A_856 = arith.addi %mul3A_851, %convert_element_type3A_855 : vector<64x1xi32>
    %add3A_857 = arith.constant 3 : i32
    %add3A_858 = vector.broadcast %add3A_857 : i32 to vector<64x1xi32>
    %add3A_859 = arith.addi %add3A_858, %add3A_856 : vector<64x1xi32>
    %eq3A_860 = vector.broadcast %add3A_859 : vector<64x1xi32> to vector<64x32xi32>
    %eq3A_861 = arith.cmpi eq, %iota3A, %eq3A_860 : vector<64x32xi32>
    %jit3A_862 = arith.constant 0.000000e+00 : f32
    %broadcast_in_dim3A_863 = vector.broadcast %jit3A_862 : f32 to vector<64x32xf32>
    %select_n3A_864 = arith.select %eq3A_861, %dot_general3A_780, %broadcast_in_dim3A_863 : vector<64x32xi1>, vector<64x32xf32>
    %reduce_sum3A_865 = arith.constant dense<0.000000e+00> : vector<64xf32>
    %reduce_sum3A_866 = vector.multi_reduction <add>, %select_n3A_864, %reduce_sum3A_865 [1] : vector<64x32xf32> to vector<64xf32>
    %broadcast_in_dim3A_867 = vector.shape_cast %reduce_sum3A_866 : vector<64xf32> to vector<64x1xf32>
    %mul3A_868 = arith.constant 5.000000e-01 : f32
    %mul3A_869 = vector.broadcast %mul3A_868 : f32 to vector<64x1xf32>
    %mul3A_870 = arith.mulf %mul3A_869, %broadcast_in_dim3A_867 : vector<64x1xf32>
    %mul3A_871 = arith.constant 0.707106769 : f32
    %mul3A_872 = vector.broadcast %mul3A_871 : f32 to vector<64x1xf32>
    %mul3A_873 = arith.mulf %broadcast_in_dim3A_867, %mul3A_872 : vector<64x1xf32>
    %erf3A_874 = math.erf %mul3A_873 : vector<64x1xf32>
    %add3A_875 = arith.constant 1.000000e+00 : f32
    %add3A_876 = vector.broadcast %add3A_875 : f32 to vector<64x1xf32>
    %add3A_877 = arith.addf %add3A_876, %erf3A_874 : vector<64x1xf32>
    %mul3A_878 = arith.mulf %mul3A_870, %add3A_877 : vector<64x1xf32>
    %jit3A_879 = arith.constant 0.000000e+00 : f32
    %broadcast_in_dim3A_880 = vector.shape_cast %mul3A_878 : vector<64x1xf32> to vector<64x1xf32>
    %broadcast_in_dim3A_881 = vector.broadcast %broadcast_in_dim3A_880 : vector<64x1xf32> to vector<64x32xf32>
    %broadcast_in_dim3A_882 = vector.broadcast %jit3A_879 : f32 to vector<64x32xf32>
    %select_n3A_883 = arith.select %eq3A_861, %broadcast_in_dim3A_881, %broadcast_in_dim3A_882 : vector<64x32xi1>, vector<64x32xf32>
    %add3A_884 = arith.addf %add3A_848, %select_n3A_883 : vector<64x32xf32>
    %mul3A_885 = arith.constant 2 : i32
    %mul3A_886 = vector.broadcast %mul3A_885 : i32 to vector<64x1xi32>
    %mul3A_887 = arith.muli %add3A_856, %mul3A_886 : vector<64x1xi32>
    %ge3A_888 = arith.constant 0.000000e+00 : f32
    %ge3A_889 = vector.broadcast %ge3A_888 : f32 to vector<64x1xf32>
    %ge3A_890 = arith.cmpf oge, %broadcast_in_dim3A_867, %ge3A_889 : vector<64x1xf32>
    %convert_element_type3A_891 = arith.extui %ge3A_890 : vector<64x1xi1> to vector<64x1xi32>
    %add3A_892 = arith.addi %mul3A_887, %convert_element_type3A_891 : vector<64x1xi32>
    %add3A_893 = arith.constant 7 : i32
    %add3A_894 = vector.broadcast %add3A_893 : i32 to vector<64x1xi32>
    %add3A_895 = arith.addi %add3A_894, %add3A_892 : vector<64x1xi32>
    %eq3A_896 = vector.broadcast %add3A_895 : vector<64x1xi32> to vector<64x32xi32>
    %eq3A_897 = arith.cmpi eq, %iota3A, %eq3A_896 : vector<64x32xi32>
    %jit3A_898 = arith.constant 0.000000e+00 : f32
    %broadcast_in_dim3A_899 = vector.broadcast %jit3A_898 : f32 to vector<64x32xf32>
    %select_n3A_900 = arith.select %eq3A_897, %dot_general3A_780, %broadcast_in_dim3A_899 : vector<64x32xi1>, vector<64x32xf32>
    %reduce_sum3A_901 = arith.constant dense<0.000000e+00> : vector<64xf32>
    %reduce_sum3A_902 = vector.multi_reduction <add>, %select_n3A_900, %reduce_sum3A_901 [1] : vector<64x32xf32> to vector<64xf32>
    %broadcast_in_dim3A_903 = vector.shape_cast %reduce_sum3A_902 : vector<64xf32> to vector<64x1xf32>
    %mul3A_904 = arith.constant 5.000000e-01 : f32
    %mul3A_905 = vector.broadcast %mul3A_904 : f32 to vector<64x1xf32>
    %mul3A_906 = arith.mulf %mul3A_905, %broadcast_in_dim3A_903 : vector<64x1xf32>
    %mul3A_907 = arith.constant 0.707106769 : f32
    %mul3A_908 = vector.broadcast %mul3A_907 : f32 to vector<64x1xf32>
    %mul3A_909 = arith.mulf %broadcast_in_dim3A_903, %mul3A_908 : vector<64x1xf32>
    %erf3A_910 = math.erf %mul3A_909 : vector<64x1xf32>
    %add3A_911 = arith.constant 1.000000e+00 : f32
    %add3A_912 = vector.broadcast %add3A_911 : f32 to vector<64x1xf32>
    %add3A_913 = arith.addf %add3A_912, %erf3A_910 : vector<64x1xf32>
    %mul3A_914 = arith.mulf %mul3A_906, %add3A_913 : vector<64x1xf32>
    %jit3A_915 = arith.constant 0.000000e+00 : f32
    %broadcast_in_dim3A_916 = vector.shape_cast %mul3A_914 : vector<64x1xf32> to vector<64x1xf32>
    %broadcast_in_dim3A_917 = vector.broadcast %broadcast_in_dim3A_916 : vector<64x1xf32> to vector<64x32xf32>
    %broadcast_in_dim3A_918 = vector.broadcast %jit3A_915 : f32 to vector<64x32xf32>
    %select_n3A_919 = arith.select %eq3A_897, %broadcast_in_dim3A_917, %broadcast_in_dim3A_918 : vector<64x32xi1>, vector<64x32xf32>
    %add3A_920 = arith.addf %add3A_884, %select_n3A_919 : vector<64x32xf32>
    %mul3A_921 = arith.constant 2 : i32
    %mul3A_922 = vector.broadcast %mul3A_921 : i32 to vector<64x1xi32>
    %mul3A_923 = arith.muli %add3A_892, %mul3A_922 : vector<64x1xi32>
    %ge3A_924 = arith.constant 0.000000e+00 : f32
    %ge3A_925 = vector.broadcast %ge3A_924 : f32 to vector<64x1xf32>
    %ge3A_926 = arith.cmpf oge, %broadcast_in_dim3A_903, %ge3A_925 : vector<64x1xf32>
    %convert_element_type3A_927 = arith.extui %ge3A_926 : vector<64x1xi1> to vector<64x1xi32>
    %add3A_928 = arith.addi %mul3A_923, %convert_element_type3A_927 : vector<64x1xi32>
    %add3A_929 = arith.constant 15 : i32
    %add3A_930 = vector.broadcast %add3A_929 : i32 to vector<64x1xi32>
    %add3A_931 = arith.addi %add3A_930, %add3A_928 : vector<64x1xi32>
    %eq3A_932 = vector.broadcast %add3A_931 : vector<64x1xi32> to vector<64x32xi32>
    %eq3A_933 = arith.cmpi eq, %iota3A, %eq3A_932 : vector<64x32xi32>
    %jit3A_934 = arith.constant 0.000000e+00 : f32
    %broadcast_in_dim3A_935 = vector.broadcast %jit3A_934 : f32 to vector<64x32xf32>
    %select_n3A_936 = arith.select %eq3A_933, %dot_general3A_780, %broadcast_in_dim3A_935 : vector<64x32xi1>, vector<64x32xf32>
    %reduce_sum3A_937 = arith.constant dense<0.000000e+00> : vector<64xf32>
    %reduce_sum3A_938 = vector.multi_reduction <add>, %select_n3A_936, %reduce_sum3A_937 [1] : vector<64x32xf32> to vector<64xf32>
    %broadcast_in_dim3A_939 = vector.shape_cast %reduce_sum3A_938 : vector<64xf32> to vector<64x1xf32>
    %mul3A_940 = arith.constant 5.000000e-01 : f32
    %mul3A_941 = vector.broadcast %mul3A_940 : f32 to vector<64x1xf32>
    %mul3A_942 = arith.mulf %mul3A_941, %broadcast_in_dim3A_939 : vector<64x1xf32>
    %mul3A_943 = arith.constant 0.707106769 : f32
    %mul3A_944 = vector.broadcast %mul3A_943 : f32 to vector<64x1xf32>
    %mul3A_945 = arith.mulf %broadcast_in_dim3A_939, %mul3A_944 : vector<64x1xf32>
    %erf3A_946 = math.erf %mul3A_945 : vector<64x1xf32>
    %add3A_947 = arith.constant 1.000000e+00 : f32
    %add3A_948 = vector.broadcast %add3A_947 : f32 to vector<64x1xf32>
    %add3A_949 = arith.addf %add3A_948, %erf3A_946 : vector<64x1xf32>
    %mul3A_950 = arith.mulf %mul3A_942, %add3A_949 : vector<64x1xf32>
    %jit3A_951 = arith.constant 0.000000e+00 : f32
    %broadcast_in_dim3A_952 = vector.shape_cast %mul3A_950 : vector<64x1xf32> to vector<64x1xf32>
    %broadcast_in_dim3A_953 = vector.broadcast %broadcast_in_dim3A_952 : vector<64x1xf32> to vector<64x32xf32>
    %broadcast_in_dim3A_954 = vector.broadcast %jit3A_951 : f32 to vector<64x32xf32>
    %select_n3A_955 = arith.select %eq3A_933, %broadcast_in_dim3A_953, %broadcast_in_dim3A_954 : vector<64x32xi1>, vector<64x32xf32>
    %add3A_956 = arith.addf %add3A_920, %select_n3A_955 : vector<64x32xf32>
    %get3A_957 = arith.constant 4 : index
    %get3A_958 = arith.constant 0 : index
    %get3A_959 = arith.constant 0 : index
    %get3A_960 = vector.load %arg3[%get3A_957, %get3A_958, %get3A_959] : memref<8x32x1024xf32, #tpu.memory_space<vmem>>, vector<1x32x1024xf32>
    %get3A_961 = vector.shape_cast %get3A_960 : vector<1x32x1024xf32> to vector<32x1024xf32>
    %dot_general3A_962 = arith.constant dense<0.000000e+00> : vector<64x1024xf32>
    %dot_general3A_963 = tpu.matmul %add3A_956, %get3A_961, %dot_general3A_962 {dimension_numbers = #tpu.dot_dimension_numbers<[1], [0], [0], [1], [0, 0, 1, 1], [], []>, transpose_lhs_hint = false} : vector<64x32xf32>, vector<32x1024xf32>, vector<64x1024xf32> -> vector<64x1024xf32>
    %swap3A_964 = arith.constant 256 : index
    %swap3A_965 = arith.constant 0 : index
    %swap3A_966 = vector.load %arg4[%swap3A_964, %swap3A_965] : memref<512x1024xf32, #tpu.memory_space<vmem>>, vector<64x1024xf32>
    tpu.vector_store %arg4[%swap3A_964, %swap3A_965], %dot_general3A_963 {strides = array<i32>} : memref<512x1024xf32, #tpu.memory_space<vmem>>, vector<64x1024xf32>,
    %get3A_967 = arith.constant 320 : index
    %get3A_968 = arith.constant 0 : index
    %get3A_969 = vector.load %arg1[%get3A_967, %get3A_968] : memref<512x1024xf32, #tpu.memory_space<vmem>>, vector<64x1024xf32>
    %get3A_970 = arith.constant 5 : index
    %get3A_971 = arith.constant 0 : index
    %get3A_972 = arith.constant 0 : index
    %get3A_973 = vector.load %arg2[%get3A_970, %get3A_971, %get3A_972] : memref<8x32x1024xf32, #tpu.memory_space<vmem>>, vector<1x32x1024xf32>
    %get3A_974 = vector.shape_cast %get3A_973 : vector<1x32x1024xf32> to vector<32x1024xf32>
    %dot_general3A_975 = arith.constant dense<0.000000e+00> : vector<64x32xf32>
    %dot_general3A_976 = tpu.matmul %get3A_969, %get3A_974, %dot_general3A_975 {dimension_numbers = #tpu.dot_dimension_numbers<[1], [1], [0], [0], [0, 0, 1, 0], [], []>, precision = #tpu.contract_precision<fp32>, transpose_lhs_hint = false} : vector<64x1024xf32>, vector<32x1024xf32>, vector<64x32xf32> -> vector<64x32xf32>
    %broadcast_in_dim3A_977 = arith.constant 0 : i32
    %broadcast_in_dim3A_978 = vector.broadcast %broadcast_in_dim3A_977 : i32 to vector<64x1xi32>
    %broadcast_in_dim3A_979 = arith.constant 0.000000e+00 : f32
    %broadcast_in_dim3A_980 = vector.broadcast %broadcast_in_dim3A_979 : f32 to vector<64x32xf32>
    %add3A_981 = arith.constant 0 : i32
    %add3A_982 = vector.broadcast %add3A_981 : i32 to vector<64x1xi32>
    %add3A_983 = arith.addi %add3A_982, %broadcast_in_dim3A_978 : vector<64x1xi32>
    %eq3A_984 = vector.broadcast %add3A_983 : vector<64x1xi32> to vector<64x32xi32>
    %eq3A_985 = arith.cmpi eq, %iota3A, %eq3A_984 : vector<64x32xi32>
    %jit3A_986 = arith.constant 0.000000e+00 : f32
    %broadcast_in_dim3A_987 = vector.broadcast %jit3A_986 : f32 to vector<64x32xf32>
    %select_n3A_988 = arith.select %eq3A_985, %dot_general3A_976, %broadcast_in_dim3A_987 : vector<64x32xi1>, vector<64x32xf32>
    %reduce_sum3A_989 = arith.constant dense<0.000000e+00> : vector<64xf32>
    %reduce_sum3A_990 = vector.multi_reduction <add>, %select_n3A_988, %reduce_sum3A_989 [1] : vector<64x32xf32> to vector<64xf32>
    %broadcast_in_dim3A_991 = vector.shape_cast %reduce_sum3A_990 : vector<64xf32> to vector<64x1xf32>
    %mul3A_992 = arith.constant 5.000000e-01 : f32
    %mul3A_993 = vector.broadcast %mul3A_992 : f32 to vector<64x1xf32>
    %mul3A_994 = arith.mulf %mul3A_993, %broadcast_in_dim3A_991 : vector<64x1xf32>
    %mul3A_995 = arith.constant 0.707106769 : f32
    %mul3A_996 = vector.broadcast %mul3A_995 : f32 to vector<64x1xf32>
    %mul3A_997 = arith.mulf %broadcast_in_dim3A_991, %mul3A_996 : vector<64x1xf32>
    %erf3A_998 = math.erf %mul3A_997 : vector<64x1xf32>
    %add3A_999 = arith.constant 1.000000e+00 : f32
    %add3A_1000 = vector.broadcast %add3A_999 : f32 to vector<64x1xf32>
    %add3A_1001 = arith.addf %add3A_1000, %erf3A_998 : vector<64x1xf32>
    %mul3A_1002 = arith.mulf %mul3A_994, %add3A_1001 : vector<64x1xf32>
    %jit3A_1003 = arith.constant 0.000000e+00 : f32
    %broadcast_in_dim3A_1004 = vector.shape_cast %mul3A_1002 : vector<64x1xf32> to vector<64x1xf32>
    %broadcast_in_dim3A_1005 = vector.broadcast %broadcast_in_dim3A_1004 : vector<64x1xf32> to vector<64x32xf32>
    %broadcast_in_dim3A_1006 = vector.broadcast %jit3A_1003 : f32 to vector<64x32xf32>
    %select_n3A_1007 = arith.select %eq3A_985, %broadcast_in_dim3A_1005, %broadcast_in_dim3A_1006 : vector<64x32xi1>, vector<64x32xf32>
    %add3A_1008 = arith.addf %broadcast_in_dim3A_980, %select_n3A_1007 : vector<64x32xf32>
    %mul3A_1009 = arith.constant 2 : i32
    %mul3A_1010 = vector.broadcast %mul3A_1009 : i32 to vector<64x1xi32>
    %mul3A_1011 = arith.muli %broadcast_in_dim3A_978, %mul3A_1010 : vector<64x1xi32>
    %ge3A_1012 = arith.constant 0.000000e+00 : f32
    %ge3A_1013 = vector.broadcast %ge3A_1012 : f32 to vector<64x1xf32>
    %ge3A_1014 = arith.cmpf oge, %broadcast_in_dim3A_991, %ge3A_1013 : vector<64x1xf32>
    %convert_element_type3A_1015 = arith.extui %ge3A_1014 : vector<64x1xi1> to vector<64x1xi32>
    %add3A_1016 = arith.addi %mul3A_1011, %convert_element_type3A_1015 : vector<64x1xi32>
    %add3A_1017 = arith.constant 1 : i32
    %add3A_1018 = vector.broadcast %add3A_1017 : i32 to vector<64x1xi32>
    %add3A_1019 = arith.addi %add3A_1018, %add3A_1016 : vector<64x1xi32>
    %eq3A_1020 = vector.broadcast %add3A_1019 : vector<64x1xi32> to vector<64x32xi32>
    %eq3A_1021 = arith.cmpi eq, %iota3A, %eq3A_1020 : vector<64x32xi32>
    %jit3A_1022 = arith.constant 0.000000e+00 : f32
    %broadcast_in_dim3A_1023 = vector.broadcast %jit3A_1022 : f32 to vector<64x32xf32>
    %select_n3A_1024 = arith.select %eq3A_1021, %dot_general3A_976, %broadcast_in_dim3A_1023 : vector<64x32xi1>, vector<64x32xf32>
    %reduce_sum3A_1025 = arith.constant dense<0.000000e+00> : vector<64xf32>
    %reduce_sum3A_1026 = vector.multi_reduction <add>, %select_n3A_1024, %reduce_sum3A_1025 [1] : vector<64x32xf32> to vector<64xf32>
    %broadcast_in_dim3A_1027 = vector.shape_cast %reduce_sum3A_1026 : vector<64xf32> to vector<64x1xf32>
    %mul3A_1028 = arith.constant 5.000000e-01 : f32
    %mul3A_1029 = vector.broadcast %mul3A_1028 : f32 to vector<64x1xf32>
    %mul3A_1030 = arith.mulf %mul3A_1029, %broadcast_in_dim3A_1027 : vector<64x1xf32>
    %mul3A_1031 = arith.constant 0.707106769 : f32
    %mul3A_1032 = vector.broadcast %mul3A_1031 : f32 to vector<64x1xf32>
    %mul3A_1033 = arith.mulf %broadcast_in_dim3A_1027, %mul3A_1032 : vector<64x1xf32>
    %erf3A_1034 = math.erf %mul3A_1033 : vector<64x1xf32>
    %add3A_1035 = arith.constant 1.000000e+00 : f32
    %add3A_1036 = vector.broadcast %add3A_1035 : f32 to vector<64x1xf32>
    %add3A_1037 = arith.addf %add3A_1036, %erf3A_1034 : vector<64x1xf32>
    %mul3A_1038 = arith.mulf %mul3A_1030, %add3A_1037 : vector<64x1xf32>
    %jit3A_1039 = arith.constant 0.000000e+00 : f32
    %broadcast_in_dim3A_1040 = vector.shape_cast %mul3A_1038 : vector<64x1xf32> to vector<64x1xf32>
    %broadcast_in_dim3A_1041 = vector.broadcast %broadcast_in_dim3A_1040 : vector<64x1xf32> to vector<64x32xf32>
    %broadcast_in_dim3A_1042 = vector.broadcast %jit3A_1039 : f32 to vector<64x32xf32>
    %select_n3A_1043 = arith.select %eq3A_1021, %broadcast_in_dim3A_1041, %broadcast_in_dim3A_1042 : vector<64x32xi1>, vector<64x32xf32>
    %add3A_1044 = arith.addf %add3A_1008, %select_n3A_1043 : vector<64x32xf32>
    %mul3A_1045 = arith.constant 2 : i32
    %mul3A_1046 = vector.broadcast %mul3A_1045 : i32 to vector<64x1xi32>
    %mul3A_1047 = arith.muli %add3A_1016, %mul3A_1046 : vector<64x1xi32>
    %ge3A_1048 = arith.constant 0.000000e+00 : f32
    %ge3A_1049 = vector.broadcast %ge3A_1048 : f32 to vector<64x1xf32>
    %ge3A_1050 = arith.cmpf oge, %broadcast_in_dim3A_1027, %ge3A_1049 : vector<64x1xf32>
    %convert_element_type3A_1051 = arith.extui %ge3A_1050 : vector<64x1xi1> to vector<64x1xi32>
    %add3A_1052 = arith.addi %mul3A_1047, %convert_element_type3A_1051 : vector<64x1xi32>
    %add3A_1053 = arith.constant 3 : i32
    %add3A_1054 = vector.broadcast %add3A_1053 : i32 to vector<64x1xi32>
    %add3A_1055 = arith.addi %add3A_1054, %add3A_1052 : vector<64x1xi32>
    %eq3A_1056 = vector.broadcast %add3A_1055 : vector<64x1xi32> to vector<64x32xi32>
    %eq3A_1057 = arith.cmpi eq, %iota3A, %eq3A_1056 : vector<64x32xi32>
    %jit3A_1058 = arith.constant 0.000000e+00 : f32
    %broadcast_in_dim3A_1059 = vector.broadcast %jit3A_1058 : f32 to vector<64x32xf32>
    %select_n3A_1060 = arith.select %eq3A_1057, %dot_general3A_976, %broadcast_in_dim3A_1059 : vector<64x32xi1>, vector<64x32xf32>
    %reduce_sum3A_1061 = arith.constant dense<0.000000e+00> : vector<64xf32>
    %reduce_sum3A_1062 = vector.multi_reduction <add>, %select_n3A_1060, %reduce_sum3A_1061 [1] : vector<64x32xf32> to vector<64xf32>
    %broadcast_in_dim3A_1063 = vector.shape_cast %reduce_sum3A_1062 : vector<64xf32> to vector<64x1xf32>
    %mul3A_1064 = arith.constant 5.000000e-01 : f32
    %mul3A_1065 = vector.broadcast %mul3A_1064 : f32 to vector<64x1xf32>
    %mul3A_1066 = arith.mulf %mul3A_1065, %broadcast_in_dim3A_1063 : vector<64x1xf32>
    %mul3A_1067 = arith.constant 0.707106769 : f32
    %mul3A_1068 = vector.broadcast %mul3A_1067 : f32 to vector<64x1xf32>
    %mul3A_1069 = arith.mulf %broadcast_in_dim3A_1063, %mul3A_1068 : vector<64x1xf32>
    %erf3A_1070 = math.erf %mul3A_1069 : vector<64x1xf32>
    %add3A_1071 = arith.constant 1.000000e+00 : f32
    %add3A_1072 = vector.broadcast %add3A_1071 : f32 to vector<64x1xf32>
    %add3A_1073 = arith.addf %add3A_1072, %erf3A_1070 : vector<64x1xf32>
    %mul3A_1074 = arith.mulf %mul3A_1066, %add3A_1073 : vector<64x1xf32>
    %jit3A_1075 = arith.constant 0.000000e+00 : f32
    %broadcast_in_dim3A_1076 = vector.shape_cast %mul3A_1074 : vector<64x1xf32> to vector<64x1xf32>
    %broadcast_in_dim3A_1077 = vector.broadcast %broadcast_in_dim3A_1076 : vector<64x1xf32> to vector<64x32xf32>
    %broadcast_in_dim3A_1078 = vector.broadcast %jit3A_1075 : f32 to vector<64x32xf32>
    %select_n3A_1079 = arith.select %eq3A_1057, %broadcast_in_dim3A_1077, %broadcast_in_dim3A_1078 : vector<64x32xi1>, vector<64x32xf32>
    %add3A_1080 = arith.addf %add3A_1044, %select_n3A_1079 : vector<64x32xf32>
    %mul3A_1081 = arith.constant 2 : i32
    %mul3A_1082 = vector.broadcast %mul3A_1081 : i32 to vector<64x1xi32>
    %mul3A_1083 = arith.muli %add3A_1052, %mul3A_1082 : vector<64x1xi32>
    %ge3A_1084 = arith.constant 0.000000e+00 : f32
    %ge3A_1085 = vector.broadcast %ge3A_1084 : f32 to vector<64x1xf32>
    %ge3A_1086 = arith.cmpf oge, %broadcast_in_dim3A_1063, %ge3A_1085 : vector<64x1xf32>
    %convert_element_type3A_1087 = arith.extui %ge3A_1086 : vector<64x1xi1> to vector<64x1xi32>
    %add3A_1088 = arith.addi %mul3A_1083, %convert_element_type3A_1087 : vector<64x1xi32>
    %add3A_1089 = arith.constant 7 : i32
    %add3A_1090 = vector.broadcast %add3A_1089 : i32 to vector<64x1xi32>
    %add3A_1091 = arith.addi %add3A_1090, %add3A_1088 : vector<64x1xi32>
    %eq3A_1092 = vector.broadcast %add3A_1091 : vector<64x1xi32> to vector<64x32xi32>
    %eq3A_1093 = arith.cmpi eq, %iota3A, %eq3A_1092 : vector<64x32xi32>
    %jit3A_1094 = arith.constant 0.000000e+00 : f32
    %broadcast_in_dim3A_1095 = vector.broadcast %jit3A_1094 : f32 to vector<64x32xf32>
    %select_n3A_1096 = arith.select %eq3A_1093, %dot_general3A_976, %broadcast_in_dim3A_1095 : vector<64x32xi1>, vector<64x32xf32>
    %reduce_sum3A_1097 = arith.constant dense<0.000000e+00> : vector<64xf32>
    %reduce_sum3A_1098 = vector.multi_reduction <add>, %select_n3A_1096, %reduce_sum3A_1097 [1] : vector<64x32xf32> to vector<64xf32>
    %broadcast_in_dim3A_1099 = vector.shape_cast %reduce_sum3A_1098 : vector<64xf32> to vector<64x1xf32>
    %mul3A_1100 = arith.constant 5.000000e-01 : f32
    %mul3A_1101 = vector.broadcast %mul3A_1100 : f32 to vector<64x1xf32>
    %mul3A_1102 = arith.mulf %mul3A_1101, %broadcast_in_dim3A_1099 : vector<64x1xf32>
    %mul3A_1103 = arith.constant 0.707106769 : f32
    %mul3A_1104 = vector.broadcast %mul3A_1103 : f32 to vector<64x1xf32>
    %mul3A_1105 = arith.mulf %broadcast_in_dim3A_1099, %mul3A_1104 : vector<64x1xf32>
    %erf3A_1106 = math.erf %mul3A_1105 : vector<64x1xf32>
    %add3A_1107 = arith.constant 1.000000e+00 : f32
    %add3A_1108 = vector.broadcast %add3A_1107 : f32 to vector<64x1xf32>
    %add3A_1109 = arith.addf %add3A_1108, %erf3A_1106 : vector<64x1xf32>
    %mul3A_1110 = arith.mulf %mul3A_1102, %add3A_1109 : vector<64x1xf32>
    %jit3A_1111 = arith.constant 0.000000e+00 : f32
    %broadcast_in_dim3A_1112 = vector.shape_cast %mul3A_1110 : vector<64x1xf32> to vector<64x1xf32>
    %broadcast_in_dim3A_1113 = vector.broadcast %broadcast_in_dim3A_1112 : vector<64x1xf32> to vector<64x32xf32>
    %broadcast_in_dim3A_1114 = vector.broadcast %jit3A_1111 : f32 to vector<64x32xf32>
    %select_n3A_1115 = arith.select %eq3A_1093, %broadcast_in_dim3A_1113, %broadcast_in_dim3A_1114 : vector<64x32xi1>, vector<64x32xf32>
    %add3A_1116 = arith.addf %add3A_1080, %select_n3A_1115 : vector<64x32xf32>
    %mul3A_1117 = arith.constant 2 : i32
    %mul3A_1118 = vector.broadcast %mul3A_1117 : i32 to vector<64x1xi32>
    %mul3A_1119 = arith.muli %add3A_1088, %mul3A_1118 : vector<64x1xi32>
    %ge3A_1120 = arith.constant 0.000000e+00 : f32
    %ge3A_1121 = vector.broadcast %ge3A_1120 : f32 to vector<64x1xf32>
    %ge3A_1122 = arith.cmpf oge, %broadcast_in_dim3A_1099, %ge3A_1121 : vector<64x1xf32>
    %convert_element_type3A_1123 = arith.extui %ge3A_1122 : vector<64x1xi1> to vector<64x1xi32>
    %add3A_1124 = arith.addi %mul3A_1119, %convert_element_type3A_1123 : vector<64x1xi32>
    %add3A_1125 = arith.constant 15 : i32
    %add3A_1126 = vector.broadcast %add3A_1125 : i32 to vector<64x1xi32>
    %add3A_1127 = arith.addi %add3A_1126, %add3A_1124 : vector<64x1xi32>
    %eq3A_1128 = vector.broadcast %add3A_1127 : vector<64x1xi32> to vector<64x32xi32>
    %eq3A_1129 = arith.cmpi eq, %iota3A, %eq3A_1128 : vector<64x32xi32>
    %jit3A_1130 = arith.constant 0.000000e+00 : f32
    %broadcast_in_dim3A_1131 = vector.broadcast %jit3A_1130 : f32 to vector<64x32xf32>
    %select_n3A_1132 = arith.select %eq3A_1129, %dot_general3A_976, %broadcast_in_dim3A_1131 : vector<64x32xi1>, vector<64x32xf32>
    %reduce_sum3A_1133 = arith.constant dense<0.000000e+00> : vector<64xf32>
    %reduce_sum3A_1134 = vector.multi_reduction <add>, %select_n3A_1132, %reduce_sum3A_1133 [1] : vector<64x32xf32> to vector<64xf32>
    %broadcast_in_dim3A_1135 = vector.shape_cast %reduce_sum3A_1134 : vector<64xf32> to vector<64x1xf32>
    %mul3A_1136 = arith.constant 5.000000e-01 : f32
    %mul3A_1137 = vector.broadcast %mul3A_1136 : f32 to vector<64x1xf32>
    %mul3A_1138 = arith.mulf %mul3A_1137, %broadcast_in_dim3A_1135 : vector<64x1xf32>
    %mul3A_1139 = arith.constant 0.707106769 : f32
    %mul3A_1140 = vector.broadcast %mul3A_1139 : f32 to vector<64x1xf32>
    %mul3A_1141 = arith.mulf %broadcast_in_dim3A_1135, %mul3A_1140 : vector<64x1xf32>
    %erf3A_1142 = math.erf %mul3A_1141 : vector<64x1xf32>
    %add3A_1143 = arith.constant 1.000000e+00 : f32
    %add3A_1144 = vector.broadcast %add3A_1143 : f32 to vector<64x1xf32>
    %add3A_1145 = arith.addf %add3A_1144, %erf3A_1142 : vector<64x1xf32>
    %mul3A_1146 = arith.mulf %mul3A_1138, %add3A_1145 : vector<64x1xf32>
    %jit3A_1147 = arith.constant 0.000000e+00 : f32
    %broadcast_in_dim3A_1148 = vector.shape_cast %mul3A_1146 : vector<64x1xf32> to vector<64x1xf32>
    %broadcast_in_dim3A_1149 = vector.broadcast %broadcast_in_dim3A_1148 : vector<64x1xf32> to vector<64x32xf32>
    %broadcast_in_dim3A_1150 = vector.broadcast %jit3A_1147 : f32 to vector<64x32xf32>
    %select_n3A_1151 = arith.select %eq3A_1129, %broadcast_in_dim3A_1149, %broadcast_in_dim3A_1150 : vector<64x32xi1>, vector<64x32xf32>
    %add3A_1152 = arith.addf %add3A_1116, %select_n3A_1151 : vector<64x32xf32>
    %get3A_1153 = arith.constant 5 : index
    %get3A_1154 = arith.constant 0 : index
    %get3A_1155 = arith.constant 0 : index
    %get3A_1156 = vector.load %arg3[%get3A_1153, %get3A_1154, %get3A_1155] : memref<8x32x1024xf32, #tpu.memory_space<vmem>>, vector<1x32x1024xf32>
    %get3A_1157 = vector.shape_cast %get3A_1156 : vector<1x32x1024xf32> to vector<32x1024xf32>
    %dot_general3A_1158 = arith.constant dense<0.000000e+00> : vector<64x1024xf32>
    %dot_general3A_1159 = tpu.matmul %add3A_1152, %get3A_1157, %dot_general3A_1158 {dimension_numbers = #tpu.dot_dimension_numbers<[1], [0], [0], [1], [0, 0, 1, 1], [], []>, transpose_lhs_hint = false} : vector<64x32xf32>, vector<32x1024xf32>, vector<64x1024xf32> -> vector<64x1024xf32>
    %swap3A_1160 = arith.constant 320 : index
    %swap3A_1161 = arith.constant 0 : index
    %swap3A_1162 = vector.load %arg4[%swap3A_1160, %swap3A_1161] : memref<512x1024xf32, #tpu.memory_space<vmem>>, vector<64x1024xf32>
    tpu.vector_store %arg4[%swap3A_1160, %swap3A_1161], %dot_general3A_1159 {strides = array<i32>} : memref<512x1024xf32, #tpu.memory_space<vmem>>, vector<64x1024xf32>,
    %get3A_1163 = arith.constant 384 : index
    %get3A_1164 = arith.constant 0 : index
    %get3A_1165 = vector.load %arg1[%get3A_1163, %get3A_1164] : memref<512x1024xf32, #tpu.memory_space<vmem>>, vector<64x1024xf32>
    %get3A_1166 = arith.constant 6 : index
    %get3A_1167 = arith.constant 0 : index
    %get3A_1168 = arith.constant 0 : index
    %get3A_1169 = vector.load %arg2[%get3A_1166, %get3A_1167, %get3A_1168] : memref<8x32x1024xf32, #tpu.memory_space<vmem>>, vector<1x32x1024xf32>
    %get3A_1170 = vector.shape_cast %get3A_1169 : vector<1x32x1024xf32> to vector<32x1024xf32>
    %dot_general3A_1171 = arith.constant dense<0.000000e+00> : vector<64x32xf32>
    %dot_general3A_1172 = tpu.matmul %get3A_1165, %get3A_1170, %dot_general3A_1171 {dimension_numbers = #tpu.dot_dimension_numbers<[1], [1], [0], [0], [0, 0, 1, 0], [], []>, precision = #tpu.contract_precision<fp32>, transpose_lhs_hint = false} : vector<64x1024xf32>, vector<32x1024xf32>, vector<64x32xf32> -> vector<64x32xf32>
    %broadcast_in_dim3A_1173 = arith.constant 0 : i32
    %broadcast_in_dim3A_1174 = vector.broadcast %broadcast_in_dim3A_1173 : i32 to vector<64x1xi32>
    %broadcast_in_dim3A_1175 = arith.constant 0.000000e+00 : f32
    %broadcast_in_dim3A_1176 = vector.broadcast %broadcast_in_dim3A_1175 : f32 to vector<64x32xf32>
    %add3A_1177 = arith.constant 0 : i32
    %add3A_1178 = vector.broadcast %add3A_1177 : i32 to vector<64x1xi32>
    %add3A_1179 = arith.addi %add3A_1178, %broadcast_in_dim3A_1174 : vector<64x1xi32>
    %eq3A_1180 = vector.broadcast %add3A_1179 : vector<64x1xi32> to vector<64x32xi32>
    %eq3A_1181 = arith.cmpi eq, %iota3A, %eq3A_1180 : vector<64x32xi32>
    %jit3A_1182 = arith.constant 0.000000e+00 : f32
    %broadcast_in_dim3A_1183 = vector.broadcast %jit3A_1182 : f32 to vector<64x32xf32>
    %select_n3A_1184 = arith.select %eq3A_1181, %dot_general3A_1172, %broadcast_in_dim3A_1183 : vector<64x32xi1>, vector<64x32xf32>
    %reduce_sum3A_1185 = arith.constant dense<0.000000e+00> : vector<64xf32>
    %reduce_sum3A_1186 = vector.multi_reduction <add>, %select_n3A_1184, %reduce_sum3A_1185 [1] : vector<64x32xf32> to vector<64xf32>
    %broadcast_in_dim3A_1187 = vector.shape_cast %reduce_sum3A_1186 : vector<64xf32> to vector<64x1xf32>
    %mul3A_1188 = arith.constant 5.000000e-01 : f32
    %mul3A_1189 = vector.broadcast %mul3A_1188 : f32 to vector<64x1xf32>
    %mul3A_1190 = arith.mulf %mul3A_1189, %broadcast_in_dim3A_1187 : vector<64x1xf32>
    %mul3A_1191 = arith.constant 0.707106769 : f32
    %mul3A_1192 = vector.broadcast %mul3A_1191 : f32 to vector<64x1xf32>
    %mul3A_1193 = arith.mulf %broadcast_in_dim3A_1187, %mul3A_1192 : vector<64x1xf32>
    %erf3A_1194 = math.erf %mul3A_1193 : vector<64x1xf32>
    %add3A_1195 = arith.constant 1.000000e+00 : f32
    %add3A_1196 = vector.broadcast %add3A_1195 : f32 to vector<64x1xf32>
    %add3A_1197 = arith.addf %add3A_1196, %erf3A_1194 : vector<64x1xf32>
    %mul3A_1198 = arith.mulf %mul3A_1190, %add3A_1197 : vector<64x1xf32>
    %jit3A_1199 = arith.constant 0.000000e+00 : f32
    %broadcast_in_dim3A_1200 = vector.shape_cast %mul3A_1198 : vector<64x1xf32> to vector<64x1xf32>
    %broadcast_in_dim3A_1201 = vector.broadcast %broadcast_in_dim3A_1200 : vector<64x1xf32> to vector<64x32xf32>
    %broadcast_in_dim3A_1202 = vector.broadcast %jit3A_1199 : f32 to vector<64x32xf32>
    %select_n3A_1203 = arith.select %eq3A_1181, %broadcast_in_dim3A_1201, %broadcast_in_dim3A_1202 : vector<64x32xi1>, vector<64x32xf32>
    %add3A_1204 = arith.addf %broadcast_in_dim3A_1176, %select_n3A_1203 : vector<64x32xf32>
    %mul3A_1205 = arith.constant 2 : i32
    %mul3A_1206 = vector.broadcast %mul3A_1205 : i32 to vector<64x1xi32>
    %mul3A_1207 = arith.muli %broadcast_in_dim3A_1174, %mul3A_1206 : vector<64x1xi32>
    %ge3A_1208 = arith.constant 0.000000e+00 : f32
    %ge3A_1209 = vector.broadcast %ge3A_1208 : f32 to vector<64x1xf32>
    %ge3A_1210 = arith.cmpf oge, %broadcast_in_dim3A_1187, %ge3A_1209 : vector<64x1xf32>
    %convert_element_type3A_1211 = arith.extui %ge3A_1210 : vector<64x1xi1> to vector<64x1xi32>
    %add3A_1212 = arith.addi %mul3A_1207, %convert_element_type3A_1211 : vector<64x1xi32>
    %add3A_1213 = arith.constant 1 : i32
    %add3A_1214 = vector.broadcast %add3A_1213 : i32 to vector<64x1xi32>
    %add3A_1215 = arith.addi %add3A_1214, %add3A_1212 : vector<64x1xi32>
    %eq3A_1216 = vector.broadcast %add3A_1215 : vector<64x1xi32> to vector<64x32xi32>
    %eq3A_1217 = arith.cmpi eq, %iota3A, %eq3A_1216 : vector<64x32xi32>
    %jit3A_1218 = arith.constant 0.000000e+00 : f32
    %broadcast_in_dim3A_1219 = vector.broadcast %jit3A_1218 : f32 to vector<64x32xf32>
    %select_n3A_1220 = arith.select %eq3A_1217, %dot_general3A_1172, %broadcast_in_dim3A_1219 : vector<64x32xi1>, vector<64x32xf32>
    %reduce_sum3A_1221 = arith.constant dense<0.000000e+00> : vector<64xf32>
    %reduce_sum3A_1222 = vector.multi_reduction <add>, %select_n3A_1220, %reduce_sum3A_1221 [1] : vector<64x32xf32> to vector<64xf32>
    %broadcast_in_dim3A_1223 = vector.shape_cast %reduce_sum3A_1222 : vector<64xf32> to vector<64x1xf32>
    %mul3A_1224 = arith.constant 5.000000e-01 : f32
    %mul3A_1225 = vector.broadcast %mul3A_1224 : f32 to vector<64x1xf32>
    %mul3A_1226 = arith.mulf %mul3A_1225, %broadcast_in_dim3A_1223 : vector<64x1xf32>
    %mul3A_1227 = arith.constant 0.707106769 : f32
    %mul3A_1228 = vector.broadcast %mul3A_1227 : f32 to vector<64x1xf32>
    %mul3A_1229 = arith.mulf %broadcast_in_dim3A_1223, %mul3A_1228 : vector<64x1xf32>
    %erf3A_1230 = math.erf %mul3A_1229 : vector<64x1xf32>
    %add3A_1231 = arith.constant 1.000000e+00 : f32
    %add3A_1232 = vector.broadcast %add3A_1231 : f32 to vector<64x1xf32>
    %add3A_1233 = arith.addf %add3A_1232, %erf3A_1230 : vector<64x1xf32>
    %mul3A_1234 = arith.mulf %mul3A_1226, %add3A_1233 : vector<64x1xf32>
    %jit3A_1235 = arith.constant 0.000000e+00 : f32
    %broadcast_in_dim3A_1236 = vector.shape_cast %mul3A_1234 : vector<64x1xf32> to vector<64x1xf32>
    %broadcast_in_dim3A_1237 = vector.broadcast %broadcast_in_dim3A_1236 : vector<64x1xf32> to vector<64x32xf32>
    %broadcast_in_dim3A_1238 = vector.broadcast %jit3A_1235 : f32 to vector<64x32xf32>
    %select_n3A_1239 = arith.select %eq3A_1217, %broadcast_in_dim3A_1237, %broadcast_in_dim3A_1238 : vector<64x32xi1>, vector<64x32xf32>
    %add3A_1240 = arith.addf %add3A_1204, %select_n3A_1239 : vector<64x32xf32>
    %mul3A_1241 = arith.constant 2 : i32
    %mul3A_1242 = vector.broadcast %mul3A_1241 : i32 to vector<64x1xi32>
    %mul3A_1243 = arith.muli %add3A_1212, %mul3A_1242 : vector<64x1xi32>
    %ge3A_1244 = arith.constant 0.000000e+00 : f32
    %ge3A_1245 = vector.broadcast %ge3A_1244 : f32 to vector<64x1xf32>
    %ge3A_1246 = arith.cmpf oge, %broadcast_in_dim3A_1223, %ge3A_1245 : vector<64x1xf32>
    %convert_element_type3A_1247 = arith.extui %ge3A_1246 : vector<64x1xi1> to vector<64x1xi32>
    %add3A_1248 = arith.addi %mul3A_1243, %convert_element_type3A_1247 : vector<64x1xi32>
    %add3A_1249 = arith.constant 3 : i32
    %add3A_1250 = vector.broadcast %add3A_1249 : i32 to vector<64x1xi32>
    %add3A_1251 = arith.addi %add3A_1250, %add3A_1248 : vector<64x1xi32>
    %eq3A_1252 = vector.broadcast %add3A_1251 : vector<64x1xi32> to vector<64x32xi32>
    %eq3A_1253 = arith.cmpi eq, %iota3A, %eq3A_1252 : vector<64x32xi32>
    %jit3A_1254 = arith.constant 0.000000e+00 : f32
    %broadcast_in_dim3A_1255 = vector.broadcast %jit3A_1254 : f32 to vector<64x32xf32>
    %select_n3A_1256 = arith.select %eq3A_1253, %dot_general3A_1172, %broadcast_in_dim3A_1255 : vector<64x32xi1>, vector<64x32xf32>
    %reduce_sum3A_1257 = arith.constant dense<0.000000e+00> : vector<64xf32>
    %reduce_sum3A_1258 = vector.multi_reduction <add>, %select_n3A_1256, %reduce_sum3A_1257 [1] : vector<64x32xf32> to vector<64xf32>
    %broadcast_in_dim3A_1259 = vector.shape_cast %reduce_sum3A_1258 : vector<64xf32> to vector<64x1xf32>
    %mul3A_1260 = arith.constant 5.000000e-01 : f32
    %mul3A_1261 = vector.broadcast %mul3A_1260 : f32 to vector<64x1xf32>
    %mul3A_1262 = arith.mulf %mul3A_1261, %broadcast_in_dim3A_1259 : vector<64x1xf32>
    %mul3A_1263 = arith.constant 0.707106769 : f32
    %mul3A_1264 = vector.broadcast %mul3A_1263 : f32 to vector<64x1xf32>
    %mul3A_1265 = arith.mulf %broadcast_in_dim3A_1259, %mul3A_1264 : vector<64x1xf32>
    %erf3A_1266 = math.erf %mul3A_1265 : vector<64x1xf32>
    %add3A_1267 = arith.constant 1.000000e+00 : f32
    %add3A_1268 = vector.broadcast %add3A_1267 : f32 to vector<64x1xf32>
    %add3A_1269 = arith.addf %add3A_1268, %erf3A_1266 : vector<64x1xf32>
    %mul3A_1270 = arith.mulf %mul3A_1262, %add3A_1269 : vector<64x1xf32>
    %jit3A_1271 = arith.constant 0.000000e+00 : f32
    %broadcast_in_dim3A_1272 = vector.shape_cast %mul3A_1270 : vector<64x1xf32> to vector<64x1xf32>
    %broadcast_in_dim3A_1273 = vector.broadcast %broadcast_in_dim3A_1272 : vector<64x1xf32> to vector<64x32xf32>
    %broadcast_in_dim3A_1274 = vector.broadcast %jit3A_1271 : f32 to vector<64x32xf32>
    %select_n3A_1275 = arith.select %eq3A_1253, %broadcast_in_dim3A_1273, %broadcast_in_dim3A_1274 : vector<64x32xi1>, vector<64x32xf32>
    %add3A_1276 = arith.addf %add3A_1240, %select_n3A_1275 : vector<64x32xf32>
    %mul3A_1277 = arith.constant 2 : i32
    %mul3A_1278 = vector.broadcast %mul3A_1277 : i32 to vector<64x1xi32>
    %mul3A_1279 = arith.muli %add3A_1248, %mul3A_1278 : vector<64x1xi32>
    %ge3A_1280 = arith.constant 0.000000e+00 : f32
    %ge3A_1281 = vector.broadcast %ge3A_1280 : f32 to vector<64x1xf32>
    %ge3A_1282 = arith.cmpf oge, %broadcast_in_dim3A_1259, %ge3A_1281 : vector<64x1xf32>
    %convert_element_type3A_1283 = arith.extui %ge3A_1282 : vector<64x1xi1> to vector<64x1xi32>
    %add3A_1284 = arith.addi %mul3A_1279, %convert_element_type3A_1283 : vector<64x1xi32>
    %add3A_1285 = arith.constant 7 : i32
    %add3A_1286 = vector.broadcast %add3A_1285 : i32 to vector<64x1xi32>
    %add3A_1287 = arith.addi %add3A_1286, %add3A_1284 : vector<64x1xi32>
    %eq3A_1288 = vector.broadcast %add3A_1287 : vector<64x1xi32> to vector<64x32xi32>
    %eq3A_1289 = arith.cmpi eq, %iota3A, %eq3A_1288 : vector<64x32xi32>
    %jit3A_1290 = arith.constant 0.000000e+00 : f32
    %broadcast_in_dim3A_1291 = vector.broadcast %jit3A_1290 : f32 to vector<64x32xf32>
    %select_n3A_1292 = arith.select %eq3A_1289, %dot_general3A_1172, %broadcast_in_dim3A_1291 : vector<64x32xi1>, vector<64x32xf32>
    %reduce_sum3A_1293 = arith.constant dense<0.000000e+00> : vector<64xf32>
    %reduce_sum3A_1294 = vector.multi_reduction <add>, %select_n3A_1292, %reduce_sum3A_1293 [1] : vector<64x32xf32> to vector<64xf32>
    %broadcast_in_dim3A_1295 = vector.shape_cast %reduce_sum3A_1294 : vector<64xf32> to vector<64x1xf32>
    %mul3A_1296 = arith.constant 5.000000e-01 : f32
    %mul3A_1297 = vector.broadcast %mul3A_1296 : f32 to vector<64x1xf32>
    %mul3A_1298 = arith.mulf %mul3A_1297, %broadcast_in_dim3A_1295 : vector<64x1xf32>
    %mul3A_1299 = arith.constant 0.707106769 : f32
    %mul3A_1300 = vector.broadcast %mul3A_1299 : f32 to vector<64x1xf32>
    %mul3A_1301 = arith.mulf %broadcast_in_dim3A_1295, %mul3A_1300 : vector<64x1xf32>
    %erf3A_1302 = math.erf %mul3A_1301 : vector<64x1xf32>
    %add3A_1303 = arith.constant 1.000000e+00 : f32
    %add3A_1304 = vector.broadcast %add3A_1303 : f32 to vector<64x1xf32>
    %add3A_1305 = arith.addf %add3A_1304, %erf3A_1302 : vector<64x1xf32>
    %mul3A_1306 = arith.mulf %mul3A_1298, %add3A_1305 : vector<64x1xf32>
    %jit3A_1307 = arith.constant 0.000000e+00 : f32
    %broadcast_in_dim3A_1308 = vector.shape_cast %mul3A_1306 : vector<64x1xf32> to vector<64x1xf32>
    %broadcast_in_dim3A_1309 = vector.broadcast %broadcast_in_dim3A_1308 : vector<64x1xf32> to vector<64x32xf32>
    %broadcast_in_dim3A_1310 = vector.broadcast %jit3A_1307 : f32 to vector<64x32xf32>
    %select_n3A_1311 = arith.select %eq3A_1289, %broadcast_in_dim3A_1309, %broadcast_in_dim3A_1310 : vector<64x32xi1>, vector<64x32xf32>
    %add3A_1312 = arith.addf %add3A_1276, %select_n3A_1311 : vector<64x32xf32>
    %mul3A_1313 = arith.constant 2 : i32
    %mul3A_1314 = vector.broadcast %mul3A_1313 : i32 to vector<64x1xi32>
    %mul3A_1315 = arith.muli %add3A_1284, %mul3A_1314 : vector<64x1xi32>
    %ge3A_1316 = arith.constant 0.000000e+00 : f32
    %ge3A_1317 = vector.broadcast %ge3A_1316 : f32 to vector<64x1xf32>
    %ge3A_1318 = arith.cmpf oge, %broadcast_in_dim3A_1295, %ge3A_1317 : vector<64x1xf32>
    %convert_element_type3A_1319 = arith.extui %ge3A_1318 : vector<64x1xi1> to vector<64x1xi32>
    %add3A_1320 = arith.addi %mul3A_1315, %convert_element_type3A_1319 : vector<64x1xi32>
    %add3A_1321 = arith.constant 15 : i32
    %add3A_1322 = vector.broadcast %add3A_1321 : i32 to vector<64x1xi32>
    %add3A_1323 = arith.addi %add3A_1322, %add3A_1320 : vector<64x1xi32>
    %eq3A_1324 = vector.broadcast %add3A_1323 : vector<64x1xi32> to vector<64x32xi32>
    %eq3A_1325 = arith.cmpi eq, %iota3A, %eq3A_1324 : vector<64x32xi32>
    %jit3A_1326 = arith.constant 0.000000e+00 : f32
    %broadcast_in_dim3A_1327 = vector.broadcast %jit3A_1326 : f32 to vector<64x32xf32>
    %select_n3A_1328 = arith.select %eq3A_1325, %dot_general3A_1172, %broadcast_in_dim3A_1327 : vector<64x32xi1>, vector<64x32xf32>
    %reduce_sum3A_1329 = arith.constant dense<0.000000e+00> : vector<64xf32>
    %reduce_sum3A_1330 = vector.multi_reduction <add>, %select_n3A_1328, %reduce_sum3A_1329 [1] : vector<64x32xf32> to vector<64xf32>
    %broadcast_in_dim3A_1331 = vector.shape_cast %reduce_sum3A_1330 : vector<64xf32> to vector<64x1xf32>
    %mul3A_1332 = arith.constant 5.000000e-01 : f32
    %mul3A_1333 = vector.broadcast %mul3A_1332 : f32 to vector<64x1xf32>
    %mul3A_1334 = arith.mulf %mul3A_1333, %broadcast_in_dim3A_1331 : vector<64x1xf32>
    %mul3A_1335 = arith.constant 0.707106769 : f32
    %mul3A_1336 = vector.broadcast %mul3A_1335 : f32 to vector<64x1xf32>
    %mul3A_1337 = arith.mulf %broadcast_in_dim3A_1331, %mul3A_1336 : vector<64x1xf32>
    %erf3A_1338 = math.erf %mul3A_1337 : vector<64x1xf32>
    %add3A_1339 = arith.constant 1.000000e+00 : f32
    %add3A_1340 = vector.broadcast %add3A_1339 : f32 to vector<64x1xf32>
    %add3A_1341 = arith.addf %add3A_1340, %erf3A_1338 : vector<64x1xf32>
    %mul3A_1342 = arith.mulf %mul3A_1334, %add3A_1341 : vector<64x1xf32>
    %jit3A_1343 = arith.constant 0.000000e+00 : f32
    %broadcast_in_dim3A_1344 = vector.shape_cast %mul3A_1342 : vector<64x1xf32> to vector<64x1xf32>
    %broadcast_in_dim3A_1345 = vector.broadcast %broadcast_in_dim3A_1344 : vector<64x1xf32> to vector<64x32xf32>
    %broadcast_in_dim3A_1346 = vector.broadcast %jit3A_1343 : f32 to vector<64x32xf32>
    %select_n3A_1347 = arith.select %eq3A_1325, %broadcast_in_dim3A_1345, %broadcast_in_dim3A_1346 : vector<64x32xi1>, vector<64x32xf32>
    %add3A_1348 = arith.addf %add3A_1312, %select_n3A_1347 : vector<64x32xf32>
    %get3A_1349 = arith.constant 6 : index
    %get3A_1350 = arith.constant 0 : index
    %get3A_1351 = arith.constant 0 : index
    %get3A_1352 = vector.load %arg3[%get3A_1349, %get3A_1350, %get3A_1351] : memref<8x32x1024xf32, #tpu.memory_space<vmem>>, vector<1x32x1024xf32>
    %get3A_1353 = vector.shape_cast %get3A_1352 : vector<1x32x1024xf32> to vector<32x1024xf32>
    %dot_general3A_1354 = arith.constant dense<0.000000e+00> : vector<64x1024xf32>
    %dot_general3A_1355 = tpu.matmul %add3A_1348, %get3A_1353, %dot_general3A_1354 {dimension_numbers = #tpu.dot_dimension_numbers<[1], [0], [0], [1], [0, 0, 1, 1], [], []>, transpose_lhs_hint = false} : vector<64x32xf32>, vector<32x1024xf32>, vector<64x1024xf32> -> vector<64x1024xf32>
    %swap3A_1356 = arith.constant 384 : index
    %swap3A_1357 = arith.constant 0 : index
    %swap3A_1358 = vector.load %arg4[%swap3A_1356, %swap3A_1357] : memref<512x1024xf32, #tpu.memory_space<vmem>>, vector<64x1024xf32>
    tpu.vector_store %arg4[%swap3A_1356, %swap3A_1357], %dot_general3A_1355 {strides = array<i32>} : memref<512x1024xf32, #tpu.memory_space<vmem>>, vector<64x1024xf32>,
    %get3A_1359 = arith.constant 448 : index
    %get3A_1360 = arith.constant 0 : index
    %get3A_1361 = vector.load %arg1[%get3A_1359, %get3A_1360] : memref<512x1024xf32, #tpu.memory_space<vmem>>, vector<64x1024xf32>
    %get3A_1362 = arith.constant 7 : index
    %get3A_1363 = arith.constant 0 : index
    %get3A_1364 = arith.constant 0 : index
    %get3A_1365 = vector.load %arg2[%get3A_1362, %get3A_1363, %get3A_1364] : memref<8x32x1024xf32, #tpu.memory_space<vmem>>, vector<1x32x1024xf32>
    %get3A_1366 = vector.shape_cast %get3A_1365 : vector<1x32x1024xf32> to vector<32x1024xf32>
    %dot_general3A_1367 = arith.constant dense<0.000000e+00> : vector<64x32xf32>
    %dot_general3A_1368 = tpu.matmul %get3A_1361, %get3A_1366, %dot_general3A_1367 {dimension_numbers = #tpu.dot_dimension_numbers<[1], [1], [0], [0], [0, 0, 1, 0], [], []>, precision = #tpu.contract_precision<fp32>, transpose_lhs_hint = false} : vector<64x1024xf32>, vector<32x1024xf32>, vector<64x32xf32> -> vector<64x32xf32>
    %broadcast_in_dim3A_1369 = arith.constant 0 : i32
    %broadcast_in_dim3A_1370 = vector.broadcast %broadcast_in_dim3A_1369 : i32 to vector<64x1xi32>
    %broadcast_in_dim3A_1371 = arith.constant 0.000000e+00 : f32
    %broadcast_in_dim3A_1372 = vector.broadcast %broadcast_in_dim3A_1371 : f32 to vector<64x32xf32>
    %add3A_1373 = arith.constant 0 : i32
    %add3A_1374 = vector.broadcast %add3A_1373 : i32 to vector<64x1xi32>
    %add3A_1375 = arith.addi %add3A_1374, %broadcast_in_dim3A_1370 : vector<64x1xi32>
    %eq3A_1376 = vector.broadcast %add3A_1375 : vector<64x1xi32> to vector<64x32xi32>
    %eq3A_1377 = arith.cmpi eq, %iota3A, %eq3A_1376 : vector<64x32xi32>
    %jit3A_1378 = arith.constant 0.000000e+00 : f32
    %broadcast_in_dim3A_1379 = vector.broadcast %jit3A_1378 : f32 to vector<64x32xf32>
    %select_n3A_1380 = arith.select %eq3A_1377, %dot_general3A_1368, %broadcast_in_dim3A_1379 : vector<64x32xi1>, vector<64x32xf32>
    %reduce_sum3A_1381 = arith.constant dense<0.000000e+00> : vector<64xf32>
    %reduce_sum3A_1382 = vector.multi_reduction <add>, %select_n3A_1380, %reduce_sum3A_1381 [1] : vector<64x32xf32> to vector<64xf32>
    %broadcast_in_dim3A_1383 = vector.shape_cast %reduce_sum3A_1382 : vector<64xf32> to vector<64x1xf32>
    %mul3A_1384 = arith.constant 5.000000e-01 : f32
    %mul3A_1385 = vector.broadcast %mul3A_1384 : f32 to vector<64x1xf32>
    %mul3A_1386 = arith.mulf %mul3A_1385, %broadcast_in_dim3A_1383 : vector<64x1xf32>
    %mul3A_1387 = arith.constant 0.707106769 : f32
    %mul3A_1388 = vector.broadcast %mul3A_1387 : f32 to vector<64x1xf32>
    %mul3A_1389 = arith.mulf %broadcast_in_dim3A_1383, %mul3A_1388 : vector<64x1xf32>
    %erf3A_1390 = math.erf %mul3A_1389 : vector<64x1xf32>
    %add3A_1391 = arith.constant 1.000000e+00 : f32
    %add3A_1392 = vector.broadcast %add3A_1391 : f32 to vector<64x1xf32>
    %add3A_1393 = arith.addf %add3A_1392, %erf3A_1390 : vector<64x1xf32>
    %mul3A_1394 = arith.mulf %mul3A_1386, %add3A_1393 : vector<64x1xf32>
    %jit3A_1395 = arith.constant 0.000000e+00 : f32
    %broadcast_in_dim3A_1396 = vector.shape_cast %mul3A_1394 : vector<64x1xf32> to vector<64x1xf32>
    %broadcast_in_dim3A_1397 = vector.broadcast %broadcast_in_dim3A_1396 : vector<64x1xf32> to vector<64x32xf32>
    %broadcast_in_dim3A_1398 = vector.broadcast %jit3A_1395 : f32 to vector<64x32xf32>
    %select_n3A_1399 = arith.select %eq3A_1377, %broadcast_in_dim3A_1397, %broadcast_in_dim3A_1398 : vector<64x32xi1>, vector<64x32xf32>
    %add3A_1400 = arith.addf %broadcast_in_dim3A_1372, %select_n3A_1399 : vector<64x32xf32>
    %mul3A_1401 = arith.constant 2 : i32
    %mul3A_1402 = vector.broadcast %mul3A_1401 : i32 to vector<64x1xi32>
    %mul3A_1403 = arith.muli %broadcast_in_dim3A_1370, %mul3A_1402 : vector<64x1xi32>
    %ge3A_1404 = arith.constant 0.000000e+00 : f32
    %ge3A_1405 = vector.broadcast %ge3A_1404 : f32 to vector<64x1xf32>
    %ge3A_1406 = arith.cmpf oge, %broadcast_in_dim3A_1383, %ge3A_1405 : vector<64x1xf32>
    %convert_element_type3A_1407 = arith.extui %ge3A_1406 : vector<64x1xi1> to vector<64x1xi32>
    %add3A_1408 = arith.addi %mul3A_1403, %convert_element_type3A_1407 : vector<64x1xi32>
    %add3A_1409 = arith.constant 1 : i32
    %add3A_1410 = vector.broadcast %add3A_1409 : i32 to vector<64x1xi32>
    %add3A_1411 = arith.addi %add3A_1410, %add3A_1408 : vector<64x1xi32>
    %eq3A_1412 = vector.broadcast %add3A_1411 : vector<64x1xi32> to vector<64x32xi32>
    %eq3A_1413 = arith.cmpi eq, %iota3A, %eq3A_1412 : vector<64x32xi32>
    %jit3A_1414 = arith.constant 0.000000e+00 : f32
    %broadcast_in_dim3A_1415 = vector.broadcast %jit3A_1414 : f32 to vector<64x32xf32>
    %select_n3A_1416 = arith.select %eq3A_1413, %dot_general3A_1368, %broadcast_in_dim3A_1415 : vector<64x32xi1>, vector<64x32xf32>
    %reduce_sum3A_1417 = arith.constant dense<0.000000e+00> : vector<64xf32>
    %reduce_sum3A_1418 = vector.multi_reduction <add>, %select_n3A_1416, %reduce_sum3A_1417 [1] : vector<64x32xf32> to vector<64xf32>
    %broadcast_in_dim3A_1419 = vector.shape_cast %reduce_sum3A_1418 : vector<64xf32> to vector<64x1xf32>
    %mul3A_1420 = arith.constant 5.000000e-01 : f32
    %mul3A_1421 = vector.broadcast %mul3A_1420 : f32 to vector<64x1xf32>
    %mul3A_1422 = arith.mulf %mul3A_1421, %broadcast_in_dim3A_1419 : vector<64x1xf32>
    %mul3A_1423 = arith.constant 0.707106769 : f32
    %mul3A_1424 = vector.broadcast %mul3A_1423 : f32 to vector<64x1xf32>
    %mul3A_1425 = arith.mulf %broadcast_in_dim3A_1419, %mul3A_1424 : vector<64x1xf32>
    %erf3A_1426 = math.erf %mul3A_1425 : vector<64x1xf32>
    %add3A_1427 = arith.constant 1.000000e+00 : f32
    %add3A_1428 = vector.broadcast %add3A_1427 : f32 to vector<64x1xf32>
    %add3A_1429 = arith.addf %add3A_1428, %erf3A_1426 : vector<64x1xf32>
    %mul3A_1430 = arith.mulf %mul3A_1422, %add3A_1429 : vector<64x1xf32>
    %jit3A_1431 = arith.constant 0.000000e+00 : f32
    %broadcast_in_dim3A_1432 = vector.shape_cast %mul3A_1430 : vector<64x1xf32> to vector<64x1xf32>
    %broadcast_in_dim3A_1433 = vector.broadcast %broadcast_in_dim3A_1432 : vector<64x1xf32> to vector<64x32xf32>
    %broadcast_in_dim3A_1434 = vector.broadcast %jit3A_1431 : f32 to vector<64x32xf32>
    %select_n3A_1435 = arith.select %eq3A_1413, %broadcast_in_dim3A_1433, %broadcast_in_dim3A_1434 : vector<64x32xi1>, vector<64x32xf32>
    %add3A_1436 = arith.addf %add3A_1400, %select_n3A_1435 : vector<64x32xf32>
    %mul3A_1437 = arith.constant 2 : i32
    %mul3A_1438 = vector.broadcast %mul3A_1437 : i32 to vector<64x1xi32>
    %mul3A_1439 = arith.muli %add3A_1408, %mul3A_1438 : vector<64x1xi32>
    %ge3A_1440 = arith.constant 0.000000e+00 : f32
    %ge3A_1441 = vector.broadcast %ge3A_1440 : f32 to vector<64x1xf32>
    %ge3A_1442 = arith.cmpf oge, %broadcast_in_dim3A_1419, %ge3A_1441 : vector<64x1xf32>
    %convert_element_type3A_1443 = arith.extui %ge3A_1442 : vector<64x1xi1> to vector<64x1xi32>
    %add3A_1444 = arith.addi %mul3A_1439, %convert_element_type3A_1443 : vector<64x1xi32>
    %add3A_1445 = arith.constant 3 : i32
    %add3A_1446 = vector.broadcast %add3A_1445 : i32 to vector<64x1xi32>
    %add3A_1447 = arith.addi %add3A_1446, %add3A_1444 : vector<64x1xi32>
    %eq3A_1448 = vector.broadcast %add3A_1447 : vector<64x1xi32> to vector<64x32xi32>
    %eq3A_1449 = arith.cmpi eq, %iota3A, %eq3A_1448 : vector<64x32xi32>
    %jit3A_1450 = arith.constant 0.000000e+00 : f32
    %broadcast_in_dim3A_1451 = vector.broadcast %jit3A_1450 : f32 to vector<64x32xf32>
    %select_n3A_1452 = arith.select %eq3A_1449, %dot_general3A_1368, %broadcast_in_dim3A_1451 : vector<64x32xi1>, vector<64x32xf32>
    %reduce_sum3A_1453 = arith.constant dense<0.000000e+00> : vector<64xf32>
    %reduce_sum3A_1454 = vector.multi_reduction <add>, %select_n3A_1452, %reduce_sum3A_1453 [1] : vector<64x32xf32> to vector<64xf32>
    %broadcast_in_dim3A_1455 = vector.shape_cast %reduce_sum3A_1454 : vector<64xf32> to vector<64x1xf32>
    %mul3A_1456 = arith.constant 5.000000e-01 : f32
    %mul3A_1457 = vector.broadcast %mul3A_1456 : f32 to vector<64x1xf32>
    %mul3A_1458 = arith.mulf %mul3A_1457, %broadcast_in_dim3A_1455 : vector<64x1xf32>
    %mul3A_1459 = arith.constant 0.707106769 : f32
    %mul3A_1460 = vector.broadcast %mul3A_1459 : f32 to vector<64x1xf32>
    %mul3A_1461 = arith.mulf %broadcast_in_dim3A_1455, %mul3A_1460 : vector<64x1xf32>
    %erf3A_1462 = math.erf %mul3A_1461 : vector<64x1xf32>
    %add3A_1463 = arith.constant 1.000000e+00 : f32
    %add3A_1464 = vector.broadcast %add3A_1463 : f32 to vector<64x1xf32>
    %add3A_1465 = arith.addf %add3A_1464, %erf3A_1462 : vector<64x1xf32>
    %mul3A_1466 = arith.mulf %mul3A_1458, %add3A_1465 : vector<64x1xf32>
    %jit3A_1467 = arith.constant 0.000000e+00 : f32
    %broadcast_in_dim3A_1468 = vector.shape_cast %mul3A_1466 : vector<64x1xf32> to vector<64x1xf32>
    %broadcast_in_dim3A_1469 = vector.broadcast %broadcast_in_dim3A_1468 : vector<64x1xf32> to vector<64x32xf32>
    %broadcast_in_dim3A_1470 = vector.broadcast %jit3A_1467 : f32 to vector<64x32xf32>
    %select_n3A_1471 = arith.select %eq3A_1449, %broadcast_in_dim3A_1469, %broadcast_in_dim3A_1470 : vector<64x32xi1>, vector<64x32xf32>
    %add3A_1472 = arith.addf %add3A_1436, %select_n3A_1471 : vector<64x32xf32>
    %mul3A_1473 = arith.constant 2 : i32
    %mul3A_1474 = vector.broadcast %mul3A_1473 : i32 to vector<64x1xi32>
    %mul3A_1475 = arith.muli %add3A_1444, %mul3A_1474 : vector<64x1xi32>
    %ge3A_1476 = arith.constant 0.000000e+00 : f32
    %ge3A_1477 = vector.broadcast %ge3A_1476 : f32 to vector<64x1xf32>
    %ge3A_1478 = arith.cmpf oge, %broadcast_in_dim3A_1455, %ge3A_1477 : vector<64x1xf32>
    %convert_element_type3A_1479 = arith.extui %ge3A_1478 : vector<64x1xi1> to vector<64x1xi32>
    %add3A_1480 = arith.addi %mul3A_1475, %convert_element_type3A_1479 : vector<64x1xi32>
    %add3A_1481 = arith.constant 7 : i32
    %add3A_1482 = vector.broadcast %add3A_1481 : i32 to vector<64x1xi32>
    %add3A_1483 = arith.addi %add3A_1482, %add3A_1480 : vector<64x1xi32>
    %eq3A_1484 = vector.broadcast %add3A_1483 : vector<64x1xi32> to vector<64x32xi32>
    %eq3A_1485 = arith.cmpi eq, %iota3A, %eq3A_1484 : vector<64x32xi32>
    %jit3A_1486 = arith.constant 0.000000e+00 : f32
    %broadcast_in_dim3A_1487 = vector.broadcast %jit3A_1486 : f32 to vector<64x32xf32>
    %select_n3A_1488 = arith.select %eq3A_1485, %dot_general3A_1368, %broadcast_in_dim3A_1487 : vector<64x32xi1>, vector<64x32xf32>
    %reduce_sum3A_1489 = arith.constant dense<0.000000e+00> : vector<64xf32>
    %reduce_sum3A_1490 = vector.multi_reduction <add>, %select_n3A_1488, %reduce_sum3A_1489 [1] : vector<64x32xf32> to vector<64xf32>
    %broadcast_in_dim3A_1491 = vector.shape_cast %reduce_sum3A_1490 : vector<64xf32> to vector<64x1xf32>
    %mul3A_1492 = arith.constant 5.000000e-01 : f32
    %mul3A_1493 = vector.broadcast %mul3A_1492 : f32 to vector<64x1xf32>
    %mul3A_1494 = arith.mulf %mul3A_1493, %broadcast_in_dim3A_1491 : vector<64x1xf32>
    %mul3A_1495 = arith.constant 0.707106769 : f32
    %mul3A_1496 = vector.broadcast %mul3A_1495 : f32 to vector<64x1xf32>
    %mul3A_1497 = arith.mulf %broadcast_in_dim3A_1491, %mul3A_1496 : vector<64x1xf32>
    %erf3A_1498 = math.erf %mul3A_1497 : vector<64x1xf32>
    %add3A_1499 = arith.constant 1.000000e+00 : f32
    %add3A_1500 = vector.broadcast %add3A_1499 : f32 to vector<64x1xf32>
    %add3A_1501 = arith.addf %add3A_1500, %erf3A_1498 : vector<64x1xf32>
    %mul3A_1502 = arith.mulf %mul3A_1494, %add3A_1501 : vector<64x1xf32>
    %jit3A_1503 = arith.constant 0.000000e+00 : f32
    %broadcast_in_dim3A_1504 = vector.shape_cast %mul3A_1502 : vector<64x1xf32> to vector<64x1xf32>
    %broadcast_in_dim3A_1505 = vector.broadcast %broadcast_in_dim3A_1504 : vector<64x1xf32> to vector<64x32xf32>
    %broadcast_in_dim3A_1506 = vector.broadcast %jit3A_1503 : f32 to vector<64x32xf32>
    %select_n3A_1507 = arith.select %eq3A_1485, %broadcast_in_dim3A_1505, %broadcast_in_dim3A_1506 : vector<64x32xi1>, vector<64x32xf32>
    %add3A_1508 = arith.addf %add3A_1472, %select_n3A_1507 : vector<64x32xf32>
    %mul3A_1509 = arith.constant 2 : i32
    %mul3A_1510 = vector.broadcast %mul3A_1509 : i32 to vector<64x1xi32>
    %mul3A_1511 = arith.muli %add3A_1480, %mul3A_1510 : vector<64x1xi32>
    %ge3A_1512 = arith.constant 0.000000e+00 : f32
    %ge3A_1513 = vector.broadcast %ge3A_1512 : f32 to vector<64x1xf32>
    %ge3A_1514 = arith.cmpf oge, %broadcast_in_dim3A_1491, %ge3A_1513 : vector<64x1xf32>
    %convert_element_type3A_1515 = arith.extui %ge3A_1514 : vector<64x1xi1> to vector<64x1xi32>
    %add3A_1516 = arith.addi %mul3A_1511, %convert_element_type3A_1515 : vector<64x1xi32>
    %add3A_1517 = arith.constant 15 : i32
    %add3A_1518 = vector.broadcast %add3A_1517 : i32 to vector<64x1xi32>
    %add3A_1519 = arith.addi %add3A_1518, %add3A_1516 : vector<64x1xi32>
    %eq3A_1520 = vector.broadcast %add3A_1519 : vector<64x1xi32> to vector<64x32xi32>
    %eq3A_1521 = arith.cmpi eq, %iota3A, %eq3A_1520 : vector<64x32xi32>
    %jit3A_1522 = arith.constant 0.000000e+00 : f32
    %broadcast_in_dim3A_1523 = vector.broadcast %jit3A_1522 : f32 to vector<64x32xf32>
    %select_n3A_1524 = arith.select %eq3A_1521, %dot_general3A_1368, %broadcast_in_dim3A_1523 : vector<64x32xi1>, vector<64x32xf32>
    %reduce_sum3A_1525 = arith.constant dense<0.000000e+00> : vector<64xf32>
    %reduce_sum3A_1526 = vector.multi_reduction <add>, %select_n3A_1524, %reduce_sum3A_1525 [1] : vector<64x32xf32> to vector<64xf32>
    %broadcast_in_dim3A_1527 = vector.shape_cast %reduce_sum3A_1526 : vector<64xf32> to vector<64x1xf32>
    %mul3A_1528 = arith.constant 5.000000e-01 : f32
    %mul3A_1529 = vector.broadcast %mul3A_1528 : f32 to vector<64x1xf32>
    %mul3A_1530 = arith.mulf %mul3A_1529, %broadcast_in_dim3A_1527 : vector<64x1xf32>
    %mul3A_1531 = arith.constant 0.707106769 : f32
    %mul3A_1532 = vector.broadcast %mul3A_1531 : f32 to vector<64x1xf32>
    %mul3A_1533 = arith.mulf %broadcast_in_dim3A_1527, %mul3A_1532 : vector<64x1xf32>
    %erf3A_1534 = math.erf %mul3A_1533 : vector<64x1xf32>
    %add3A_1535 = arith.constant 1.000000e+00 : f32
    %add3A_1536 = vector.broadcast %add3A_1535 : f32 to vector<64x1xf32>
    %add3A_1537 = arith.addf %add3A_1536, %erf3A_1534 : vector<64x1xf32>
    %mul3A_1538 = arith.mulf %mul3A_1530, %add3A_1537 : vector<64x1xf32>
    %jit3A_1539 = arith.constant 0.000000e+00 : f32
    %broadcast_in_dim3A_1540 = vector.shape_cast %mul3A_1538 : vector<64x1xf32> to vector<64x1xf32>
    %broadcast_in_dim3A_1541 = vector.broadcast %broadcast_in_dim3A_1540 : vector<64x1xf32> to vector<64x32xf32>
    %broadcast_in_dim3A_1542 = vector.broadcast %jit3A_1539 : f32 to vector<64x32xf32>
    %select_n3A_1543 = arith.select %eq3A_1521, %broadcast_in_dim3A_1541, %broadcast_in_dim3A_1542 : vector<64x32xi1>, vector<64x32xf32>
    %add3A_1544 = arith.addf %add3A_1508, %select_n3A_1543 : vector<64x32xf32>
    %get3A_1545 = arith.constant 7 : index
    %get3A_1546 = arith.constant 0 : index
    %get3A_1547 = arith.constant 0 : index
    %get3A_1548 = vector.load %arg3[%get3A_1545, %get3A_1546, %get3A_1547] : memref<8x32x1024xf32, #tpu.memory_space<vmem>>, vector<1x32x1024xf32>
    %get3A_1549 = vector.shape_cast %get3A_1548 : vector<1x32x1024xf32> to vector<32x1024xf32>
    %dot_general3A_1550 = arith.constant dense<0.000000e+00> : vector<64x1024xf32>
    %dot_general3A_1551 = tpu.matmul %add3A_1544, %get3A_1549, %dot_general3A_1550 {dimension_numbers = #tpu.dot_dimension_numbers<[1], [0], [0], [1], [0, 0, 1, 1], [], []>, transpose_lhs_hint = false} : vector<64x32xf32>, vector<32x1024xf32>, vector<64x1024xf32> -> vector<64x1024xf32>
    %swap3A_1552 = arith.constant 448 : index
    %swap3A_1553 = arith.constant 0 : index
    %swap3A_1554 = vector.load %arg4[%swap3A_1552, %swap3A_1553] : memref<512x1024xf32, #tpu.memory_space<vmem>>, vector<64x1024xf32>
    tpu.vector_store %arg4[%swap3A_1552, %swap3A_1553], %dot_general3A_1551 {strides = array<i32>} : memref<512x1024xf32, #tpu.memory_space<vmem>>, vector<64x1024xf32>,
    return
  }
  func.func @transform_0(%arg0: i32) -> (i32, i32) {
    %c0_i32 = arith.constant 0 : i32
    %c0_i32_0 = arith.constant 0 : i32
    return %arg0, %c0_i32 : i32, i32
  }
  func.func @transform_1(%arg0: i32) -> (i32, i32, i32) {
    %c0_i32 = arith.constant 0 : i32
    %c0_i32_0 = arith.constant 0 : i32
    %c0_i32_1 = arith.constant 0 : i32
    return %arg0, %c0_i32, %c0_i32_0 : i32, i32, i32
  }
  func.func @transform_2(%arg0: i32) -> (i32, i32, i32) {
    %c0_i32 = arith.constant 0 : i32
    %c0_i32_0 = arith.constant 0 : i32
    %c0_i32_1 = arith.constant 0 : i32
    return %arg0, %c0_i32, %c0_i32_0 : i32, i32, i32
  }
  func.func @transform_3(%arg0: i32) -> (i32, i32) {
    %c0_i32 = arith.constant 0 : i32
    %c0_i32_0 = arith.constant 0 : i32
    return %arg0, %c0_i32 : i32, i32
  }
}

module attributes {stable_mosaic.version = 14 : i64} {
  func.func @_tc3_kernel(%arg0: i32, %arg1: memref<256x128xf32, #tpu.memory_space<vmem>>, %arg2: memref<1024x128xf32, #tpu.memory_space<vmem>>, %arg3: memref<256x1024xf32, #tpu.memory_space<vmem>>, %arg4: memref<256x1024xf32, #tpu.memory_space<vmem>>) attributes {dimension_semantics = [#tpu.dimension_semantics<arbitrary>], iteration_bounds = array<i64: 16>, scalar_prefetch = 0 : i64, scratch_operands = 0 : i64, tpu.core_type = #tpu.core_type<tc>, window_params = [{transform_indices = @transform_0, window_bounds = array<i64: 256, 128>}, {transform_indices = @transform_1, window_bounds = array<i64: 1024, 128>}, {transform_indices = @transform_2, window_bounds = array<i64: 256, 1024>}, {transform_indices = @transform_3, window_bounds = array<i64: 256, 1024>}]} {
    %get3A = arith.constant 0 : index
    %get3A_0 = arith.constant 0 : index
    %get3A_1 = vector.load %arg1[%get3A, %get3A_0] : memref<256x128xf32, #tpu.memory_space<vmem>>, vector<256x128xf32>
    %get3A_2 = arith.constant 0 : index
    %get3A_3 = arith.constant 0 : index
    %get3A_4 = vector.load %arg2[%get3A_2, %get3A_3] : memref<1024x128xf32, #tpu.memory_space<vmem>>, vector<1024x128xf32>
    %dot_general3A = arith.constant dense<0.000000e+00> : vector<256x1024xf32>
    %dot_general3A_5 = tpu.matmul %get3A_1, %get3A_4, %dot_general3A {dimension_numbers = #tpu.dot_dimension_numbers<[1], [1], [0], [0], [0, 0, 1, 0], [], []>, transpose_lhs_hint = false} : vector<256x128xf32>, vector<1024x128xf32>, vector<256x1024xf32> -> vector<256x1024xf32>
    %get3A_6 = arith.constant 0 : index
    %get3A_7 = arith.constant 0 : index
    %get3A_8 = vector.load %arg3[%get3A_6, %get3A_7] : memref<256x1024xf32, #tpu.memory_space<vmem>>, vector<256x1024xf32>
    %add3A = arith.addf %dot_general3A_5, %get3A_8 : vector<256x1024xf32>
    %swap3A = arith.constant 0 : index
    %swap3A_9 = arith.constant 0 : index
    %swap3A_10 = vector.load %arg4[%swap3A, %swap3A_9] : memref<256x1024xf32, #tpu.memory_space<vmem>>, vector<256x1024xf32>
    tpu.vector_store %arg4[%swap3A, %swap3A_9], %add3A {strides = array<i32>} : memref<256x1024xf32, #tpu.memory_space<vmem>>, vector<256x1024xf32>,
    return
  }
  func.func @transform_0(%arg0: i32) -> (i32, i32) {
    %c0_i32 = arith.constant 0 : i32
    %c0_i32_0 = arith.constant 0 : i32
    return %arg0, %c0_i32 : i32, i32
  }
  func.func @transform_1(%arg0: i32) -> (i32, i32) {
    %c0_i32 = arith.constant 0 : i32
    %c0_i32_0 = arith.constant 0 : i32
    %c0_i32_1 = arith.constant 0 : i32
    return %c0_i32, %c0_i32_0 : i32, i32
  }
  func.func @transform_2(%arg0: i32) -> (i32, i32) {
    %c0_i32 = arith.constant 0 : i32
    %c0_i32_0 = arith.constant 0 : i32
    return %arg0, %c0_i32 : i32, i32
  }
  func.func @transform_3(%arg0: i32) -> (i32, i32) {
    %c0_i32 = arith.constant 0 : i32
    %c0_i32_0 = arith.constant 0 : i32
    return %arg0, %c0_i32 : i32, i32
  }
}

</mosaic_0001>

<sc_bundles>
// kernel: kernel.10.cloned.1.call-start
scs
__scs_entry_jumppad:
0x0: {  	(pc) =	sbr.rel $0x88, $3  }
0x1: {  	(tag) =	ssettag $0x0;
	lr =	simm.s32 $0x1  }
0x2: {  	[smem:$0x3F9E] =	sst lr;
	_ =	strace $0xD0000000  }
0x3: {  	_ = 	snop  }
0x4: {  	_ = 	snop  }
0x5: {  	_ = 	snop  }
0x6: {  	_ = 	snop  }
0x7: {  	_ = 	snop  }
__scs_overlays_trampoline_lowered:
0x8: {  	[smem:$0x3FAD] =	sst s0  }
0x9: {  	[smem:$0x3FAE] =	sst s1  }
0xa: {  	[smem:$0x3FAF] =	sst s2  }
0xb: {  	[smem:$0x3FB0] =	sst s3  }
0xc: {  	[smem:$0x3FB1] =	sst s4  }
0xd: {  	[smem:$0x3FB2] =	sst s5  }
0xe: {  	[smem:$0x3FB3] =	sst s6  }
0xf: {  	[smem:$0x3FB4] =	sst s7  }
0x10: {  	[smem:$0x3FB5] =	sst s8  }
0x11: {  	[smem:$0x3FB6] =	sst s9;
	s0 =	simm.s32 @!p0 $0x0  }
0x12: {  	s1 =	sld [smem:$0x3F9C];
	s0 =	simm.s32 @p0 $0x1  }
0x13: {  	[smem:$0x3FB7] =	sst s0;
	s0 =	simm.s32 @!p1 $0x0  }
0x14: {  	s2 =	sld [smem:$0x3F9B];
	s0 =	simm.s32 @p1 $0x1  }
0x15: {  	[smem:$0x3FB8] =	sst s0;
	s0 =	simm.s32 @!p2 $0x0  }
0x16: {  	s3 =	sld [smem:$0x3FDB];
	s0 =	simm.s32 @p2 $0x1  }
0x17: {  	s4 =	simm.s32 $0x1BF5;
	[smem:$0x3FBA] =	sst s0  }
0x18: {  	s0 =	sld [smem:$0x3F9D];
	_ =	swait.ge [sflag:s4], $0x0  }
0x19: {  	s7 =	sld [smem:$0x3F9E]  }
0x1a: {  	s8 =	sadd.s32 $0xFFFFE003, lr  }
0x1b: {  	s9 =	sadd.s32 $0xFFFFFEF7, lr;
	s5 =	simm.s32 $0xFFFFFFFF;
	p2 =	slt.u32 s8, $0xFFFFF086  }
0x1c: {  	p1 =	slt.u32 s9, $0xF7A;
	s5 =	simm.s32 @!p2 $0x0  }
0x1d: {  	s5 =	simm.s32 @p1 $0x1;
	p0 =	seq.s32 s7, s2  }
0x1e: {  	s7 =	smul.u32 @!p0 $0xF7A, s2;
	p2 =	seq.s32 @!p0 s5, $0x0  }
0x1f: {  	s9 =	smul.u32 $0xF7A, s1;
	s8 =	simm.s32 @!p0 $0x1BF5;
	p2 =	por !p2, p0  }
0x20: {  	[sflag:s8] =	ssyncset.s32 @!p0 $0xFFFFF086;
	s6 =	sadd.s32 @!p0 s3, s7;
	s7 =	simm.s32 @!p0 $0x108  }
0x21: {  	s3 =	sadd.s32 s3, s9;
	s6 =	sadd.s32 @!p0 $0x88, s6;
	s7 =	simm.s32 @p2 $0x1082  }
0x22: {  	[simem:s7], [sflag:s8] =	dma.local @!p0 [hbm:s6], $0xF7A  }
0x23: {  	s9 =	sor.u32 $0xD0000000, s2;
	s6 =	simm.s32 $0x108;
	_ =	swait.ge @!p0 [sflag:s8], $0x0  }
0x24: {  	s3 =	sadd.s32 $0x88, s3;
	s6 =	simm.s32 @!p1 $0x1082;
	[sflag:s4] =	ssyncset.s32 $0xFFFFF086  }
0x25: {  	[simem:s6], [sflag:s4] =	dma.local [hbm:s3], $0xF7A  }
0x26: {  	[smem:$0x3F9E] =	sst s1;
	(tag) =	ssettag s2;
	_ =	strace s9  }
0x27: {  	s1 =	sld [smem:$0x3FAE]  }
0x28: {  	s2 =	sld [smem:$0x3FAF]  }
0x29: {  	s4 =	sld [smem:$0x3FB1]  }
0x2a: {  	p0 =	seq.s32 s5, $0x0;
	s5 =	sld [smem:$0x3FB2]  }
0x2b: {  	s6 =	sld [smem:$0x3FB3]  }
0x2c: {  	s7 =	sld [smem:$0x3FB4]  }
0x2d: {  	s3 =	simm.s32 $0x108;
	s8 =	sld [smem:$0x3FB5]  }
0x2e: {  	s3 =	simm.s32 @!p0 $0x1082;
	s9 =	sld [smem:$0x3FB6]  }
0x2f: {  	lr =	sadd.s32 s0, s3;
	s0 =	sld [smem:$0x3FAD]  }
0x30: {  	s3 =	sld [smem:$0x3FB0]  }
0x31: {  	[smem:$0x3FB9] =	sst s10  }
0x32: {  	s10 =	sld [smem:$0x3FB7];
	_ =	sdelay $0x3  }
0x33: {  	p0 =	seq.s32 s10, $0x1;
	s10 =	sld [smem:$0x3FB9];
	_ =	sdelay $0x3  }
0x34: {  	[smem:$0x3FB9] =	sst s10  }
0x35: {  	s10 =	sld [smem:$0x3FB8];
	_ =	sdelay $0x3  }
0x36: {  	p1 =	seq.s32 s10, $0x1;
	s10 =	sld [smem:$0x3FB9];
	_ =	sdelay $0x3  }
0x37: {  	[smem:$0x3FB9] =	sst s10  }
0x38: {  	s10 =	sld [smem:$0x3FBA]  }
0x39: {  	_ = 	snop;
	(pc) =	sbr.ind lr, $3  }
0x3a: {  	_ = 	snop  }
0x3b: {  	_ = 	snop  }
0x3c: {  	p2 =	seq.s32 s10, $0x1;
	s10 =	sld [smem:$0x3FB9]  }
0x3d: {  	_ =	shalt  }
0x3e: {  	_ =	shalt  }
0x3f: {  	_ =	shalt  }
0x40: {  	_ =	shalt  }
0x41: {  	_ =	shalt  }
0x42: {  	_ =	shalt  }
0x43: {  	_ =	shalt  }
0x44: {  	_ =	shalt  }
0x45: {  	_ =	shalt  }
0x46: {  	_ =	shalt  }
0x47: {  	_ =	shalt  }
0x48: {  	_ =	shalt  }
0x49: {  	_ =	shalt  }
0x4a: {  	_ =	shalt  }
0x4b: {  	_ =	shalt  }
0x4c: {  	_ =	shalt  }
0x4d: {  	_ =	shalt  }
0x4e: {  	_ =	shalt  }
0x4f: {  	_ =	shalt  }
0x50: {  	_ =	shalt  }
0x51: {  	_ =	shalt  }
0x52: {  	_ =	shalt  }
0x53: {  	_ =	shalt  }
0x54: {  	_ =	shalt  }
0x55: {  	_ =	shalt  }
0x56: {  	_ =	shalt  }
0x57: {  	_ =	shalt  }
0x58: {  	_ =	shalt  }
0x59: {  	_ =	shalt  }
0x5a: {  	_ =	shalt  }
0x5b: {  	_ =	shalt  }
0x5c: {  	_ =	shalt  }
0x5d: {  	_ =	shalt  }
0x5e: {  	_ =	shalt  }
0x5f: {  	_ =	shalt  }
0x60: {  	_ =	shalt  }
0x61: {  	_ =	shalt  }
0x62: {  	_ =	shalt  }
0x63: {  	_ =	shalt  }
0x64: {  	_ =	shalt  }
0x65: {  	_ =	shalt  }
0x66: {  	_ =	shalt  }
0x67: {  	_ =	shalt  }
0x68: {  	_ =	shalt  }
0x69: {  	_ =	shalt  }
0x6a: {  	_ =	shalt  }
0x6b: {  	_ =	shalt  }
0x6c: {  	_ =	shalt  }
0x6d: {  	_ =	shalt  }
0x6e: {  	_ =	shalt  }
0x6f: {  	_ =	shalt  }
0x70: {  	_ =	shalt  }
0x71: {  	_ =	shalt  }
0x72: {  	_ =	shalt  }
0x73: {  	_ =	shalt  }
0x74: {  	_ =	shalt  }
0x75: {  	_ =	shalt  }
0x76: {  	_ =	shalt  }
0x77: {  	_ =	shalt  }
0x78: {  	_ =	shalt  }
0x79: {  	_ =	shalt  }
0x7a: {  	_ =	shalt  }
0x7b: {  	_ =	shalt  }
0x7c: {  	_ =	shalt  }
0x7d: {  	_ =	shalt  }
0x7e: {  	_ =	shalt  }
0x7f: {  	_ =	shalt  }
0x80: {  	_ =	shalt  }
0x81: {  	_ =	shalt  }
0x82: {  	_ =	shalt  }
0x83: {  	_ =	shalt  }
0x84: {  	_ =	shalt  }
0x85: {  	_ =	shalt  }
0x86: {  	_ =	shalt  }
0x87: {  	_ =	shalt  }
.Lfunc_end0:
.L_simem_size_0:
called_computation.1_lowered:
.L_overlay_start_0:
0x88: {  	s2 =	sld [smem:$0x3FD9]  }
0x89: {  	s3 =	sld [smem:$0x3FFE];
	_ =	sdelay $0x1  }
0x8a: {  	s1 =	srdreg.scid  }
0x8b: {  	s0 =	sand.u32 $0x1, s1  }
0x8c: {  	s16 =	sshll.u32 s0, $0xA;
	s2 =	sadd.s32 s3, s2  }
0x8d: {  	s2 =	sadd.s32 s2, s16  }
0x8e: {  	[smem:$0x3FC5] =	sst s2  }
0x8f: {  	_ = 	snop  }
0x90: {  	(tm) =	ssettm $0x1  }
0x91: {  	s17 =	sld [smem:$0x3FFB];
	_ =	sdelay $0x3  }
0x92: {  	_ =	strace s17  }
0x93: {  	s2 =	sld [smem:$0x3FFC];
	_ =	sdelay $0x3  }
0x94: {  	_ =	strace s2  }
0x95: {  	s2 =	sld [smem:$0x3FFD];
	_ =	sdelay $0x3  }
0x96: {  	_ =	strace s2  }
0x97: {  	_ =	strace $0x8FFFFFFF  }
0x98: {  	s18 =	sld [smem:$0x3FDB];
	_ =	sdelay $0x1  }
0x99: {  	s19 =	simm.s32 $_scs_section_size  }
0x9a: {  	s4 =	simm.s32 $_size__tile_overlayer_lowered;
	s5 =	simm.s32 $_tile_overlayer_lowered  }
0x9b: {  	s22 =	simm.s32 $0x1BFF;
	s21 =	sshll.u32 s5, $0x1;
	s2 =	sadd.s32 s19, s18  }
0x9c: {  	s6 =	simm.s32 $0x0;
	s20 =	sshll.u32 s4, $0x1;
	s4 =	sadd.s32 s21, s2  }
0x9d: {  	[timem:s6], [sflag:s22] =	dma.local [hbm:s4], s20  }
0x9e: {  	_ =	swait.ge [sflag:s22], s20  }
0x9f: {  	s3 =	ssub.s32 $0x0, s20;
	[sflag:s22] =	ssyncset.done $0x0  }
0xa0: {  	[sflag:s22] =	ssyncadd.s32 s3;
	_ =	sdelay $0x1  }
0xa1: {  	s23 =	simm.s32 $0x1B8B  }
0xa2: {  	_ =	swait.ge [sflag:s23], $0x1  }
0xa3: {  	[sflag:s23] =	ssyncset.done $0x0  }
0xa4: {  	s25 =	simm.s32 $0x1B8E;
	s24 =	sld [smem:$0x3FFE];
	[sflag:s23] =	ssyncadd.s32 $0xFFFFFFFF  }
0xa5: {  	s26 =	simm.s32 $execute0_lowered;
	[smem:$0x3FD2] =	sst s25  }
0xa6: {  	s4 =	sshll.u32 s26, $0x1;
	_ =	strace $0x80000049;
	[dreg:$0x1] =	wrdreg $0xFFFFFFFF  }
0xa7: {  	s28 =	simm.s32 $_size_execute0_lowered;
	s2 =	sadd.s32 s2, s4;
	[dreg:$0x0] =	wrdreg $0x0  }
0xa8: {  	s4 =	sshll.u32 s28, $0x1;
	[dreg:$0x2] =	wrdreg s2  }
0xa9: {  	[dreg:$0x3] =	wrdreg s4  }
0xaa: {  	[dreg:$0x4] =	wrdreg $0xC0  }
0xab: {  	_ =	task [dreg:s6], $0x5FFFF  }
0xac: {  	[dreg:$0x1] =	wrdreg $0xFFFFFFFF  }
0xad: {  	[dreg:$0x0] =	wrdreg $0x60  }
0xae: {  	[dreg:$0x2] =	wrdreg s24  }
0xaf: {  	[dreg:$0x3] =	wrdreg $0x9  }
0xb0: {  	_ =	task.clear_ibuf [dreg:s6], $0x4FFFF;
	_ =	strace $0x90000049  }
0xb1: {  	s29 =	simm.s32 $0x9;
	_ =	strace $0x8000004B  }
0xb2: {  	_ =	swait.ge [sflag:s29], $0x1  }
0xb3: {  	[sflag:s29] =	ssyncadd.s32 $0xFFFFFFFF  }
0xb4: {  	_ =	strace $0x9000004B  }
0xb5: {  	_ =	sfence  }
0xb6: {  	s30 =	sld [smem:$0x0];
	_ =	sdelay $0x2  }
0xb7: {  	s31 =	sshll.u32 s1, $0xD;
	s1 =	sshrl.u32 s1, $0x2  }
0xb8: {  	s3 =	sand.u32 $0x4000, s31;
	s1 =	sadd.s32 s1, s30  }
0xb9: {  	s0 =	sor.u32 s3, s0;
	s1 =	sshll.u32 s1, $0x11  }
0xba: {  	s0 =	sor.u32 s1, s0  }
0xbb: {  	s0 =	sadd.s32 $0x8F2B, s0  }
0xbc: {  	[sflag:s0] =	ssyncadd.remote.s32 $0x1  }
0xbd: {  	_ =	sfence.sel $0xFFFF  }
0xbe: {  	[dreg:$0x0] =	wrdreg $0xFFFFFFFF;
	(pc) =	sbr.abs _section_cstart, $3  }
0xbf: {  	[dreg:$0x1] =	wrdreg $0xFFFFFFFF  }
0xc0: {  	_ =	task.clear_ibuf [dreg:s6], $0x2FFFF;
	_ =	strace $0x9FFFFFFF  }
0xc1: {  	(tm) =	ssettm $0x7FFFFFFF  }
tec
execute0_lowered:
.L_overlay_start_1:
0x0: {  	(tag) =	ssettag $0x1  }
0x1: {  	s0 =	srdreg.scid  }
0x2: {  	s4 =	stileid.u32;
	s3 =	simm.s32 $0x1;
	s7 =	rddreg [dreg:$0x0]  }
0x3: {  	s2 =	simm.s32 $0x0;
	s9 =	simm.s32 $0x2;
	s21 =	simm.s32 $0x880  }
0x4: {  	s22 =	simm.s32 $0x1080;
	s28 =	simm.s32 $0x3880;
	s29 =	simm.s32 $0x4080  }
0x5: {  	s30 =	simm.s32 $0x4880;
	s31 =	simm.s32 $0x5080;
	s11 =	simm.s32 $0x6880  }
0x6: {  	s12 =	simm.s32 $0x7080;
	s13 =	simm.s32 $0x7880;
	s14 =	simm.s32 $0x8080  }
0x7: {  	s15 =	simm.s32 $0x8880;
	s16 =	simm.s32 $0x9080;
	s17 =	simm.s32 $0x9880  }
0x8: {  	s18 =	simm.s32 $0xA080;
	s0 =	sand.u32 $0x1, s0;
	s1 =	sshll.u32 s4, $0x1  }
0x9: {  	s19 =	simm.s32 $0xA880;
	s10 =	simm.s32 $0xB080;
	s1 =	sor.u32 s0, s1  }
0xa: {  	[smem:$0x7FF] =	sst s2;
	p1 =	seq.s32 s0, $0x1;
	p0 =	seq.s32 s1, $0x0  }
0xb: {  	s23 =	sshll.u32 s0, $0x7;
	_ =	strace $0x8000004A;
	p0 =	por !p0, !p1  }
0xc: {  	s0 =	ssub.s32 $0x2, s0;
	s1 =	sshll.u32 s1, $0xE;
	p0 =	por !p0, !p0  }
0xd: {  	s24 =	sshrl.u32 s0, $0x1;
	s1 =	sadd.s32 s1, s7;
	s3 =	simm.s32 @!p0 $0x0  }
0xe: {  	s0 =	ssub.s32 s0, s24;
	s25 =	sadd.s32 $0x3000, s1;
	s3 =	ssub.s32 s4, s3  }
0xf: {  	s1 =	sadd.s32 $0x5000, s1;
	[dreg:$0x3] =	wrdreg s25;
	s3 =	sshll.u32 s3, $0x8  }
0x10: {  	s24 =	simm.s32 $0x2080;
	[dreg:$0x5] =	wrdreg s1;
	s5 =	sor.u32 s23, s3  }
0x11: {  	s25 =	simm.s32 $0x2880;
	s4 =	simm.s32 $0x80;
	s5 =	sshrl.u32 s5, $0x3  }
0x12: {  	s3 =	sadd.s32 $0x103000, s7;
	s23 =	simm.s32 $0x1880;
	s6 =	sadd.s32 s5, s7  }
0x13: {  	v2 =	vlaneseq.u32;
	s5 =	sadd.s32 $0x103100, s7;
	s8 =	sadd.s32 $0x2E00, s6;
	s26 =	sadd.s32 $0x2E08, s6  }
0x14: {  	vm0 =	vmmov $0xffff;
	v1 =	vshrl.u32 v2, $0x3;
	s6 =	sadd.s32 $0x103200, s7;
	s7 =	sadd.s32 $0x103300, s7;
	[dreg:$0x2] =	wrdreg s8  }
0x15: {  	v0 =	vand.u32 $0x7, v2;
	v2 =	vor.u32 $0x8, v2;
	v1 =	vmul.u32 $0x8, v1;
	[dreg:$0x4] =	wrdreg s26;
	s8 =	smax.u32 s0, $0x1;
	s26 =	simm.s32 $0x3080  }
.LBB2_1:
0x16: {  	s20 =	rddreg [dreg:$0x2]  }
0x17: {  	[tilespmem:s2], [sflag:$0x2] =	stream.linear.gather [hbm4b:s20+s2], $0x40, $0x38;
	[tilespmem:$0x10080] =	vst v63  }
0x18: {  	_ =	swait.ge [sflag:s9], $0x40  }
0x19: {  	[sflag:s9] =	ssyncset.done $0x0  }
0x1a: {  	[sflag:s9] =	ssyncadd.s32 $0xFFFFFFC0  }
0x1b: {  	v3 =	vld [tilespmem:$0x0];
	_ =	sdelay $0x4  }
0x1c: {  	v4 =	vshll.u32 v3, $0x3  }
0x1d: {  	v3 =	vand.u32 $0x7, v3;
	v4 =	vand.u32 $0xFFFFFFC0, v4  }
0x1e: {  	v3 =	vor.u32 v3, v4  }
0x1f: {  	v4 =	vperm.xlane v3, v0;
	_ =	sdelay $0x1  }
0x20: {  	v4 =	vadd.s32 v1, v4;
	_ =	sdelay $0x4  }
0x21: {  	[tilespmem:s4], [sflag:$0x1] =	stream.indirect_vreg.gather [hbm4b:s3+s2], $0x80, v4, vm0, $0xb8;
	[tilespmem:$0x10080] =	vst v63  }
0x22: {  	v3 =	vperm.xlane v3, v2  }
0x23: {  	[tilespmem:s21], [sflag:$0x1] =	stream.indirect_vreg.gather [hbm4b:s5+s2], $0x80, v4, vm0, $0xb8;
	[tilespmem:$0x10080] =	vst v63  }
0x24: {  	v3 =	vadd.s32 v1, v3  }
0x25: {  	[tilespmem:s22], [sflag:$0x1] =	stream.indirect_vreg.gather [hbm4b:s6+s2], $0x80, v4, vm0, $0xb8;
	[tilespmem:$0x10080] =	vst v63  }
0x26: {  	_ = 	snop  }
0x27: {  	[tilespmem:s23], [sflag:$0x1] =	stream.indirect_vreg.gather [hbm4b:s7+s2], $0x80, v4, vm0, $0xb8;
	[tilespmem:$0x10080] =	vst v63  }
0x28: {  	_ = 	snop  }
0x29: {  	[tilespmem:s24], [sflag:$0x1] =	stream.indirect_vreg.gather [hbm4b:s3+s2], $0x80, v3, vm0, $0xb8;
	[tilespmem:$0x10080] =	vst v63  }
0x2a: {  	_ = 	snop  }
0x2b: {  	[tilespmem:s25], [sflag:$0x1] =	stream.indirect_vreg.gather [hbm4b:s5+s2], $0x80, v3, vm0, $0xb8;
	[tilespmem:$0x10080] =	vst v63  }
0x2c: {  	_ = 	snop  }
0x2d: {  	[tilespmem:s26], [sflag:$0x1] =	stream.indirect_vreg.gather [hbm4b:s6+s2], $0x80, v3, vm0, $0xb8;
	[tilespmem:$0x10080] =	vst v63  }
0x2e: {  	_ = 	snop  }
0x2f: {  	[tilespmem:s28], [sflag:$0x1] =	stream.indirect_vreg.gather [hbm4b:s7+s2], $0x80, v3, vm0, $0xb8;
	[tilespmem:$0x10080] =	vst v63  }
0x30: {  	v3 =	vld [tilespmem:$0x10];
	_ =	sdelay $0x4  }
0x31: {  	v57 =	vshll.u32 v3, $0x3  }
0x32: {  	v3 =	vand.u32 $0x7, v3;
	v4 =	vand.u32 $0xFFFFFFC0, v57  }
0x33: {  	v3 =	vor.u32 v3, v4  }
0x34: {  	v4 =	vperm.xlane v3, v0;
	_ =	sdelay $0x1  }
0x35: {  	v4 =	vadd.s32 v1, v4;
	_ =	sdelay $0x4  }
0x36: {  	[tilespmem:s29], [sflag:$0x1] =	stream.indirect_vreg.gather [hbm4b:s3+s2], $0x80, v4, vm0, $0xb8;
	[tilespmem:$0x10080] =	vst v63  }
0x37: {  	v3 =	vperm.xlane v3, v2  }
0x38: {  	[tilespmem:s30], [sflag:$0x1] =	stream.indirect_vreg.gather [hbm4b:s5+s2], $0x80, v4, vm0, $0xb8;
	[tilespmem:$0x10080] =	vst v63  }
0x39: {  	v3 =	vadd.s32 v1, v3  }
0x3a: {  	[tilespmem:s31], [sflag:$0x1] =	stream.indirect_vreg.gather [hbm4b:s6+s2], $0x80, v4, vm0, $0xb8;
	[tilespmem:$0x10080] =	vst v63  }
0x3b: {  	s1 =	simm.s32 $0x5880  }
0x3c: {  	[tilespmem:s1], [sflag:$0x1] =	stream.indirect_vreg.gather [hbm4b:s7+s2], $0x80, v4, vm0, $0xb8;
	[tilespmem:$0x10080] =	vst v63  }
0x3d: {  	s0 =	simm.s32 $0x6080  }
0x3e: {  	[tilespmem:s0], [sflag:$0x1] =	stream.indirect_vreg.gather [hbm4b:s3+s2], $0x80, v3, vm0, $0xb8;
	[tilespmem:$0x10080] =	vst v63  }
0x3f: {  	_ = 	snop  }
0x40: {  	[tilespmem:s11], [sflag:$0x1] =	stream.indirect_vreg.gather [hbm4b:s5+s2], $0x80, v3, vm0, $0xb8;
	[tilespmem:$0x10080] =	vst v63  }
0x41: {  	_ = 	snop  }
0x42: {  	[tilespmem:s12], [sflag:$0x1] =	stream.indirect_vreg.gather [hbm4b:s6+s2], $0x80, v3, vm0, $0xb8;
	[tilespmem:$0x10080] =	vst v63  }
0x43: {  	_ = 	snop  }
0x44: {  	[tilespmem:s13], [sflag:$0x1] =	stream.indirect_vreg.gather [hbm4b:s7+s2], $0x80, v3, vm0, $0xb8;
	[tilespmem:$0x10080] =	vst v63  }
0x45: {  	v3 =	vld [tilespmem:$0x20];
	_ =	sdelay $0x4  }
0x46: {  	v58 =	vshll.u32 v3, $0x3  }
0x47: {  	v3 =	vand.u32 $0x7, v3;
	v4 =	vand.u32 $0xFFFFFFC0, v58  }
0x48: {  	v3 =	vor.u32 v3, v4  }
0x49: {  	v4 =	vperm.xlane v3, v0;
	_ =	sdelay $0x1  }
0x4a: {  	v4 =	vadd.s32 v1, v4;
	_ =	sdelay $0x4  }
0x4b: {  	[tilespmem:s14], [sflag:$0x1] =	stream.indirect_vreg.gather [hbm4b:s3+s2], $0x80, v4, vm0, $0xb8;
	[tilespmem:$0x10080] =	vst v63  }
0x4c: {  	v3 =	vperm.xlane v3, v2  }
0x4d: {  	[tilespmem:s15], [sflag:$0x1] =	stream.indirect_vreg.gather [hbm4b:s5+s2], $0x80, v4, vm0, $0xb8;
	[tilespmem:$0x10080] =	vst v63  }
0x4e: {  	v3 =	vadd.s32 v1, v3  }
0x4f: {  	[tilespmem:s16], [sflag:$0x1] =	stream.indirect_vreg.gather [hbm4b:s6+s2], $0x80, v4, vm0, $0xb8;
	[tilespmem:$0x10080] =	vst v63  }
0x50: {  	_ = 	snop  }
0x51: {  	[tilespmem:s17], [sflag:$0x1] =	stream.indirect_vreg.gather [hbm4b:s7+s2], $0x80, v4, vm0, $0xb8;
	[tilespmem:$0x10080] =	vst v63  }
0x52: {  	_ = 	snop  }
0x53: {  	[tilespmem:s18], [sflag:$0x1] =	stream.indirect_vreg.gather [hbm4b:s3+s2], $0x80, v3, vm0, $0xb8;
	[tilespmem:$0x10080] =	vst v63  }
0x54: {  	_ = 	snop  }
0x55: {  	[tilespmem:s19], [sflag:$0x1] =	stream.indirect_vreg.gather [hbm4b:s5+s2], $0x80, v3, vm0, $0xb8;
	[tilespmem:$0x10080] =	vst v63  }
0x56: {  	_ = 	snop  }
0x57: {  	[tilespmem:s10], [sflag:$0x1] =	stream.indirect_vreg.gather [hbm4b:s6+s2], $0x80, v3, vm0, $0xb8;
	[tilespmem:$0x10080] =	vst v63  }
0x58: {  	s20 =	simm.s32 $0xB880  }
0x59: {  	[tilespmem:s20], [sflag:$0x1] =	stream.indirect_vreg.gather [hbm4b:s7+s2], $0x80, v3, vm0, $0xb8;
	[tilespmem:$0x10080] =	vst v63  }
0x5a: {  	v3 =	vld [tilespmem:$0x30];
	_ =	sdelay $0x4  }
0x5b: {  	v59 =	vshll.u32 v3, $0x3  }
0x5c: {  	v3 =	vand.u32 $0x7, v3;
	v4 =	vand.u32 $0xFFFFFFC0, v59  }
0x5d: {  	v3 =	vor.u32 v3, v4  }
0x5e: {  	v4 =	vperm.xlane v3, v0;
	_ =	sdelay $0x1  }
0x5f: {  	v4 =	vadd.s32 v1, v4;
	_ =	sdelay $0x3  }
0x60: {  	s20 =	simm.s32 $0xC080  }
0x61: {  	[tilespmem:s20], [sflag:$0x1] =	stream.indirect_vreg.gather [hbm4b:s3+s2], $0x80, v4, vm0, $0xb8;
	[tilespmem:$0x10080] =	vst v63  }
0x62: {  	v3 =	vperm.xlane v3, v2;
	s20 =	simm.s32 $0xC880  }
0x63: {  	[tilespmem:s20], [sflag:$0x1] =	stream.indirect_vreg.gather [hbm4b:s5+s2], $0x80, v4, vm0, $0xb8;
	[tilespmem:$0x10080] =	vst v63  }
0x64: {  	v3 =	vadd.s32 v1, v3;
	s20 =	simm.s32 $0xD080  }
0x65: {  	[tilespmem:s20], [sflag:$0x1] =	stream.indirect_vreg.gather [hbm4b:s6+s2], $0x80, v4, vm0, $0xb8;
	[tilespmem:$0x10080] =	vst v63  }
0x66: {  	s20 =	simm.s32 $0xD880  }
0x67: {  	[tilespmem:s20], [sflag:$0x1] =	stream.indirect_vreg.gather [hbm4b:s7+s2], $0x80, v4, vm0, $0xb8;
	[tilespmem:$0x10080] =	vst v63  }
0x68: {  	s20 =	simm.s32 $0xE080  }
0x69: {  	[tilespmem:s20], [sflag:$0x1] =	stream.indirect_vreg.gather [hbm4b:s3+s2], $0x80, v3, vm0, $0xb8;
	[tilespmem:$0x10080] =	vst v63  }
0x6a: {  	s20 =	simm.s32 $0xE880  }
0x6b: {  	[tilespmem:s20], [sflag:$0x1] =	stream.indirect_vreg.gather [hbm4b:s5+s2], $0x80, v3, vm0, $0xb8;
	[tilespmem:$0x10080] =	vst v63  }
0x6c: {  	s20 =	simm.s32 $0xF080  }
0x6d: {  	[tilespmem:s20], [sflag:$0x1] =	stream.indirect_vreg.gather [hbm4b:s6+s2], $0x80, v3, vm0, $0xb8;
	[tilespmem:$0x10080] =	vst v63  }
0x6e: {  	s0 =	simm.s32 $0x1;
	s20 =	simm.s32 $0xF880  }
0x6f: {  	[tilespmem:s20], [sflag:$0x1] =	stream.indirect_vreg.gather [hbm4b:s7+s2], $0x80, v3, vm0, $0xb8;
	[tilespmem:$0x10080] =	vst v63  }
0x70: {  	_ =	swait.ge [sflag:s0], $0x10000  }
0x71: {  	[sflag:s0] =	ssyncset.done $0x0  }
0x72: {  	s20 =	rddreg [dreg:$0x3];
	[sflag:s0] =	ssyncadd.s32 $0xFFFF0000  }
0x73: {  	[hbm4b:s20+s2] =	stream.linear.scatter [tilespmem:s4], [sflag:$0x2], $0x10000, $0x38;
	[tilespmem:$0x10080] =	vst v63  }
0x74: {  	_ =	swait.ge [sflag:s9], $0x10000  }
0x75: {  	[sflag:s9] =	ssyncset.done $0x0  }
0x76: {  	s20 =	rddreg [dreg:$0x4];
	[sflag:s9] =	ssyncadd.s32 $0xFFFF0000  }
0x77: {  	[tilespmem:s2], [sflag:$0x2] =	stream.linear.gather [hbm4b:s20+s2], $0x40, $0x38;
	[tilespmem:$0x10080] =	vst v63  }
0x78: {  	_ =	swait.ge [sflag:s9], $0x40  }
0x79: {  	[sflag:s9] =	ssyncset.done $0x0  }
0x7a: {  	[sflag:s9] =	ssyncadd.s32 $0xFFFFFFC0  }
0x7b: {  	v3 =	vld [tilespmem:$0x0];
	_ =	sdelay $0x4  }
0x7c: {  	v60 =	vshll.u32 v3, $0x3  }
0x7d: {  	v3 =	vand.u32 $0x7, v3;
	v4 =	vand.u32 $0xFFFFFFC0, v60  }
0x7e: {  	v3 =	vor.u32 v3, v4  }
0x7f: {  	v4 =	vperm.xlane v3, v0;
	_ =	sdelay $0x1  }
0x80: {  	v4 =	vadd.s32 v1, v4;
	_ =	sdelay $0x4  }
0x81: {  	[tilespmem:s4], [sflag:$0x1] =	stream.indirect_vreg.gather [hbm4b:s3+s2], $0x80, v4, vm0, $0xb8;
	[tilespmem:$0x10080] =	vst v63  }
0x82: {  	v3 =	vperm.xlane v3, v2  }
0x83: {  	[tilespmem:s21], [sflag:$0x1] =	stream.indirect_vreg.gather [hbm4b:s5+s2], $0x80, v4, vm0, $0xb8;
	[tilespmem:$0x10080] =	vst v63  }
0x84: {  	v3 =	vadd.s32 v1, v3  }
0x85: {  	[tilespmem:s22], [sflag:$0x1] =	stream.indirect_vreg.gather [hbm4b:s6+s2], $0x80, v4, vm0, $0xb8;
	[tilespmem:$0x10080] =	vst v63  }
0x86: {  	_ = 	snop  }
0x87: {  	[tilespmem:s23], [sflag:$0x1] =	stream.indirect_vreg.gather [hbm4b:s7+s2], $0x80, v4, vm0, $0xb8;
	[tilespmem:$0x10080] =	vst v63  }
0x88: {  	_ = 	snop  }
0x89: {  	[tilespmem:s24], [sflag:$0x1] =	stream.indirect_vreg.gather [hbm4b:s3+s2], $0x80, v3, vm0, $0xb8;
	[tilespmem:$0x10080] =	vst v63  }
0x8a: {  	_ = 	snop  }
0x8b: {  	[tilespmem:s25], [sflag:$0x1] =	stream.indirect_vreg.gather [hbm4b:s5+s2], $0x80, v3, vm0, $0xb8;
	[tilespmem:$0x10080] =	vst v63  }
0x8c: {  	_ = 	snop  }
0x8d: {  	[tilespmem:s26], [sflag:$0x1] =	stream.indirect_vreg.gather [hbm4b:s6+s2], $0x80, v3, vm0, $0xb8;
	[tilespmem:$0x10080] =	vst v63  }
0x8e: {  	_ = 	snop  }
0x8f: {  	[tilespmem:s28], [sflag:$0x1] =	stream.indirect_vreg.gather [hbm4b:s7+s2], $0x80, v3, vm0, $0xb8;
	[tilespmem:$0x10080] =	vst v63  }
0x90: {  	v3 =	vld [tilespmem:$0x10];
	_ =	sdelay $0x4  }
0x91: {  	v61 =	vshll.u32 v3, $0x3  }
0x92: {  	v3 =	vand.u32 $0x7, v3;
	v4 =	vand.u32 $0xFFFFFFC0, v61  }
0x93: {  	v3 =	vor.u32 v3, v4  }
0x94: {  	v4 =	vperm.xlane v3, v0;
	_ =	sdelay $0x1  }
0x95: {  	v4 =	vadd.s32 v1, v4;
	_ =	sdelay $0x4  }
0x96: {  	[tilespmem:s29], [sflag:$0x1] =	stream.indirect_vreg.gather [hbm4b:s3+s2], $0x80, v4, vm0, $0xb8;
	[tilespmem:$0x10080] =	vst v63  }
0x97: {  	v3 =	vperm.xlane v3, v2  }
0x98: {  	[tilespmem:s30], [sflag:$0x1] =	stream.indirect_vreg.gather [hbm4b:s5+s2], $0x80, v4, vm0, $0xb8;
	[tilespmem:$0x10080] =	vst v63  }
0x99: {  	v3 =	vadd.s32 v1, v3  }
0x9a: {  	[tilespmem:s31], [sflag:$0x1] =	stream.indirect_vreg.gather [hbm4b:s6+s2], $0x80, v4, vm0, $0xb8;
	[tilespmem:$0x10080] =	vst v63  }
0x9b: {  	_ = 	snop  }
0x9c: {  	[tilespmem:s1], [sflag:$0x1] =	stream.indirect_vreg.gather [hbm4b:s7+s2], $0x80, v4, vm0, $0xb8;
	[tilespmem:$0x10080] =	vst v63  }
0x9d: {  	s20 =	simm.s32 $0x6080  }
0x9e: {  	[tilespmem:s20], [sflag:$0x1] =	stream.indirect_vreg.gather [hbm4b:s3+s2], $0x80, v3, vm0, $0xb8;
	[tilespmem:$0x10080] =	vst v63  }
0x9f: {  	_ = 	snop  }
0xa0: {  	[tilespmem:s11], [sflag:$0x1] =	stream.indirect_vreg.gather [hbm4b:s5+s2], $0x80, v3, vm0, $0xb8;
	[tilespmem:$0x10080] =	vst v63  }
0xa1: {  	_ = 	snop  }
0xa2: {  	[tilespmem:s12], [sflag:$0x1] =	stream.indirect_vreg.gather [hbm4b:s6+s2], $0x80, v3, vm0, $0xb8;
	[tilespmem:$0x10080] =	vst v63  }
0xa3: {  	_ = 	snop  }
0xa4: {  	[tilespmem:s13], [sflag:$0x1] =	stream.indirect_vreg.gather [hbm4b:s7+s2], $0x80, v3, vm0, $0xb8;
	[tilespmem:$0x10080] =	vst v63  }
0xa5: {  	v3 =	vld [tilespmem:$0x20];
	_ =	sdelay $0x4  }
0xa6: {  	v62 =	vshll.u32 v3, $0x3  }
0xa7: {  	v3 =	vand.u32 $0x7, v3;
	v4 =	vand.u32 $0xFFFFFFC0, v62  }
0xa8: {  	v3 =	vor.u32 v3, v4  }
0xa9: {  	v4 =	vperm.xlane v3, v0;
	_ =	sdelay $0x1  }
0xaa: {  	v4 =	vadd.s32 v1, v4;
	_ =	sdelay $0x4  }
0xab: {  	[tilespmem:s14], [sflag:$0x1] =	stream.indirect_vreg.gather [hbm4b:s3+s2], $0x80, v4, vm0, $0xb8;
	[tilespmem:$0x10080] =	vst v63  }
0xac: {  	v3 =	vperm.xlane v3, v2  }
0xad: {  	[tilespmem:s15], [sflag:$0x1] =	stream.indirect_vreg.gather [hbm4b:s5+s2], $0x80, v4, vm0, $0xb8;
	[tilespmem:$0x10080] =	vst v63  }
0xae: {  	v3 =	vadd.s32 v1, v3  }
0xaf: {  	[tilespmem:s16], [sflag:$0x1] =	stream.indirect_vreg.gather [hbm4b:s6+s2], $0x80, v4, vm0, $0xb8;
	[tilespmem:$0x10080] =	vst v63  }
0xb0: {  	_ = 	snop  }
0xb1: {  	[tilespmem:s17], [sflag:$0x1] =	stream.indirect_vreg.gather [hbm4b:s7+s2], $0x80, v4, vm0, $0xb8;
	[tilespmem:$0x10080] =	vst v63  }
0xb2: {  	_ = 	snop  }
0xb3: {  	[tilespmem:s18], [sflag:$0x1] =	stream.indirect_vreg.gather [hbm4b:s3+s2], $0x80, v3, vm0, $0xb8;
	[tilespmem:$0x10080] =	vst v63  }
0xb4: {  	_ = 	snop  }
0xb5: {  	[tilespmem:s19], [sflag:$0x1] =	stream.indirect_vreg.gather [hbm4b:s5+s2], $0x80, v3, vm0, $0xb8;
	[tilespmem:$0x10080] =	vst v63  }
0xb6: {  	_ = 	snop  }
0xb7: {  	[tilespmem:s10], [sflag:$0x1] =	stream.indirect_vreg.gather [hbm4b:s6+s2], $0x80, v3, vm0, $0xb8;
	[tilespmem:$0x10080] =	vst v63  }
0xb8: {  	s20 =	simm.s32 $0xB880  }
0xb9: {  	[tilespmem:s20], [sflag:$0x1] =	stream.indirect_vreg.gather [hbm4b:s7+s2], $0x80, v3, vm0, $0xb8;
	[tilespmem:$0x10080] =	vst v63  }
0xba: {  	v3 =	vld [tilespmem:$0x30];
	_ =	sdelay $0x4  }
0xbb: {  	v63 =	vshll.u32 v3, $0x3  }
0xbc: {  	v3 =	vand.u32 $0x7, v3;
	v4 =	vand.u32 $0xFFFFFFC0, v63  }
0xbd: {  	v3 =	vor.u32 v3, v4  }
0xbe: {  	v4 =	vperm.xlane v3, v0;
	_ =	sdelay $0x1  }
0xbf: {  	v4 =	vadd.s32 v1, v4;
	_ =	sdelay $0x3  }
0xc0: {  	s20 =	simm.s32 $0xC080  }
0xc1: {  	[tilespmem:s20], [sflag:$0x1] =	stream.indirect_vreg.gather [hbm4b:s3+s2], $0x80, v4, vm0, $0xb8;
	[tilespmem:$0x10080] =	vst v63  }
0xc2: {  	v3 =	vperm.xlane v3, v2;
	s20 =	simm.s32 $0xC880  }
0xc3: {  	[tilespmem:s20], [sflag:$0x1] =	stream.indirect_vreg.gather [hbm4b:s5+s2], $0x80, v4, vm0, $0xb8;
	[tilespmem:$0x10080] =	vst v63  }
0xc4: {  	v3 =	vadd.s32 v1, v3;
	s20 =	simm.s32 $0xD080  }
0xc5: {  	[tilespmem:s20], [sflag:$0x1] =	stream.indirect_vreg.gather [hbm4b:s6+s2], $0x80, v4, vm0, $0xb8;
	[tilespmem:$0x10080] =	vst v63  }
0xc6: {  	s20 =	simm.s32 $0xD880  }
0xc7: {  	[tilespmem:s20], [sflag:$0x1] =	stream.indirect_vreg.gather [hbm4b:s7+s2], $0x80, v4, vm0, $0xb8;
	[tilespmem:$0x10080] =	vst v63  }
0xc8: {  	s20 =	simm.s32 $0xE080  }
0xc9: {  	[tilespmem:s20], [sflag:$0x1] =	stream.indirect_vreg.gather [hbm4b:s3+s2], $0x80, v3, vm0, $0xb8;
	[tilespmem:$0x10080] =	vst v63  }
0xca: {  	s20 =	simm.s32 $0xE880  }
0xcb: {  	[tilespmem:s20], [sflag:$0x1] =	stream.indirect_vreg.gather [hbm4b:s5+s2], $0x80, v3, vm0, $0xb8;
	[tilespmem:$0x10080] =	vst v63  }
0xcc: {  	s20 =	simm.s32 $0xF080  }
0xcd: {  	[tilespmem:s20], [sflag:$0x1] =	stream.indirect_vreg.gather [hbm4b:s6+s2], $0x80, v3, vm0, $0xb8;
	[tilespmem:$0x10080] =	vst v63  }
0xce: {  	s20 =	simm.s32 $0xF880  }
0xcf: {  	[tilespmem:s20], [sflag:$0x1] =	stream.indirect_vreg.gather [hbm4b:s7+s2], $0x80, v3, vm0, $0xb8;
	[tilespmem:$0x10080] =	vst v63  }
0xd0: {  	_ =	swait.ge [sflag:s0], $0x10000  }
0xd1: {  	p0 =	sne.s32 s8, $0x1;
	[sflag:s0] =	ssyncset.done $0x0  }
.Ltmp0:
0xd2: {  	s1 =	rddreg [dreg:$0x5];
	[sflag:s0] =	ssyncadd.s32 $0xFFFF0000;
	(pc) =	sbr.rel @p0 .LBB2_1-.Ltmp0, $4  }
0xd3: {  	[hbm4b:s1+s2] =	stream.linear.scatter [tilespmem:s4], [sflag:$0x2], $0x10000, $0x38;
	[tilespmem:$0x10080] =	vst v63  }
0xd4: {  	_ =	swait.ge [sflag:s9], $0x10000  }
0xd5: {  	[sflag:s9] =	ssyncset.done $0x0  }
0xd6: {  	s8 =	sadd.s32 $0xFFFFFFFF, s8;
	[sflag:s9] =	ssyncadd.s32 $0xFFFF0000  }
0xd7: {  	_ =	sfence.sel $0x180000  }
0xd8: {  	[bflag:$0x0] =	sbarrier.arrive $0xFFFF  }
0xd9: {  	_ =	strace $0x9000004A  }
0xda: {  	s0 =	stileid.u32;
	[bflag:$0x2] =	sbarrier.arrive $0xFFFF  }
0xdb: {  	p0 =	sne.s32 s0, $0x0;
	s0 =	rddreg [dreg:$0x1]  }
0xdc: {  	s0 =	sadd.s32 @!p0 $0x100000, s0  }
0xdd: {  	[sflag:s0] =	ssyncadd.tile.s32 @!p0 $0x1;
	_ =	shalt  }
.Lfunc_end2:
_tile_overlayer_lowered:
.L_overlay_start_2:
0xde: {  	(tag) =	ssettag $0x2  }
0xdf: {  	s0 =	rddreg [dreg:$0x0];
	s2 =	stileid.u32  }
0xe0: {  	s1 =	rddreg [dreg:$0x1];
	p0 =	sne.s32 s2, $0x0  }
0xe1: {  	s3 =	rddreg [dreg:$0x2];
	[bflag:$0x3] =	sbarrier.arrive $0xFFFF;
	s2 =	simm.s32 @!p0 $0x1C02  }
0xe2: {  	[timem:s3], [sflag:s2] =	dma.local @!p0 [hbm:s0], s1  }
0xe3: {  	s0 =	simm.s32 @!p0 $0x2  }
0xe4: {  	_ =	swait.ge @!p0 [sflag:s0], s1  }
0xe5: {  	s1 =	ssub.s32 @!p0 $0x0, s1;
	[sflag:s0] =	ssyncset.done @!p0 $0x0  }
0xe6: {  	[sflag:s0] =	ssyncadd.s32 @!p0 s1  }
0xe7: {  	[bflag:$0x3] =	sbarrier.arrive $0xFFFF  }
0xe8: {  	_ =	shalt  }

// kernel: kernel.7.cloned.1.call-start
scs
__scs_entry_jumppad:
0x0: {  	(pc) =	sbr.rel $0x88, $3  }
0x1: {  	(tag) =	ssettag $0x0;
	lr =	simm.s32 $0x1  }
0x2: {  	[smem:$0x3F9E] =	sst lr;
	_ =	strace $0xD0000000  }
0x3: {  	_ = 	snop  }
0x4: {  	_ = 	snop  }
0x5: {  	_ = 	snop  }
0x6: {  	_ = 	snop  }
0x7: {  	_ = 	snop  }
__scs_overlays_trampoline_lowered:
0x8: {  	[smem:$0x3FAD] =	sst s0  }
0x9: {  	[smem:$0x3FAE] =	sst s1  }
0xa: {  	[smem:$0x3FAF] =	sst s2  }
0xb: {  	[smem:$0x3FB0] =	sst s3  }
0xc: {  	[smem:$0x3FB1] =	sst s4  }
0xd: {  	[smem:$0x3FB2] =	sst s5  }
0xe: {  	[smem:$0x3FB3] =	sst s6  }
0xf: {  	[smem:$0x3FB4] =	sst s7  }
0x10: {  	[smem:$0x3FB5] =	sst s8  }
0x11: {  	[smem:$0x3FB6] =	sst s9;
	s0 =	simm.s32 @!p0 $0x0  }
0x12: {  	s1 =	sld [smem:$0x3F9C];
	s0 =	simm.s32 @p0 $0x1  }
0x13: {  	[smem:$0x3FB7] =	sst s0;
	s0 =	simm.s32 @!p1 $0x0  }
0x14: {  	s2 =	sld [smem:$0x3F9B];
	s0 =	simm.s32 @p1 $0x1  }
0x15: {  	[smem:$0x3FB8] =	sst s0;
	s0 =	simm.s32 @!p2 $0x0  }
0x16: {  	s3 =	sld [smem:$0x3FDB];
	s0 =	simm.s32 @p2 $0x1  }
0x17: {  	s4 =	simm.s32 $0x1BF5;
	[smem:$0x3FBA] =	sst s0  }
0x18: {  	s0 =	sld [smem:$0x3F9D];
	_ =	swait.ge [sflag:s4], $0x0  }
0x19: {  	s7 =	sld [smem:$0x3F9E]  }
0x1a: {  	s8 =	sadd.s32 $0xFFFFE003, lr  }
0x1b: {  	s9 =	sadd.s32 $0xFFFFFEF7, lr;
	s5 =	simm.s32 $0xFFFFFFFF;
	p2 =	slt.u32 s8, $0xFFFFF086  }
0x1c: {  	p1 =	slt.u32 s9, $0xF7A;
	s5 =	simm.s32 @!p2 $0x0  }
0x1d: {  	s5 =	simm.s32 @p1 $0x1;
	p0 =	seq.s32 s7, s2  }
0x1e: {  	s7 =	smul.u32 @!p0 $0xF7A, s2;
	p2 =	seq.s32 @!p0 s5, $0x0  }
0x1f: {  	s9 =	smul.u32 $0xF7A, s1;
	s8 =	simm.s32 @!p0 $0x1BF5;
	p2 =	por !p2, p0  }
0x20: {  	[sflag:s8] =	ssyncset.s32 @!p0 $0xFFFFF086;
	s6 =	sadd.s32 @!p0 s3, s7;
	s7 =	simm.s32 @!p0 $0x108  }
0x21: {  	s3 =	sadd.s32 s3, s9;
	s6 =	sadd.s32 @!p0 $0x88, s6;
	s7 =	simm.s32 @p2 $0x1082  }
0x22: {  	[simem:s7], [sflag:s8] =	dma.local @!p0 [hbm:s6], $0xF7A  }
0x23: {  	s9 =	sor.u32 $0xD0000000, s2;
	s6 =	simm.s32 $0x108;
	_ =	swait.ge @!p0 [sflag:s8], $0x0  }
0x24: {  	s3 =	sadd.s32 $0x88, s3;
	s6 =	simm.s32 @!p1 $0x1082;
	[sflag:s4] =	ssyncset.s32 $0xFFFFF086  }
0x25: {  	[simem:s6], [sflag:s4] =	dma.local [hbm:s3], $0xF7A  }
0x26: {  	[smem:$0x3F9E] =	sst s1;
	(tag) =	ssettag s2;
	_ =	strace s9  }
0x27: {  	s1 =	sld [smem:$0x3FAE]  }
0x28: {  	s2 =	sld [smem:$0x3FAF]  }
0x29: {  	s4 =	sld [smem:$0x3FB1]  }
0x2a: {  	p0 =	seq.s32 s5, $0x0;
	s5 =	sld [smem:$0x3FB2]  }
0x2b: {  	s6 =	sld [smem:$0x3FB3]  }
0x2c: {  	s7 =	sld [smem:$0x3FB4]  }
0x2d: {  	s3 =	simm.s32 $0x108;
	s8 =	sld [smem:$0x3FB5]  }
0x2e: {  	s3 =	simm.s32 @!p0 $0x1082;
	s9 =	sld [smem:$0x3FB6]  }
0x2f: {  	lr =	sadd.s32 s0, s3;
	s0 =	sld [smem:$0x3FAD]  }
0x30: {  	s3 =	sld [smem:$0x3FB0]  }
0x31: {  	[smem:$0x3FB9] =	sst s10  }
0x32: {  	s10 =	sld [smem:$0x3FB7];
	_ =	sdelay $0x3  }
0x33: {  	p0 =	seq.s32 s10, $0x1;
	s10 =	sld [smem:$0x3FB9];
	_ =	sdelay $0x3  }
0x34: {  	[smem:$0x3FB9] =	sst s10  }
0x35: {  	s10 =	sld [smem:$0x3FB8];
	_ =	sdelay $0x3  }
0x36: {  	p1 =	seq.s32 s10, $0x1;
	s10 =	sld [smem:$0x3FB9];
	_ =	sdelay $0x3  }
0x37: {  	[smem:$0x3FB9] =	sst s10  }
0x38: {  	s10 =	sld [smem:$0x3FBA]  }
0x39: {  	_ = 	snop;
	(pc) =	sbr.ind lr, $3  }
0x3a: {  	_ = 	snop  }
0x3b: {  	_ = 	snop  }
0x3c: {  	p2 =	seq.s32 s10, $0x1;
	s10 =	sld [smem:$0x3FB9]  }
0x3d: {  	_ =	shalt  }
0x3e: {  	_ =	shalt  }
0x3f: {  	_ =	shalt  }
0x40: {  	_ =	shalt  }
0x41: {  	_ =	shalt  }
0x42: {  	_ =	shalt  }
0x43: {  	_ =	shalt  }
0x44: {  	_ =	shalt  }
0x45: {  	_ =	shalt  }
0x46: {  	_ =	shalt  }
0x47: {  	_ =	shalt  }
0x48: {  	_ =	shalt  }
0x49: {  	_ =	shalt  }
0x4a: {  	_ =	shalt  }
0x4b: {  	_ =	shalt  }
0x4c: {  	_ =	shalt  }
0x4d: {  	_ =	shalt  }
0x4e: {  	_ =	shalt  }
0x4f: {  	_ =	shalt  }
0x50: {  	_ =	shalt  }
0x51: {  	_ =	shalt  }
0x52: {  	_ =	shalt  }
0x53: {  	_ =	shalt  }
0x54: {  	_ =	shalt  }
0x55: {  	_ =	shalt  }
0x56: {  	_ =	shalt  }
0x57: {  	_ =	shalt  }
0x58: {  	_ =	shalt  }
0x59: {  	_ =	shalt  }
0x5a: {  	_ =	shalt  }
0x5b: {  	_ =	shalt  }
0x5c: {  	_ =	shalt  }
0x5d: {  	_ =	shalt  }
0x5e: {  	_ =	shalt  }
0x5f: {  	_ =	shalt  }
0x60: {  	_ =	shalt  }
0x61: {  	_ =	shalt  }
0x62: {  	_ =	shalt  }
0x63: {  	_ =	shalt  }
0x64: {  	_ =	shalt  }
0x65: {  	_ =	shalt  }
0x66: {  	_ =	shalt  }
0x67: {  	_ =	shalt  }
0x68: {  	_ =	shalt  }
0x69: {  	_ =	shalt  }
0x6a: {  	_ =	shalt  }
0x6b: {  	_ =	shalt  }
0x6c: {  	_ =	shalt  }
0x6d: {  	_ =	shalt  }
0x6e: {  	_ =	shalt  }
0x6f: {  	_ =	shalt  }
0x70: {  	_ =	shalt  }
0x71: {  	_ =	shalt  }
0x72: {  	_ =	shalt  }
0x73: {  	_ =	shalt  }
0x74: {  	_ =	shalt  }
0x75: {  	_ =	shalt  }
0x76: {  	_ =	shalt  }
0x77: {  	_ =	shalt  }
0x78: {  	_ =	shalt  }
0x79: {  	_ =	shalt  }
0x7a: {  	_ =	shalt  }
0x7b: {  	_ =	shalt  }
0x7c: {  	_ =	shalt  }
0x7d: {  	_ =	shalt  }
0x7e: {  	_ =	shalt  }
0x7f: {  	_ =	shalt  }
0x80: {  	_ =	shalt  }
0x81: {  	_ =	shalt  }
0x82: {  	_ =	shalt  }
0x83: {  	_ =	shalt  }
0x84: {  	_ =	shalt  }
0x85: {  	_ =	shalt  }
0x86: {  	_ =	shalt  }
0x87: {  	_ =	shalt  }
.Lfunc_end0:
.L_simem_size_0:
called_computation_lowered:
.L_overlay_start_0:
0x88: {  	s2 =	sld [smem:$0x3FD9]  }
0x89: {  	s3 =	sld [smem:$0x3FFE];
	_ =	sdelay $0x1  }
0x8a: {  	s1 =	srdreg.scid  }
0x8b: {  	s0 =	sand.u32 $0x1, s1  }
0x8c: {  	s17 =	sshll.u32 s0, $0xA;
	s2 =	sadd.s32 s3, s2  }
0x8d: {  	s2 =	sadd.s32 s2, s17  }
0x8e: {  	[smem:$0x3FC5] =	sst s2  }
0x8f: {  	_ = 	snop  }
0x90: {  	s2 =	sld [smem:$0x3FC9];
	(tm) =	ssettm $0x1  }
0x91: {  	s18 =	sld [smem:$0x3FFB];
	_ =	sdelay $0x3  }
0x92: {  	_ =	strace s18  }
0x93: {  	s3 =	sld [smem:$0x3FFC];
	_ =	sdelay $0x3  }
0x94: {  	_ =	strace s3  }
0x95: {  	s3 =	sld [smem:$0x3FFD];
	_ =	sdelay $0x3  }
0x96: {  	_ =	strace s3  }
0x97: {  	_ =	strace $0x8FFFFFFF  }
0x98: {  	s19 =	sld [smem:$0x3FDB];
	_ =	sdelay $0x1  }
0x99: {  	s4 =	simm.s32 $_scs_section_size  }
0x9a: {  	s5 =	simm.s32 $_size__tile_overlayer_lowered;
	s6 =	simm.s32 $_tile_overlayer_lowered  }
0x9b: {  	s22 =	simm.s32 $0x1BFF;
	s21 =	sshll.u32 s6, $0x1;
	s3 =	sadd.s32 s4, s19  }
0x9c: {  	s7 =	simm.s32 $0x0;
	s20 =	sshll.u32 s5, $0x1;
	s5 =	sadd.s32 s21, s3  }
0x9d: {  	[timem:s7], [sflag:s22] =	dma.local [hbm:s5], s20  }
0x9e: {  	_ =	swait.ge [sflag:s22], s20  }
0x9f: {  	s4 =	ssub.s32 $0x0, s20;
	[sflag:s22] =	ssyncset.done $0x0  }
0xa0: {  	[sflag:s22] =	ssyncadd.s32 s4;
	_ =	sdelay $0x1  }
0xa1: {  	s23 =	simm.s32 $0x1B8B  }
0xa2: {  	_ =	swait.ge [sflag:s23], $0x1  }
0xa3: {  	[sflag:s23] =	ssyncset.done $0x0  }
0xa4: {  	s25 =	simm.s32 $0x1B8E;
	s24 =	sld [smem:$0x3FFE];
	[sflag:s23] =	ssyncadd.s32 $0xFFFFFFFF  }
0xa5: {  	s26 =	simm.s32 $execute0_lowered;
	[smem:$0x3FD2] =	sst s25  }
0xa6: {  	s5 =	sshll.u32 s26, $0x1;
	_ =	strace $0x80000046;
	[dreg:$0x1] =	wrdreg $0xFFFFFFFF  }
0xa7: {  	s28 =	simm.s32 $_size_execute0_lowered;
	s3 =	sadd.s32 s3, s5;
	[dreg:$0x0] =	wrdreg $0x0  }
0xa8: {  	s5 =	sshll.u32 s28, $0x1;
	[dreg:$0x2] =	wrdreg s3  }
0xa9: {  	[dreg:$0x3] =	wrdreg s5  }
0xaa: {  	[dreg:$0x4] =	wrdreg $0xC0  }
0xab: {  	_ =	task [dreg:s7], $0x5FFFF  }
0xac: {  	[dreg:$0x1] =	wrdreg $0xFFFFFFFF  }
0xad: {  	[dreg:$0x0] =	wrdreg $0x60  }
0xae: {  	[dreg:$0x2] =	wrdreg s2  }
0xaf: {  	[dreg:$0x3] =	wrdreg s24  }
0xb0: {  	[dreg:$0x4] =	wrdreg $0x9  }
0xb1: {  	_ =	task.clear_ibuf [dreg:s7], $0x5FFFF;
	_ =	strace $0x90000046  }
0xb2: {  	s29 =	simm.s32 $0x9;
	_ =	strace $0x80000048  }
0xb3: {  	_ =	swait.ge [sflag:s29], $0x1  }
0xb4: {  	[sflag:s29] =	ssyncadd.s32 $0xFFFFFFFF  }
0xb5: {  	_ =	strace $0x90000048  }
0xb6: {  	_ =	sfence  }
0xb7: {  	s30 =	sld [smem:$0x0];
	_ =	sdelay $0x2  }
0xb8: {  	s31 =	sshll.u32 s1, $0xD;
	s1 =	sshrl.u32 s1, $0x2  }
0xb9: {  	s3 =	sand.u32 $0x4000, s31;
	s1 =	sadd.s32 s1, s30  }
0xba: {  	s0 =	sor.u32 s3, s0;
	s1 =	sshll.u32 s1, $0x11  }
0xbb: {  	s0 =	sor.u32 s1, s0  }
0xbc: {  	s0 =	sadd.s32 $0x8F2B, s0  }
0xbd: {  	[sflag:s0] =	ssyncadd.remote.s32 $0x1  }
0xbe: {  	_ =	sfence.sel $0xFFFF  }
0xbf: {  	[dreg:$0x0] =	wrdreg $0xFFFFFFFF;
	(pc) =	sbr.abs _section_cstart, $3  }
0xc0: {  	[dreg:$0x1] =	wrdreg $0xFFFFFFFF  }
0xc1: {  	_ =	task.clear_ibuf [dreg:s7], $0x2FFFF;
	_ =	strace $0x9FFFFFFF  }
0xc2: {  	(tm) =	ssettm $0x7FFFFFFF  }
0xc3: {  	_ =	shalt  }
tec
execute0_lowered:
.L_overlay_start_1:
0x0: {  	(tag) =	ssettag $0x1  }
0x1: {  	s0 =	srdreg.scid  }
0x2: {  	s3 =	stileid.u32;
	s5 =	rddreg [dreg:$0x0];
	s2 =	simm.s32 $0x1  }
0x3: {  	s8 =	rddreg [dreg:$0x1];
	s10 =	simm.s32 $0x2;
	s22 =	simm.s32 $0x880  }
0x4: {  	s23 =	simm.s32 $0x1080;
	s24 =	simm.s32 $0x1880;
	s28 =	simm.s32 $0x3080  }
0x5: {  	s29 =	simm.s32 $0x3880;
	s30 =	simm.s32 $0x4080;
	s31 =	simm.s32 $0x4880  }
0x6: {  	s12 =	simm.s32 $0x6880;
	s13 =	simm.s32 $0x7080;
	s14 =	simm.s32 $0x7880  }
0x7: {  	s15 =	simm.s32 $0x8080;
	s16 =	simm.s32 $0x8880;
	s17 =	simm.s32 $0x9080  }
0x8: {  	s18 =	simm.s32 $0x9880;
	s0 =	sand.u32 $0x1, s0;
	s1 =	sshll.u32 s3, $0x1  }
0x9: {  	s19 =	simm.s32 $0xA080;
	s20 =	simm.s32 $0xA880;
	s1 =	sor.u32 s0, s1  }
0xa: {  	s11 =	simm.s32 $0xB080;
	p1 =	seq.s32 s0, $0x1;
	p0 =	seq.s32 s1, $0x0  }
0xb: {  	s4 =	sshll.u32 s0, $0x7;
	s0 =	ssub.s32 $0x2, s0;
	p0 =	por !p0, !p1  }
0xc: {  	s6 =	sshrl.u32 s0, $0x1;
	s1 =	sshll.u32 s1, $0xE;
	p0 =	por !p0, !p0  }
0xd: {  	s0 =	ssub.s32 s0, s6;
	s5 =	sadd.s32 s5, s1;
	s2 =	simm.s32 @!p0 $0x0  }
0xe: {  	s6 =	sadd.s32 $0x3100, s8;
	s3 =	ssub.s32 s3, s2;
	s2 =	simm.s32 $0x0  }
0xf: {  	s26 =	sadd.s32 $0x2000, s5;
	s3 =	sshll.u32 s3, $0x8;
	[smem:$0x7FF] =	sst s2  }
0x10: {  	s3 =	sor.u32 s4, s3;
	_ =	strace $0x80000047;
	[dreg:$0x6] =	wrdreg s5  }
0x11: {  	[dreg:$0x5] =	wrdreg s26;
	s26 =	simm.s32 $0x2880;
	s4 =	sshrl.u32 s3, $0x3  }
0x12: {  	s5 =	simm.s32 $0x6080;
	s3 =	simm.s32 $0x80;
	s7 =	sadd.s32 s4, s8  }
0x13: {  	v2 =	vlaneseq.u32;
	s4 =	sadd.s32 $0x3000, s8;
	s9 =	sadd.s32 $0x2E00, s7;
	s25 =	sadd.s32 $0x2E08, s7  }
0x14: {  	vm0 =	vmmov $0xffff;
	v1 =	vshrl.u32 v2, $0x3;
	s7 =	sadd.s32 $0x3200, s8;
	s8 =	sadd.s32 $0x3300, s8;
	[dreg:$0x3] =	wrdreg s9  }
0x15: {  	v0 =	vand.u32 $0x7, v2;
	v2 =	vor.u32 $0x8, v2;
	v1 =	vmul.u32 $0x8, v1;
	[dreg:$0x4] =	wrdreg s25;
	s9 =	smax.u32 s0, $0x1;
	s25 =	simm.s32 $0x2080  }
.LBB2_1:
0x16: {  	s21 =	rddreg [dreg:$0x3]  }
0x17: {  	[tilespmem:s2], [sflag:$0x2] =	stream.linear.gather [hbm4b:s21+s2], $0x40, $0x38;
	[tilespmem:$0x10080] =	vst v63  }
0x18: {  	_ =	swait.ge [sflag:s10], $0x40  }
0x19: {  	[sflag:s10] =	ssyncset.done $0x0  }
0x1a: {  	s1 =	rddreg [dreg:$0x6];
	[sflag:s10] =	ssyncadd.s32 $0xFFFFFFC0  }
0x1b: {  	[tilespmem:s3], [sflag:$0x2] =	stream.linear.gather [hbm4b:s1+s2], $0x10000, $0x38;
	[tilespmem:$0x10080] =	vst v63  }
0x1c: {  	_ =	swait.ge [sflag:s10], $0x10000  }
0x1d: {  	[sflag:s10] =	ssyncset.done $0x0  }
0x1e: {  	[sflag:s10] =	ssyncadd.s32 $0xFFFF0000  }
0x1f: {  	v3 =	vld [tilespmem:$0x0];
	_ =	sdelay $0x4  }
0x20: {  	v4 =	vshll.u32 v3, $0x3  }
0x21: {  	v3 =	vand.u32 $0x7, v3;
	v4 =	vand.u32 $0xFFFFFFC0, v4  }
0x22: {  	v3 =	vor.u32 v3, v4  }
0x23: {  	v4 =	vperm.xlane v3, v0;
	_ =	sdelay $0x1  }
0x24: {  	v4 =	vadd.s32 v1, v4;
	_ =	sdelay $0x4  }
0x25: {  	[hbm4b:s4+s2] =	stream.indirect_vreg.scatter [tilespmem:s3], [sflag:$0x1], $0x80, v4, vm0, $0xb8;
	[tilespmem:$0x10080] =	vst v63  }
0x26: {  	v3 =	vperm.xlane v3, v2  }
0x27: {  	[hbm4b:s6+s2] =	stream.indirect_vreg.scatter [tilespmem:s22], [sflag:$0x1], $0x80, v4, vm0, $0xb8;
	[tilespmem:$0x10080] =	vst v63  }
0x28: {  	v3 =	vadd.s32 v1, v3  }
0x29: {  	[hbm4b:s7+s2] =	stream.indirect_vreg.scatter [tilespmem:s23], [sflag:$0x1], $0x80, v4, vm0, $0xb8;
	[tilespmem:$0x10080] =	vst v63  }
0x2a: {  	_ = 	snop  }
0x2b: {  	[hbm4b:s8+s2] =	stream.indirect_vreg.scatter [tilespmem:s24], [sflag:$0x1], $0x80, v4, vm0, $0xb8;
	[tilespmem:$0x10080] =	vst v63  }
0x2c: {  	_ = 	snop  }
0x2d: {  	[hbm4b:s4+s2] =	stream.indirect_vreg.scatter [tilespmem:s25], [sflag:$0x1], $0x80, v3, vm0, $0xb8;
	[tilespmem:$0x10080] =	vst v63  }
0x2e: {  	_ = 	snop  }
0x2f: {  	[hbm4b:s6+s2] =	stream.indirect_vreg.scatter [tilespmem:s26], [sflag:$0x1], $0x80, v3, vm0, $0xb8;
	[tilespmem:$0x10080] =	vst v63  }
0x30: {  	_ = 	snop  }
0x31: {  	[hbm4b:s7+s2] =	stream.indirect_vreg.scatter [tilespmem:s28], [sflag:$0x1], $0x80, v3, vm0, $0xb8;
	[tilespmem:$0x10080] =	vst v63  }
0x32: {  	_ = 	snop  }
0x33: {  	[hbm4b:s8+s2] =	stream.indirect_vreg.scatter [tilespmem:s29], [sflag:$0x1], $0x80, v3, vm0, $0xb8;
	[tilespmem:$0x10080] =	vst v63  }
0x34: {  	v3 =	vld [tilespmem:$0x10];
	_ =	sdelay $0x4  }
0x35: {  	v57 =	vshll.u32 v3, $0x3  }
0x36: {  	v3 =	vand.u32 $0x7, v3;
	v4 =	vand.u32 $0xFFFFFFC0, v57  }
0x37: {  	v3 =	vor.u32 v3, v4  }
0x38: {  	v4 =	vperm.xlane v3, v0;
	_ =	sdelay $0x1  }
0x39: {  	v4 =	vadd.s32 v1, v4;
	_ =	sdelay $0x4  }
0x3a: {  	[hbm4b:s4+s2] =	stream.indirect_vreg.scatter [tilespmem:s30], [sflag:$0x1], $0x80, v4, vm0, $0xb8;
	[tilespmem:$0x10080] =	vst v63  }
0x3b: {  	v3 =	vperm.xlane v3, v2  }
0x3c: {  	[hbm4b:s6+s2] =	stream.indirect_vreg.scatter [tilespmem:s31], [sflag:$0x1], $0x80, v4, vm0, $0xb8;
	[tilespmem:$0x10080] =	vst v63  }
0x3d: {  	s1 =	simm.s32 $0x5080;
	v3 =	vadd.s32 v1, v3  }
0x3e: {  	[hbm4b:s7+s2] =	stream.indirect_vreg.scatter [tilespmem:s1], [sflag:$0x1], $0x80, v4, vm0, $0xb8;
	[tilespmem:$0x10080] =	vst v63  }
0x3f: {  	s0 =	simm.s32 $0x5880  }
0x40: {  	[hbm4b:s8+s2] =	stream.indirect_vreg.scatter [tilespmem:s0], [sflag:$0x1], $0x80, v4, vm0, $0xb8;
	[tilespmem:$0x10080] =	vst v63  }
0x41: {  	_ = 	snop  }
0x42: {  	[hbm4b:s4+s2] =	stream.indirect_vreg.scatter [tilespmem:s5], [sflag:$0x1], $0x80, v3, vm0, $0xb8;
	[tilespmem:$0x10080] =	vst v63  }
0x43: {  	_ = 	snop  }
0x44: {  	[hbm4b:s6+s2] =	stream.indirect_vreg.scatter [tilespmem:s12], [sflag:$0x1], $0x80, v3, vm0, $0xb8;
	[tilespmem:$0x10080] =	vst v63  }
0x45: {  	_ = 	snop  }
0x46: {  	[hbm4b:s7+s2] =	stream.indirect_vreg.scatter [tilespmem:s13], [sflag:$0x1], $0x80, v3, vm0, $0xb8;
	[tilespmem:$0x10080] =	vst v63  }
0x47: {  	_ = 	snop  }
0x48: {  	[hbm4b:s8+s2] =	stream.indirect_vreg.scatter [tilespmem:s14], [sflag:$0x1], $0x80, v3, vm0, $0xb8;
	[tilespmem:$0x10080] =	vst v63  }
0x49: {  	v3 =	vld [tilespmem:$0x20];
	_ =	sdelay $0x4  }
0x4a: {  	v58 =	vshll.u32 v3, $0x3  }
0x4b: {  	v3 =	vand.u32 $0x7, v3;
	v4 =	vand.u32 $0xFFFFFFC0, v58  }
0x4c: {  	v3 =	vor.u32 v3, v4  }
0x4d: {  	v4 =	vperm.xlane v3, v0;
	_ =	sdelay $0x1  }
0x4e: {  	v4 =	vadd.s32 v1, v4;
	_ =	sdelay $0x4  }
0x4f: {  	[hbm4b:s4+s2] =	stream.indirect_vreg.scatter [tilespmem:s15], [sflag:$0x1], $0x80, v4, vm0, $0xb8;
	[tilespmem:$0x10080] =	vst v63  }
0x50: {  	v3 =	vperm.xlane v3, v2  }
0x51: {  	[hbm4b:s6+s2] =	stream.indirect_vreg.scatter [tilespmem:s16], [sflag:$0x1], $0x80, v4, vm0, $0xb8;
	[tilespmem:$0x10080] =	vst v63  }
0x52: {  	v3 =	vadd.s32 v1, v3  }
0x53: {  	[hbm4b:s7+s2] =	stream.indirect_vreg.scatter [tilespmem:s17], [sflag:$0x1], $0x80, v4, vm0, $0xb8;
	[tilespmem:$0x10080] =	vst v63  }
0x54: {  	_ = 	snop  }
0x55: {  	[hbm4b:s8+s2] =	stream.indirect_vreg.scatter [tilespmem:s18], [sflag:$0x1], $0x80, v4, vm0, $0xb8;
	[tilespmem:$0x10080] =	vst v63  }
0x56: {  	_ = 	snop  }
0x57: {  	[hbm4b:s4+s2] =	stream.indirect_vreg.scatter [tilespmem:s19], [sflag:$0x1], $0x80, v3, vm0, $0xb8;
	[tilespmem:$0x10080] =	vst v63  }
0x58: {  	_ = 	snop  }
0x59: {  	[hbm4b:s6+s2] =	stream.indirect_vreg.scatter [tilespmem:s20], [sflag:$0x1], $0x80, v3, vm0, $0xb8;
	[tilespmem:$0x10080] =	vst v63  }
0x5a: {  	_ = 	snop  }
0x5b: {  	[hbm4b:s7+s2] =	stream.indirect_vreg.scatter [tilespmem:s11], [sflag:$0x1], $0x80, v3, vm0, $0xb8;
	[tilespmem:$0x10080] =	vst v63  }
0x5c: {  	s21 =	simm.s32 $0xB880  }
0x5d: {  	[hbm4b:s8+s2] =	stream.indirect_vreg.scatter [tilespmem:s21], [sflag:$0x1], $0x80, v3, vm0, $0xb8;
	[tilespmem:$0x10080] =	vst v63  }
0x5e: {  	v3 =	vld [tilespmem:$0x30];
	_ =	sdelay $0x4  }
0x5f: {  	v59 =	vshll.u32 v3, $0x3  }
0x60: {  	v3 =	vand.u32 $0x7, v3;
	v4 =	vand.u32 $0xFFFFFFC0, v59  }
0x61: {  	v3 =	vor.u32 v3, v4  }
0x62: {  	v4 =	vperm.xlane v3, v0;
	_ =	sdelay $0x1  }
0x63: {  	v4 =	vadd.s32 v1, v4;
	_ =	sdelay $0x3  }
0x64: {  	s21 =	simm.s32 $0xC080  }
0x65: {  	[hbm4b:s4+s2] =	stream.indirect_vreg.scatter [tilespmem:s21], [sflag:$0x1], $0x80, v4, vm0, $0xb8;
	[tilespmem:$0x10080] =	vst v63  }
0x66: {  	v3 =	vperm.xlane v3, v2;
	s21 =	simm.s32 $0xC880  }
0x67: {  	[hbm4b:s6+s2] =	stream.indirect_vreg.scatter [tilespmem:s21], [sflag:$0x1], $0x80, v4, vm0, $0xb8;
	[tilespmem:$0x10080] =	vst v63  }
0x68: {  	v3 =	vadd.s32 v1, v3;
	s21 =	simm.s32 $0xD080  }
0x69: {  	[hbm4b:s7+s2] =	stream.indirect_vreg.scatter [tilespmem:s21], [sflag:$0x1], $0x80, v4, vm0, $0xb8;
	[tilespmem:$0x10080] =	vst v63  }
0x6a: {  	s21 =	simm.s32 $0xD880  }
0x6b: {  	[hbm4b:s8+s2] =	stream.indirect_vreg.scatter [tilespmem:s21], [sflag:$0x1], $0x80, v4, vm0, $0xb8;
	[tilespmem:$0x10080] =	vst v63  }
0x6c: {  	s21 =	simm.s32 $0xE080  }
0x6d: {  	[hbm4b:s4+s2] =	stream.indirect_vreg.scatter [tilespmem:s21], [sflag:$0x1], $0x80, v3, vm0, $0xb8;
	[tilespmem:$0x10080] =	vst v63  }
0x6e: {  	s21 =	simm.s32 $0xE880  }
0x6f: {  	[hbm4b:s6+s2] =	stream.indirect_vreg.scatter [tilespmem:s21], [sflag:$0x1], $0x80, v3, vm0, $0xb8;
	[tilespmem:$0x10080] =	vst v63  }
0x70: {  	s21 =	simm.s32 $0xF080  }
0x71: {  	[hbm4b:s7+s2] =	stream.indirect_vreg.scatter [tilespmem:s21], [sflag:$0x1], $0x80, v3, vm0, $0xb8;
	[tilespmem:$0x10080] =	vst v63  }
0x72: {  	s0 =	simm.s32 $0x1;
	s21 =	simm.s32 $0xF880  }
0x73: {  	[hbm4b:s8+s2] =	stream.indirect_vreg.scatter [tilespmem:s21], [sflag:$0x1], $0x80, v3, vm0, $0xb8;
	[tilespmem:$0x10080] =	vst v63  }
0x74: {  	_ =	swait.ge [sflag:s0], $0x10000  }
0x75: {  	[sflag:s0] =	ssyncset.done $0x0  }
0x76: {  	s21 =	rddreg [dreg:$0x4];
	[sflag:s0] =	ssyncadd.s32 $0xFFFF0000  }
0x77: {  	[tilespmem:s2], [sflag:$0x2] =	stream.linear.gather [hbm4b:s21+s2], $0x40, $0x38;
	[tilespmem:$0x10080] =	vst v63  }
0x78: {  	_ =	swait.ge [sflag:s10], $0x40  }
0x79: {  	[sflag:s10] =	ssyncset.done $0x0  }
0x7a: {  	s21 =	rddreg [dreg:$0x5];
	[sflag:s10] =	ssyncadd.s32 $0xFFFFFFC0  }
0x7b: {  	[tilespmem:s3], [sflag:$0x2] =	stream.linear.gather [hbm4b:s21+s2], $0x10000, $0x38;
	[tilespmem:$0x10080] =	vst v63  }
0x7c: {  	_ =	swait.ge [sflag:s10], $0x10000  }
0x7d: {  	[sflag:s10] =	ssyncset.done $0x0  }
0x7e: {  	[sflag:s10] =	ssyncadd.s32 $0xFFFF0000  }
0x7f: {  	v3 =	vld [tilespmem:$0x0];
	_ =	sdelay $0x4  }
0x80: {  	v60 =	vshll.u32 v3, $0x3  }
0x81: {  	v3 =	vand.u32 $0x7, v3;
	v4 =	vand.u32 $0xFFFFFFC0, v60  }
0x82: {  	v3 =	vor.u32 v3, v4  }
0x83: {  	v4 =	vperm.xlane v3, v0;
	_ =	sdelay $0x1  }
0x84: {  	v4 =	vadd.s32 v1, v4;
	_ =	sdelay $0x4  }
0x85: {  	[hbm4b:s4+s2] =	stream.indirect_vreg.scatter [tilespmem:s3], [sflag:$0x1], $0x80, v4, vm0, $0xb8;
	[tilespmem:$0x10080] =	vst v63  }
0x86: {  	v3 =	vperm.xlane v3, v2  }
0x87: {  	[hbm4b:s6+s2] =	stream.indirect_vreg.scatter [tilespmem:s22], [sflag:$0x1], $0x80, v4, vm0, $0xb8;
	[tilespmem:$0x10080] =	vst v63  }
0x88: {  	v3 =	vadd.s32 v1, v3  }
0x89: {  	[hbm4b:s7+s2] =	stream.indirect_vreg.scatter [tilespmem:s23], [sflag:$0x1], $0x80, v4, vm0, $0xb8;
	[tilespmem:$0x10080] =	vst v63  }
0x8a: {  	_ = 	snop  }
0x8b: {  	[hbm4b:s8+s2] =	stream.indirect_vreg.scatter [tilespmem:s24], [sflag:$0x1], $0x80, v4, vm0, $0xb8;
	[tilespmem:$0x10080] =	vst v63  }
0x8c: {  	_ = 	snop  }
0x8d: {  	[hbm4b:s4+s2] =	stream.indirect_vreg.scatter [tilespmem:s25], [sflag:$0x1], $0x80, v3, vm0, $0xb8;
	[tilespmem:$0x10080] =	vst v63  }
0x8e: {  	_ = 	snop  }
0x8f: {  	[hbm4b:s6+s2] =	stream.indirect_vreg.scatter [tilespmem:s26], [sflag:$0x1], $0x80, v3, vm0, $0xb8;
	[tilespmem:$0x10080] =	vst v63  }
0x90: {  	_ = 	snop  }
0x91: {  	[hbm4b:s7+s2] =	stream.indirect_vreg.scatter [tilespmem:s28], [sflag:$0x1], $0x80, v3, vm0, $0xb8;
	[tilespmem:$0x10080] =	vst v63  }
0x92: {  	_ = 	snop  }
0x93: {  	[hbm4b:s8+s2] =	stream.indirect_vreg.scatter [tilespmem:s29], [sflag:$0x1], $0x80, v3, vm0, $0xb8;
	[tilespmem:$0x10080] =	vst v63  }
0x94: {  	v3 =	vld [tilespmem:$0x10];
	_ =	sdelay $0x4  }
0x95: {  	v61 =	vshll.u32 v3, $0x3  }
0x96: {  	v3 =	vand.u32 $0x7, v3;
	v4 =	vand.u32 $0xFFFFFFC0, v61  }
0x97: {  	v3 =	vor.u32 v3, v4  }
0x98: {  	v4 =	vperm.xlane v3, v0;
	_ =	sdelay $0x1  }
0x99: {  	v4 =	vadd.s32 v1, v4;
	_ =	sdelay $0x4  }
0x9a: {  	[hbm4b:s4+s2] =	stream.indirect_vreg.scatter [tilespmem:s30], [sflag:$0x1], $0x80, v4, vm0, $0xb8;
	[tilespmem:$0x10080] =	vst v63  }
0x9b: {  	v3 =	vperm.xlane v3, v2  }
0x9c: {  	[hbm4b:s6+s2] =	stream.indirect_vreg.scatter [tilespmem:s31], [sflag:$0x1], $0x80, v4, vm0, $0xb8;
	[tilespmem:$0x10080] =	vst v63  }
0x9d: {  	v3 =	vadd.s32 v1, v3  }
0x9e: {  	[hbm4b:s7+s2] =	stream.indirect_vreg.scatter [tilespmem:s1], [sflag:$0x1], $0x80, v4, vm0, $0xb8;
	[tilespmem:$0x10080] =	vst v63  }
0x9f: {  	s21 =	simm.s32 $0x5880  }
0xa0: {  	[hbm4b:s8+s2] =	stream.indirect_vreg.scatter [tilespmem:s21], [sflag:$0x1], $0x80, v4, vm0, $0xb8;
	[tilespmem:$0x10080] =	vst v63  }
0xa1: {  	_ = 	snop  }
0xa2: {  	[hbm4b:s4+s2] =	stream.indirect_vreg.scatter [tilespmem:s5], [sflag:$0x1], $0x80, v3, vm0, $0xb8;
	[tilespmem:$0x10080] =	vst v63  }
0xa3: {  	_ = 	snop  }
0xa4: {  	[hbm4b:s6+s2] =	stream.indirect_vreg.scatter [tilespmem:s12], [sflag:$0x1], $0x80, v3, vm0, $0xb8;
	[tilespmem:$0x10080] =	vst v63  }
0xa5: {  	_ = 	snop  }
0xa6: {  	[hbm4b:s7+s2] =	stream.indirect_vreg.scatter [tilespmem:s13], [sflag:$0x1], $0x80, v3, vm0, $0xb8;
	[tilespmem:$0x10080] =	vst v63  }
0xa7: {  	_ = 	snop  }
0xa8: {  	[hbm4b:s8+s2] =	stream.indirect_vreg.scatter [tilespmem:s14], [sflag:$0x1], $0x80, v3, vm0, $0xb8;
	[tilespmem:$0x10080] =	vst v63  }
0xa9: {  	v3 =	vld [tilespmem:$0x20];
	_ =	sdelay $0x4  }
0xaa: {  	v62 =	vshll.u32 v3, $0x3  }
0xab: {  	v3 =	vand.u32 $0x7, v3;
	v4 =	vand.u32 $0xFFFFFFC0, v62  }
0xac: {  	v3 =	vor.u32 v3, v4  }
0xad: {  	v4 =	vperm.xlane v3, v0;
	_ =	sdelay $0x1  }
0xae: {  	v4 =	vadd.s32 v1, v4;
	_ =	sdelay $0x4  }
0xaf: {  	[hbm4b:s4+s2] =	stream.indirect_vreg.scatter [tilespmem:s15], [sflag:$0x1], $0x80, v4, vm0, $0xb8;
	[tilespmem:$0x10080] =	vst v63  }
0xb0: {  	v3 =	vperm.xlane v3, v2  }
0xb1: {  	[hbm4b:s6+s2] =	stream.indirect_vreg.scatter [tilespmem:s16], [sflag:$0x1], $0x80, v4, vm0, $0xb8;
	[tilespmem:$0x10080] =	vst v63  }
0xb2: {  	v3 =	vadd.s32 v1, v3  }
0xb3: {  	[hbm4b:s7+s2] =	stream.indirect_vreg.scatter [tilespmem:s17], [sflag:$0x1], $0x80, v4, vm0, $0xb8;
	[tilespmem:$0x10080] =	vst v63  }
0xb4: {  	_ = 	snop  }
0xb5: {  	[hbm4b:s8+s2] =	stream.indirect_vreg.scatter [tilespmem:s18], [sflag:$0x1], $0x80, v4, vm0, $0xb8;
	[tilespmem:$0x10080] =	vst v63  }
0xb6: {  	_ = 	snop  }
0xb7: {  	[hbm4b:s4+s2] =	stream.indirect_vreg.scatter [tilespmem:s19], [sflag:$0x1], $0x80, v3, vm0, $0xb8;
	[tilespmem:$0x10080] =	vst v63  }
0xb8: {  	_ = 	snop  }
0xb9: {  	[hbm4b:s6+s2] =	stream.indirect_vreg.scatter [tilespmem:s20], [sflag:$0x1], $0x80, v3, vm0, $0xb8;
	[tilespmem:$0x10080] =	vst v63  }
0xba: {  	_ = 	snop  }
0xbb: {  	[hbm4b:s7+s2] =	stream.indirect_vreg.scatter [tilespmem:s11], [sflag:$0x1], $0x80, v3, vm0, $0xb8;
	[tilespmem:$0x10080] =	vst v63  }
0xbc: {  	s21 =	simm.s32 $0xB880  }
0xbd: {  	[hbm4b:s8+s2] =	stream.indirect_vreg.scatter [tilespmem:s21], [sflag:$0x1], $0x80, v3, vm0, $0xb8;
	[tilespmem:$0x10080] =	vst v63  }
0xbe: {  	v3 =	vld [tilespmem:$0x30];
	_ =	sdelay $0x4  }
0xbf: {  	v63 =	vshll.u32 v3, $0x3  }
0xc0: {  	v3 =	vand.u32 $0x7, v3;
	v4 =	vand.u32 $0xFFFFFFC0, v63  }
0xc1: {  	v3 =	vor.u32 v3, v4  }
0xc2: {  	v4 =	vperm.xlane v3, v0;
	_ =	sdelay $0x1  }
0xc3: {  	v4 =	vadd.s32 v1, v4;
	_ =	sdelay $0x3  }
0xc4: {  	s21 =	simm.s32 $0xC080  }
0xc5: {  	[hbm4b:s4+s2] =	stream.indirect_vreg.scatter [tilespmem:s21], [sflag:$0x1], $0x80, v4, vm0, $0xb8;
	[tilespmem:$0x10080] =	vst v63  }
0xc6: {  	v3 =	vperm.xlane v3, v2;
	s21 =	simm.s32 $0xC880  }
0xc7: {  	[hbm4b:s6+s2] =	stream.indirect_vreg.scatter [tilespmem:s21], [sflag:$0x1], $0x80, v4, vm0, $0xb8;
	[tilespmem:$0x10080] =	vst v63  }
0xc8: {  	v3 =	vadd.s32 v1, v3;
	s21 =	simm.s32 $0xD080  }
0xc9: {  	[hbm4b:s7+s2] =	stream.indirect_vreg.scatter [tilespmem:s21], [sflag:$0x1], $0x80, v4, vm0, $0xb8;
	[tilespmem:$0x10080] =	vst v63  }
0xca: {  	s21 =	simm.s32 $0xD880  }
0xcb: {  	[hbm4b:s8+s2] =	stream.indirect_vreg.scatter [tilespmem:s21], [sflag:$0x1], $0x80, v4, vm0, $0xb8;
	[tilespmem:$0x10080] =	vst v63  }
0xcc: {  	s21 =	simm.s32 $0xE080  }
0xcd: {  	[hbm4b:s4+s2] =	stream.indirect_vreg.scatter [tilespmem:s21], [sflag:$0x1], $0x80, v3, vm0, $0xb8;
	[tilespmem:$0x10080] =	vst v63  }
0xce: {  	s21 =	simm.s32 $0xE880  }
0xcf: {  	[hbm4b:s6+s2] =	stream.indirect_vreg.scatter [tilespmem:s21], [sflag:$0x1], $0x80, v3, vm0, $0xb8;
	[tilespmem:$0x10080] =	vst v63  }
0xd0: {  	p0 =	sne.s32 s9, $0x1;
	s21 =	simm.s32 $0xF080  }
0xd1: {  	[hbm4b:s7+s2] =	stream.indirect_vreg.scatter [tilespmem:s21], [sflag:$0x1], $0x80, v3, vm0, $0xb8;
	[tilespmem:$0x10080] =	vst v63  }
.Ltmp0:
0xd2: {  	s21 =	simm.s32 $0xF880;
	(pc) =	sbr.rel @p0 .LBB2_1-.Ltmp0, $4  }
0xd3: {  	[hbm4b:s8+s2] =	stream.indirect_vreg.scatter [tilespmem:s21], [sflag:$0x1], $0x80, v3, vm0, $0xb8;
	[tilespmem:$0x10080] =	vst v63  }
0xd4: {  	_ =	swait.ge [sflag:s0], $0x10000  }
0xd5: {  	[sflag:s0] =	ssyncset.done $0x0  }
0xd6: {  	s9 =	sadd.s32 $0xFFFFFFFF, s9;
	[sflag:s0] =	ssyncadd.s32 $0xFFFF0000  }
0xd7: {  	_ =	sfence.sel $0x180000  }
0xd8: {  	[bflag:$0x0] =	sbarrier.arrive $0xFFFF  }
0xd9: {  	_ =	strace $0x90000047  }
0xda: {  	s0 =	stileid.u32;
	[bflag:$0x2] =	sbarrier.arrive $0xFFFF  }
0xdb: {  	p0 =	sne.s32 s0, $0x0;
	s0 =	rddreg [dreg:$0x2]  }
0xdc: {  	s0 =	sadd.s32 @!p0 $0x100000, s0  }
0xdd: {  	[sflag:s0] =	ssyncadd.tile.s32 @!p0 $0x1;
	_ =	shalt  }
.Lfunc_end2:
_tile_overlayer_lowered:
.L_overlay_start_2:
0xde: {  	(tag) =	ssettag $0x2  }
0xdf: {  	s0 =	rddreg [dreg:$0x0];
	s2 =	stileid.u32  }
0xe0: {  	s1 =	rddreg [dreg:$0x1];
	p0 =	sne.s32 s2, $0x0  }
0xe1: {  	s3 =	rddreg [dreg:$0x2];
	[bflag:$0x3] =	sbarrier.arrive $0xFFFF;
	s2 =	simm.s32 @!p0 $0x1C02  }
0xe2: {  	[timem:s3], [sflag:s2] =	dma.local @!p0 [hbm:s0], s1  }
0xe3: {  	s0 =	simm.s32 @!p0 $0x2  }
0xe4: {  	_ =	swait.ge @!p0 [sflag:s0], s1  }
0xe5: {  	s1 =	ssub.s32 @!p0 $0x0, s1;
	[sflag:s0] =	ssyncset.done @!p0 $0x0  }
0xe6: {  	[sflag:s0] =	ssyncadd.s32 @!p0 s1  }
0xe7: {  	[bflag:$0x3] =	sbarrier.arrive $0xFFFF  }
0xe8: {  	_ =	shalt  }

</sc_bundles>
